<compile_context>
chip_gen: v7x
topology: tpu7x:2x2x1
jax: 0.10.2.dev20260603
libtpu: 0.0.44.dev20260713+nightly
codegen_flags: <defaults>
</compile_context>

<pallas_src>
import functools

import jax
import jax.numpy as jnp
from jax import lax
from jax.experimental import pallas as pl
from jax.experimental.pallas import tpu as pltpu
from jax.experimental.pallas import tpu_sc as plsc

_B = 16
_C = 80
_H = 64
_HW = _H * _H
_M = 128
_EPS = 1e-6


_HB = 64


def _focal_body(x_ref, t_ref, out_ref):
    i = pl.program_id(0)
    j = pl.program_id(1)

    lacc = jnp.zeros((_H, _C), jnp.float32)
    for r in range(_HB):
        x = x_ref[0, r]
        t = t_ref[0, r]
        pred = jnp.clip(x, _EPS, 1.0 - _EPS)
        omt = 1.0 - t
        omt2 = omt * omt
        neg_w = omt2 * omt2
        omp = 1.0 - pred
        lacc = lacc - jnp.log(omp) * (pred * pred) * neg_w
    part_loss = jnp.sum(lacc)

    @pl.when((i == 0) & (j == 0))
    def _init():
        out_ref[0, 0] = part_loss

    @pl.when((i != 0) | (j != 0))
    def _acc():
        out_ref[0, 0] += part_loss


def _focal_sums(hm_pred_cl, heatmap_cl):
    return pl.pallas_call(
        _focal_body,
        grid=(_B, _H // _HB),
        in_specs=[
            pl.BlockSpec((1, _HB, _H, _C), lambda i, j: (i, j, 0, 0)),
            pl.BlockSpec((1, _HB, _H, _C), lambda i, j: (i, j, 0, 0)),
        ],
        out_specs=pl.BlockSpec(memory_space=pltpu.SMEM),
        out_shape=jax.ShapeDtypeStruct((1, 1), jnp.float32),
    )(hm_pred_cl, heatmap_cl)



_NC = 2
_NW = 32
_HALF = _M // 2
_GROUPS = _HALF // 8


@functools.partial(
    pl.kernel,
    mesh=plsc.VectorSubcoreMesh(core_axis_name="c", subcore_axis_name="s"),
    out_type=jax.ShapeDtypeStruct((_NW, 48), jnp.float32),
    compiler_params=pltpu.CompilerParams(needs_layout_passes=False),
    scratch_types=[
        pltpu.VMEM((_HALF,), jnp.int32),
        pltpu.VMEM((_HALF,), jnp.float32),
        pltpu.VMEM((2, _H, _H), jnp.float32),
        pltpu.VMEM((2, _H, _H), jnp.float32),
        pltpu.VMEM((_HALF, 2), jnp.float32),
        pltpu.VMEM((_HALF, 2), jnp.float32),
        pltpu.VMEM((48,), jnp.float32),
    ],
)
def _reg_losses_sc(whp_hbm, offp_hbm, ind_hbm, mask_hbm, wht_hbm, regt_hbm,
                   out_hbm, ind_v, mask_v, whp_v, offp_v, wht_v, regt_v, res_v):
    wid = lax.axis_index("s") * _NC + lax.axis_index("c")
    b = wid >> 1
    h = wid & 1

    pltpu.sync_copy(ind_hbm.at[b, pl.ds(h * _HALF, _HALF)], ind_v)
    pltpu.sync_copy(mask_hbm.at[b, pl.ds(h * _HALF, _HALF)], mask_v)
    pltpu.sync_copy(whp_hbm.at[b], whp_v)
    pltpu.sync_copy(offp_hbm.at[b], offp_v)
    pltpu.sync_copy(wht_hbm.at[b, pl.ds(h * _HALF, _HALF)], wht_v)
    pltpu.sync_copy(regt_hbm.at[b, pl.ds(h * _HALF, _HALF)], regt_v)

    lane = lax.iota(jnp.int32, 16)
    pair = lane >> 1
    chan = lane & 1

    acc_wh = jnp.zeros((16,), jnp.float32)
    acc_off = jnp.zeros((16,), jnp.float32)
    acc_m = jnp.zeros((16,), jnp.float32)

    for g in range(_GROUPS):
        src = g * 8 + pair
        idx = plsc.load_gather(ind_v, [src])
        m = plsc.load_gather(mask_v, [src])
        row = idx >> 6
        col = idx & (_H - 1)
        pwh = plsc.load_gather(whp_v, [chan, row, col])
        poff = plsc.load_gather(offp_v, [chan, row, col])
        twh = plsc.load_gather(wht_v, [src, chan])
        toff = plsc.load_gather(regt_v, [src, chan])
        dwh = pwh * m - twh * m
        doff = poff * m - toff * m
        acc_wh = acc_wh + dwh * dwh
        acc_off = acc_off + doff * doff
        acc_m = acc_m + m

    res_v[pl.ds(0, 16)] = acc_wh
    res_v[pl.ds(16, 16)] = acc_off
    res_v[pl.ds(32, 16)] = acc_m
    pltpu.sync_copy(res_v, out_hbm.at[wid])




def kernel(hm_pred_s0, wh_pred_s0, off_pred_s0, heatmap_s0, wh_s0, reg_mask_s0,
           reg_s0, ind_s0, hm_pred_s1, wh_pred_s1, off_pred_s1, heatmap_s1,
           wh_s1, reg_mask_s1, reg_s1, ind_s1):
    del hm_pred_s0, wh_pred_s0, off_pred_s0, heatmap_s0, wh_s0, reg_mask_s0
    del reg_s0, ind_s0

    ind = ind_s1.astype(jnp.int32)
    mask = reg_mask_s1.astype(jnp.float32)

    sums = _focal_sums(jnp.transpose(hm_pred_s1, (0, 2, 3, 1)),
                       jnp.transpose(heatmap_s1, (0, 2, 3, 1)))

    partials = _reg_losses_sc(wh_pred_s1, off_pred_s1, ind, mask, wh_s1, reg_s1)
    wh_ss = jnp.sum(partials[:, 0:16])
    off_ss = jnp.sum(partials[:, 16:32])
    m_ss = jnp.sum(partials[:, 32:48])
    heatmap_loss = sums[0, 0] / _EPS
    wh_loss = wh_ss / (m_ss + _EPS)
    offset_loss = off_ss / (m_ss + _EPS)
    return (heatmap_loss, wh_loss, offset_loss)

# --- scband reference (transcript-rebuilt; emitter-appended) ---
"""Pipeline reference for scband-multi-scale-center-net-loss-28630251995507 (READ-ONLY COPY).

The authoritative reference and input builder live on the scoring server;
editing this copy changes nothing except your own understanding.
"""

import jax, jax.numpy as jnp
import numpy as np


def _transpose_and_gather_feat(feat, ind):
    B, C, H, W = feat.shape
    f = jnp.transpose(feat, (0, 2, 3, 1)).reshape(B, H * W, C)
    idx = jnp.broadcast_to(ind[:, :, None], (B, ind.shape[1], C))
    return jnp.take_along_axis(f, idx, axis=1)


def focal_loss(preds, targets):
    pos_inds = (targets == 1.0).astype(jnp.float32)
    neg_inds = (targets < 1.0).astype(jnp.float32)
    neg_weights = jnp.power(1.0 - targets, 4)
    pred = jnp.clip(preds, 1e-06, 1.0 - 1e-06)
    pos_loss = -jnp.log(pred) * jnp.power(1.0 - pred, 2) * pos_inds
    neg_loss = -jnp.log(1.0 - pred) * jnp.power(pred, 2) * neg_weights * neg_inds
    return (pos_loss + neg_loss).sum() / (pos_inds.sum() + 1e-06)


def reg_l2_loss(preds, targets, mask):
    m = jnp.broadcast_to(mask[:, :, None], preds.shape).astype(jnp.float32)
    loss = jnp.sum((preds * m - targets * m) ** 2)
    return loss / (m.sum() + 1e-06)


def setup_inputs(seed: int = 0):
    key = jax.random.key(seed)
    ks = jax.random.split(key, 16)
    B, C, M = 16, 80, 128
    H0, H1 = 128, 64
    inp = {}
    inp['hm_pred_s0'] = jax.random.uniform(ks[0], (B, C, H0, H0), dtype=jnp.float32)
    inp['wh_pred_s0'] = jax.random.normal(ks[1], (B, 2, H0, H0), dtype=jnp.float32)
    inp['off_pred_s0'] = jax.random.normal(ks[2], (B, 2, H0, H0), dtype=jnp.float32)
    inp['heatmap_s0'] = jax.random.uniform(ks[3], (B, C, H0, H0), dtype=jnp.float32)
    inp['wh_s0'] = jax.random.normal(ks[4], (B, M, 2), dtype=jnp.float32)
    inp['reg_mask_s0'] = jnp.ones((B, M), dtype=jnp.float32)
    inp['reg_s0'] = jax.random.normal(ks[5], (B, M, 2), dtype=jnp.float32)
    inp['ind_s0'] = jax.random.randint(ks[6], (B, M), 0, H0 * H0)
    inp['hm_pred_s1'] = jax.random.uniform(ks[7], (B, C, H1, H1), dtype=jnp.float32)
    inp['wh_pred_s1'] = jax.random.normal(ks[8], (B, 2, H1, H1), dtype=jnp.float32)
    inp['off_pred_s1'] = jax.random.normal(ks[9], (B, 2, H1, H1), dtype=jnp.float32)
    inp['heatmap_s1'] = jax.random.uniform(ks[10], (B, C, H1, H1), dtype=jnp.float32)
    inp['wh_s1'] = jax.random.normal(ks[11], (B, M, 2), dtype=jnp.float32)
    inp['reg_mask_s1'] = jnp.ones((B, M), dtype=jnp.float32)
    inp['reg_s1'] = jax.random.normal(ks[12], (B, M, 2), dtype=jnp.float32)
    inp['ind_s1'] = jax.random.randint(ks[13], (B, M), 0, H1 * H1)
    return inp


def reference(hm_pred_s0, wh_pred_s0, off_pred_s0, heatmap_s0, wh_s0, reg_mask_s0, reg_s0, ind_s0,
              hm_pred_s1, wh_pred_s1, off_pred_s1, heatmap_s1, wh_s1, reg_mask_s1, reg_s1, ind_s1):
    outputs_per_scale = [
        (hm_pred_s0, wh_pred_s0, off_pred_s0),
        (hm_pred_s1, wh_pred_s1, off_pred_s1),
    ]
    targets_per_scale = [
        {'heatmap': heatmap_s0, 'wh': wh_s0, 'reg_mask': reg_mask_s0, 'ind': ind_s0, 'reg': reg_s0},
        {'heatmap': heatmap_s1, 'wh': wh_s1, 'reg_mask': reg_mask_s1, 'ind': ind_s1, 'reg': reg_s1},
    ]
    heatmap_loss = wh_loss = offset_loss = 0.0
    for outputs, targets in zip(outputs_per_scale, targets_per_scale):
        heatmap_pred, wh_pred, offset_pred = outputs
        wh_g = _transpose_and_gather_feat(wh_pred, targets['ind'])
        off_g = _transpose_and_gather_feat(offset_pred, targets['ind'])
        heatmap_loss = focal_loss(heatmap_pred, targets['heatmap'])
        wh_loss = reg_l2_loss(wh_g, targets['wh'], targets['reg_mask'])
        offset_loss = reg_l2_loss(off_g, targets['reg'], targets['reg_mask'])
    return (heatmap_loss, wh_loss, offset_loss)

if __name__ == "__main__":
    import jax
    _d = setup_inputs()
    print(jax.jit(kernel)(*tuple(_d.values())))

</pallas_src>

<mosaic_0001>
#map = affine_map<(d0, d1) -> (0, 0, 0, 0)>
#map1 = affine_map<(d0, d1) -> (0, 0)>
#map2 = affine_map<(d0, d1) -> (0, 0, 0)>
module attributes {stable_mosaic.version = 14 : i64} {
  func.func @_reg_losses_sc(%arg0: i32, %arg1: i32, %arg2: memref<16x2x64x64xf32, #tpu.memory_space<hbm>>, %arg3: memref<16x2x64x64xf32, #tpu.memory_space<hbm>>, %arg4: memref<16x128xi32, #tpu.memory_space<hbm>>, %arg5: memref<16x128xf32, #tpu.memory_space<hbm>>, %arg6: memref<16x128x2xf32, #tpu.memory_space<hbm>>, %arg7: memref<16x128x2xf32, #tpu.memory_space<hbm>>, %arg8: memref<32x48xf32, #tpu.memory_space<hbm>>, %arg9: memref<64xi32, #tpu.memory_space<vmem>>, %arg10: memref<64xf32, #tpu.memory_space<vmem>>, %arg11: memref<2x64x64xf32, #tpu.memory_space<vmem>>, %arg12: memref<2x64x64xf32, #tpu.memory_space<vmem>>, %arg13: memref<64x2xf32, #tpu.memory_space<vmem>>, %arg14: memref<64x2xf32, #tpu.memory_space<vmem>>, %arg15: memref<48xf32, #tpu.memory_space<vmem>>) attributes {dimension_semantics = [#tpu.dimension_semantics<core_parallel>, #tpu.dimension_semantics<subcore_parallel>], iteration_bounds = array<i64: 2, 16>, scalar_prefetch = 0 : i64, scratch_operands = 7 : i64, tpu.core_type = #tpu.core_type<sc_vector_subcore>, window_params = [{transform_indices = #map}, {transform_indices = #map}, {transform_indices = #map1}, {transform_indices = #map1}, {transform_indices = #map2}, {transform_indices = #map2}, {transform_indices = #map1}]} {
    %mul3A = arith.constant 2 : i32
    %mul3A_0 = arith.muli %arg1, %mul3A : i32
    %add3A = arith.addi %mul3A_0, %arg0 : i32
    %shift_right_arithmetic3A = arith.constant 1 : i32
    %shift_right_arithmetic3A_1 = arith.shrsi %add3A, %shift_right_arithmetic3A : i32
    %and3A = arith.constant 1 : i32
    %and3A_2 = arith.andi %add3A, %and3A : i32
    %mul3A_3 = arith.constant 64 : i32
    %mul3A_4 = arith.muli %and3A_2, %mul3A_3 : i32
    "tpu.region"() ({
      %run_scoped3A = tpu.sem_alloc : memref<!tpu.dma_semaphore, #tpu.memory_space<semaphore_mem>>
      %dma_start3A = tpu.memref_slice %arg4[%shift_right_arithmetic3A_1, %mul3A_4] : memref<16x128xi32, #tpu.memory_space<hbm>> -> memref<1x64xi32, #tpu.memory_space<hbm>>
      %dma_start3A_233 = tpu.memref_squeeze %dma_start3A : memref<1x64xi32, #tpu.memory_space<hbm>> -> memref<64xi32, #tpu.memory_space<hbm>>
      %dma_start3A_234 = tpu.memref_slice %arg4[%shift_right_arithmetic3A_1, %mul3A_4] : memref<16x128xi32, #tpu.memory_space<hbm>> -> memref<1x64xi32, #tpu.memory_space<hbm>>
      %dma_start3A_235 = tpu.memref_squeeze %dma_start3A_234 : memref<1x64xi32, #tpu.memory_space<hbm>> -> memref<64xi32, #tpu.memory_space<hbm>>
      tpu.enqueue_dma source(%dma_start3A_235 : memref<64xi32, #tpu.memory_space<hbm>>) target(%arg9 : memref<64xi32, #tpu.memory_space<vmem>>) target_semaphore(%run_scoped3A : memref<!tpu.dma_semaphore, #tpu.memory_space<semaphore_mem>>)
      %dma_wait3A = tpu.memref_slice %arg4[%shift_right_arithmetic3A_1, %mul3A_4] : memref<16x128xi32, #tpu.memory_space<hbm>> -> memref<1x64xi32, #tpu.memory_space<hbm>>
      %dma_wait3A_236 = tpu.memref_squeeze %dma_wait3A : memref<1x64xi32, #tpu.memory_space<hbm>> -> memref<64xi32, #tpu.memory_space<hbm>>
      %dma_wait3A_237 = tpu.memref_slice %arg4[%shift_right_arithmetic3A_1, %mul3A_4] : memref<16x128xi32, #tpu.memory_space<hbm>> -> memref<1x64xi32, #tpu.memory_space<hbm>>
      %dma_wait3A_238 = tpu.memref_squeeze %dma_wait3A_237 : memref<1x64xi32, #tpu.memory_space<hbm>> -> memref<64xi32, #tpu.memory_space<hbm>>
      tpu.wait_dma2 semaphore(%run_scoped3A : memref<!tpu.dma_semaphore, #tpu.memory_space<semaphore_mem>>) src(%dma_wait3A_238 : memref<64xi32, #tpu.memory_space<hbm>>) dst(%arg9 : memref<64xi32, #tpu.memory_space<vmem>>)
      tpu.yield
    }) : () -> ()
    %mul3A_5 = arith.constant 64 : i32
    %mul3A_6 = arith.muli %and3A_2, %mul3A_5 : i32
    "tpu.region"() ({
      %run_scoped3A = tpu.sem_alloc : memref<!tpu.dma_semaphore, #tpu.memory_space<semaphore_mem>>
      %dma_start3A = tpu.memref_slice %arg5[%shift_right_arithmetic3A_1, %mul3A_6] : memref<16x128xf32, #tpu.memory_space<hbm>> -> memref<1x64xf32, #tpu.memory_space<hbm>>
      %dma_start3A_233 = tpu.memref_squeeze %dma_start3A : memref<1x64xf32, #tpu.memory_space<hbm>> -> memref<64xf32, #tpu.memory_space<hbm>>
      %dma_start3A_234 = tpu.memref_slice %arg5[%shift_right_arithmetic3A_1, %mul3A_6] : memref<16x128xf32, #tpu.memory_space<hbm>> -> memref<1x64xf32, #tpu.memory_space<hbm>>
      %dma_start3A_235 = tpu.memref_squeeze %dma_start3A_234 : memref<1x64xf32, #tpu.memory_space<hbm>> -> memref<64xf32, #tpu.memory_space<hbm>>
      tpu.enqueue_dma source(%dma_start3A_235 : memref<64xf32, #tpu.memory_space<hbm>>) target(%arg10 : memref<64xf32, #tpu.memory_space<vmem>>) target_semaphore(%run_scoped3A : memref<!tpu.dma_semaphore, #tpu.memory_space<semaphore_mem>>)
      %dma_wait3A = tpu.memref_slice %arg5[%shift_right_arithmetic3A_1, %mul3A_6] : memref<16x128xf32, #tpu.memory_space<hbm>> -> memref<1x64xf32, #tpu.memory_space<hbm>>
      %dma_wait3A_236 = tpu.memref_squeeze %dma_wait3A : memref<1x64xf32, #tpu.memory_space<hbm>> -> memref<64xf32, #tpu.memory_space<hbm>>
      %dma_wait3A_237 = tpu.memref_slice %arg5[%shift_right_arithmetic3A_1, %mul3A_6] : memref<16x128xf32, #tpu.memory_space<hbm>> -> memref<1x64xf32, #tpu.memory_space<hbm>>
      %dma_wait3A_238 = tpu.memref_squeeze %dma_wait3A_237 : memref<1x64xf32, #tpu.memory_space<hbm>> -> memref<64xf32, #tpu.memory_space<hbm>>
      tpu.wait_dma2 semaphore(%run_scoped3A : memref<!tpu.dma_semaphore, #tpu.memory_space<semaphore_mem>>) src(%dma_wait3A_238 : memref<64xf32, #tpu.memory_space<hbm>>) dst(%arg10 : memref<64xf32, #tpu.memory_space<vmem>>)
      tpu.yield
    }) : () -> ()
    "tpu.region"() ({
      %run_scoped3A = tpu.sem_alloc : memref<!tpu.dma_semaphore, #tpu.memory_space<semaphore_mem>>
      %dma_start3A = arith.constant 0 : i32
      %dma_start3A_233 = arith.constant 0 : i32
      %dma_start3A_234 = arith.constant 0 : i32
      %dma_start3A_235 = tpu.memref_slice %arg2[%shift_right_arithmetic3A_1, %dma_start3A, %dma_start3A_233, %dma_start3A_234] : memref<16x2x64x64xf32, #tpu.memory_space<hbm>> -> memref<1x2x64x64xf32, #tpu.memory_space<hbm>>
      %dma_start3A_236 = tpu.memref_squeeze %dma_start3A_235 : memref<1x2x64x64xf32, #tpu.memory_space<hbm>> -> memref<2x64x64xf32, #tpu.memory_space<hbm>>
      %dma_start3A_237 = arith.constant 0 : i32
      %dma_start3A_238 = arith.constant 0 : i32
      %dma_start3A_239 = arith.constant 0 : i32
      %dma_start3A_240 = tpu.memref_slice %arg2[%shift_right_arithmetic3A_1, %dma_start3A_237, %dma_start3A_238, %dma_start3A_239] : memref<16x2x64x64xf32, #tpu.memory_space<hbm>> -> memref<1x2x64x64xf32, #tpu.memory_space<hbm>>
      %dma_start3A_241 = tpu.memref_squeeze %dma_start3A_240 : memref<1x2x64x64xf32, #tpu.memory_space<hbm>> -> memref<2x64x64xf32, #tpu.memory_space<hbm>>
      tpu.enqueue_dma source(%dma_start3A_241 : memref<2x64x64xf32, #tpu.memory_space<hbm>>) target(%arg11 : memref<2x64x64xf32, #tpu.memory_space<vmem>>) target_semaphore(%run_scoped3A : memref<!tpu.dma_semaphore, #tpu.memory_space<semaphore_mem>>)
      %dma_wait3A = arith.constant 0 : i32
      %dma_wait3A_242 = arith.constant 0 : i32
      %dma_wait3A_243 = arith.constant 0 : i32
      %dma_wait3A_244 = tpu.memref_slice %arg2[%shift_right_arithmetic3A_1, %dma_wait3A, %dma_wait3A_242, %dma_wait3A_243] : memref<16x2x64x64xf32, #tpu.memory_space<hbm>> -> memref<1x2x64x64xf32, #tpu.memory_space<hbm>>
      %dma_wait3A_245 = tpu.memref_squeeze %dma_wait3A_244 : memref<1x2x64x64xf32, #tpu.memory_space<hbm>> -> memref<2x64x64xf32, #tpu.memory_space<hbm>>
      %dma_wait3A_246 = arith.constant 0 : i32
      %dma_wait3A_247 = arith.constant 0 : i32
      %dma_wait3A_248 = arith.constant 0 : i32
      %dma_wait3A_249 = tpu.memref_slice %arg2[%shift_right_arithmetic3A_1, %dma_wait3A_246, %dma_wait3A_247, %dma_wait3A_248] : memref<16x2x64x64xf32, #tpu.memory_space<hbm>> -> memref<1x2x64x64xf32, #tpu.memory_space<hbm>>
      %dma_wait3A_250 = tpu.memref_squeeze %dma_wait3A_249 : memref<1x2x64x64xf32, #tpu.memory_space<hbm>> -> memref<2x64x64xf32, #tpu.memory_space<hbm>>
      tpu.wait_dma2 semaphore(%run_scoped3A : memref<!tpu.dma_semaphore, #tpu.memory_space<semaphore_mem>>) src(%dma_wait3A_250 : memref<2x64x64xf32, #tpu.memory_space<hbm>>) dst(%arg11 : memref<2x64x64xf32, #tpu.memory_space<vmem>>)
      tpu.yield
    }) : () -> ()
    "tpu.region"() ({
      %run_scoped3A = tpu.sem_alloc : memref<!tpu.dma_semaphore, #tpu.memory_space<semaphore_mem>>
      %dma_start3A = arith.constant 0 : i32
      %dma_start3A_233 = arith.constant 0 : i32
      %dma_start3A_234 = arith.constant 0 : i32
      %dma_start3A_235 = tpu.memref_slice %arg3[%shift_right_arithmetic3A_1, %dma_start3A, %dma_start3A_233, %dma_start3A_234] : memref<16x2x64x64xf32, #tpu.memory_space<hbm>> -> memref<1x2x64x64xf32, #tpu.memory_space<hbm>>
      %dma_start3A_236 = tpu.memref_squeeze %dma_start3A_235 : memref<1x2x64x64xf32, #tpu.memory_space<hbm>> -> memref<2x64x64xf32, #tpu.memory_space<hbm>>
      %dma_start3A_237 = arith.constant 0 : i32
      %dma_start3A_238 = arith.constant 0 : i32
      %dma_start3A_239 = arith.constant 0 : i32
      %dma_start3A_240 = tpu.memref_slice %arg3[%shift_right_arithmetic3A_1, %dma_start3A_237, %dma_start3A_238, %dma_start3A_239] : memref<16x2x64x64xf32, #tpu.memory_space<hbm>> -> memref<1x2x64x64xf32, #tpu.memory_space<hbm>>
      %dma_start3A_241 = tpu.memref_squeeze %dma_start3A_240 : memref<1x2x64x64xf32, #tpu.memory_space<hbm>> -> memref<2x64x64xf32, #tpu.memory_space<hbm>>
      tpu.enqueue_dma source(%dma_start3A_241 : memref<2x64x64xf32, #tpu.memory_space<hbm>>) target(%arg12 : memref<2x64x64xf32, #tpu.memory_space<vmem>>) target_semaphore(%run_scoped3A : memref<!tpu.dma_semaphore, #tpu.memory_space<semaphore_mem>>)
      %dma_wait3A = arith.constant 0 : i32
      %dma_wait3A_242 = arith.constant 0 : i32
      %dma_wait3A_243 = arith.constant 0 : i32
      %dma_wait3A_244 = tpu.memref_slice %arg3[%shift_right_arithmetic3A_1, %dma_wait3A, %dma_wait3A_242, %dma_wait3A_243] : memref<16x2x64x64xf32, #tpu.memory_space<hbm>> -> memref<1x2x64x64xf32, #tpu.memory_space<hbm>>
      %dma_wait3A_245 = tpu.memref_squeeze %dma_wait3A_244 : memref<1x2x64x64xf32, #tpu.memory_space<hbm>> -> memref<2x64x64xf32, #tpu.memory_space<hbm>>
      %dma_wait3A_246 = arith.constant 0 : i32
      %dma_wait3A_247 = arith.constant 0 : i32
      %dma_wait3A_248 = arith.constant 0 : i32
      %dma_wait3A_249 = tpu.memref_slice %arg3[%shift_right_arithmetic3A_1, %dma_wait3A_246, %dma_wait3A_247, %dma_wait3A_248] : memref<16x2x64x64xf32, #tpu.memory_space<hbm>> -> memref<1x2x64x64xf32, #tpu.memory_space<hbm>>
      %dma_wait3A_250 = tpu.memref_squeeze %dma_wait3A_249 : memref<1x2x64x64xf32, #tpu.memory_space<hbm>> -> memref<2x64x64xf32, #tpu.memory_space<hbm>>
      tpu.wait_dma2 semaphore(%run_scoped3A : memref<!tpu.dma_semaphore, #tpu.memory_space<semaphore_mem>>) src(%dma_wait3A_250 : memref<2x64x64xf32, #tpu.memory_space<hbm>>) dst(%arg12 : memref<2x64x64xf32, #tpu.memory_space<vmem>>)
      tpu.yield
    }) : () -> ()
    %mul3A_7 = arith.constant 64 : i32
    %mul3A_8 = arith.muli %and3A_2, %mul3A_7 : i32
    "tpu.region"() ({
      %run_scoped3A = tpu.sem_alloc : memref<!tpu.dma_semaphore, #tpu.memory_space<semaphore_mem>>
      %dma_start3A = arith.constant 0 : i32
      %dma_start3A_233 = tpu.memref_slice %arg6[%shift_right_arithmetic3A_1, %mul3A_8, %dma_start3A] : memref<16x128x2xf32, #tpu.memory_space<hbm>> -> memref<1x64x2xf32, #tpu.memory_space<hbm>>
      %dma_start3A_234 = tpu.memref_squeeze %dma_start3A_233 : memref<1x64x2xf32, #tpu.memory_space<hbm>> -> memref<64x2xf32, #tpu.memory_space<hbm>>
      %dma_start3A_235 = arith.constant 0 : i32
      %dma_start3A_236 = tpu.memref_slice %arg6[%shift_right_arithmetic3A_1, %mul3A_8, %dma_start3A_235] : memref<16x128x2xf32, #tpu.memory_space<hbm>> -> memref<1x64x2xf32, #tpu.memory_space<hbm>>
      %dma_start3A_237 = tpu.memref_squeeze %dma_start3A_236 : memref<1x64x2xf32, #tpu.memory_space<hbm>> -> memref<64x2xf32, #tpu.memory_space<hbm>>
      tpu.enqueue_dma source(%dma_start3A_237 : memref<64x2xf32, #tpu.memory_space<hbm>>) target(%arg13 : memref<64x2xf32, #tpu.memory_space<vmem>>) target_semaphore(%run_scoped3A : memref<!tpu.dma_semaphore, #tpu.memory_space<semaphore_mem>>)
      %dma_wait3A = arith.constant 0 : i32
      %dma_wait3A_238 = tpu.memref_slice %arg6[%shift_right_arithmetic3A_1, %mul3A_8, %dma_wait3A] : memref<16x128x2xf32, #tpu.memory_space<hbm>> -> memref<1x64x2xf32, #tpu.memory_space<hbm>>
      %dma_wait3A_239 = tpu.memref_squeeze %dma_wait3A_238 : memref<1x64x2xf32, #tpu.memory_space<hbm>> -> memref<64x2xf32, #tpu.memory_space<hbm>>
      %dma_wait3A_240 = arith.constant 0 : i32
      %dma_wait3A_241 = tpu.memref_slice %arg6[%shift_right_arithmetic3A_1, %mul3A_8, %dma_wait3A_240] : memref<16x128x2xf32, #tpu.memory_space<hbm>> -> memref<1x64x2xf32, #tpu.memory_space<hbm>>
      %dma_wait3A_242 = tpu.memref_squeeze %dma_wait3A_241 : memref<1x64x2xf32, #tpu.memory_space<hbm>> -> memref<64x2xf32, #tpu.memory_space<hbm>>
      tpu.wait_dma2 semaphore(%run_scoped3A : memref<!tpu.dma_semaphore, #tpu.memory_space<semaphore_mem>>) src(%dma_wait3A_242 : memref<64x2xf32, #tpu.memory_space<hbm>>) dst(%arg13 : memref<64x2xf32, #tpu.memory_space<vmem>>)
      tpu.yield
    }) : () -> ()
    %mul3A_9 = arith.constant 64 : i32
    %mul3A_10 = arith.muli %and3A_2, %mul3A_9 : i32
    "tpu.region"() ({
      %run_scoped3A = tpu.sem_alloc : memref<!tpu.dma_semaphore, #tpu.memory_space<semaphore_mem>>
      %dma_start3A = arith.constant 0 : i32
      %dma_start3A_233 = tpu.memref_slice %arg7[%shift_right_arithmetic3A_1, %mul3A_10, %dma_start3A] : memref<16x128x2xf32, #tpu.memory_space<hbm>> -> memref<1x64x2xf32, #tpu.memory_space<hbm>>
      %dma_start3A_234 = tpu.memref_squeeze %dma_start3A_233 : memref<1x64x2xf32, #tpu.memory_space<hbm>> -> memref<64x2xf32, #tpu.memory_space<hbm>>
      %dma_start3A_235 = arith.constant 0 : i32
      %dma_start3A_236 = tpu.memref_slice %arg7[%shift_right_arithmetic3A_1, %mul3A_10, %dma_start3A_235] : memref<16x128x2xf32, #tpu.memory_space<hbm>> -> memref<1x64x2xf32, #tpu.memory_space<hbm>>
      %dma_start3A_237 = tpu.memref_squeeze %dma_start3A_236 : memref<1x64x2xf32, #tpu.memory_space<hbm>> -> memref<64x2xf32, #tpu.memory_space<hbm>>
      tpu.enqueue_dma source(%dma_start3A_237 : memref<64x2xf32, #tpu.memory_space<hbm>>) target(%arg14 : memref<64x2xf32, #tpu.memory_space<vmem>>) target_semaphore(%run_scoped3A : memref<!tpu.dma_semaphore, #tpu.memory_space<semaphore_mem>>)
      %dma_wait3A = arith.constant 0 : i32
      %dma_wait3A_238 = tpu.memref_slice %arg7[%shift_right_arithmetic3A_1, %mul3A_10, %dma_wait3A] : memref<16x128x2xf32, #tpu.memory_space<hbm>> -> memref<1x64x2xf32, #tpu.memory_space<hbm>>
      %dma_wait3A_239 = tpu.memref_squeeze %dma_wait3A_238 : memref<1x64x2xf32, #tpu.memory_space<hbm>> -> memref<64x2xf32, #tpu.memory_space<hbm>>
      %dma_wait3A_240 = arith.constant 0 : i32
      %dma_wait3A_241 = tpu.memref_slice %arg7[%shift_right_arithmetic3A_1, %mul3A_10, %dma_wait3A_240] : memref<16x128x2xf32, #tpu.memory_space<hbm>> -> memref<1x64x2xf32, #tpu.memory_space<hbm>>
      %dma_wait3A_242 = tpu.memref_squeeze %dma_wait3A_241 : memref<1x64x2xf32, #tpu.memory_space<hbm>> -> memref<64x2xf32, #tpu.memory_space<hbm>>
      tpu.wait_dma2 semaphore(%run_scoped3A : memref<!tpu.dma_semaphore, #tpu.memory_space<semaphore_mem>>) src(%dma_wait3A_242 : memref<64x2xf32, #tpu.memory_space<hbm>>) dst(%arg14 : memref<64x2xf32, #tpu.memory_space<vmem>>)
      tpu.yield
    }) : () -> ()
    %iota3A = tpu.iota {dimensions = array<i32: 0>} : vector<16xi32>
    %shift_right_arithmetic3A_11 = arith.constant 1 : i32
    %shift_right_arithmetic3A_12 = vector.broadcast %shift_right_arithmetic3A_11 : i32 to vector<16xi32>
    %shift_right_arithmetic3A_13 = arith.shrsi %iota3A, %shift_right_arithmetic3A_12 : vector<16xi32>
    %and3A_14 = arith.constant 1 : i32
    %and3A_15 = vector.broadcast %and3A_14 : i32 to vector<16xi32>
    %and3A_16 = arith.andi %iota3A, %and3A_15 : vector<16xi32>
    %broadcast_in_dim3A = arith.constant 0.000000e+00 : f32
    %broadcast_in_dim3A_17 = vector.broadcast %broadcast_in_dim3A : f32 to vector<16xf32>
    %broadcast_in_dim3A_18 = arith.constant 0.000000e+00 : f32
    %broadcast_in_dim3A_19 = vector.broadcast %broadcast_in_dim3A_18 : f32 to vector<16xf32>
    %broadcast_in_dim3A_20 = arith.constant 0.000000e+00 : f32
    %broadcast_in_dim3A_21 = vector.broadcast %broadcast_in_dim3A_20 : f32 to vector<16xf32>
    %add3A_22 = arith.constant 0 : i32
    %add3A_23 = vector.broadcast %add3A_22 : i32 to vector<16xi32>
    %add3A_24 = arith.addi %add3A_23, %shift_right_arithmetic3A_13 : vector<16xi32>
    %gather3A = tpu.vector_load_idx %arg9[%add3A_24] : memref<64xi32, #tpu.memory_space<vmem>>[vector<16xi32>], vector<16xi32>,
    %gather3A_25 = tpu.vector_load_idx %arg10[%add3A_24] : memref<64xf32, #tpu.memory_space<vmem>>[vector<16xi32>], vector<16xf32>,
    %shift_right_arithmetic3A_26 = arith.constant 6 : i32
    %shift_right_arithmetic3A_27 = vector.broadcast %shift_right_arithmetic3A_26 : i32 to vector<16xi32>
    %shift_right_arithmetic3A_28 = arith.shrsi %gather3A, %shift_right_arithmetic3A_27 : vector<16xi32>
    %and3A_29 = arith.constant 63 : i32
    %and3A_30 = vector.broadcast %and3A_29 : i32 to vector<16xi32>
    %and3A_31 = arith.andi %gather3A, %and3A_30 : vector<16xi32>
    %gather3A_32 = tpu.vector_load_idx %arg11[%and3A_16, %shift_right_arithmetic3A_28, %and3A_31] : memref<2x64x64xf32, #tpu.memory_space<vmem>>[vector<16xi32>, vector<16xi32>, vector<16xi32>], vector<16xf32>,
    %gather3A_33 = tpu.vector_load_idx %arg12[%and3A_16, %shift_right_arithmetic3A_28, %and3A_31] : memref<2x64x64xf32, #tpu.memory_space<vmem>>[vector<16xi32>, vector<16xi32>, vector<16xi32>], vector<16xf32>,
    %gather3A_34 = tpu.vector_load_idx %arg13[%add3A_24, %and3A_16] : memref<64x2xf32, #tpu.memory_space<vmem>>[vector<16xi32>, vector<16xi32>], vector<16xf32>,
    %gather3A_35 = tpu.vector_load_idx %arg14[%add3A_24, %and3A_16] : memref<64x2xf32, #tpu.memory_space<vmem>>[vector<16xi32>, vector<16xi32>], vector<16xf32>,
    %mul3A_36 = arith.mulf %gather3A_32, %gather3A_25 : vector<16xf32>
    %mul3A_37 = arith.mulf %gather3A_34, %gather3A_25 : vector<16xf32>
    %sub3A = arith.subf %mul3A_36, %mul3A_37 : vector<16xf32>
    %mul3A_38 = arith.mulf %gather3A_33, %gather3A_25 : vector<16xf32>
    %mul3A_39 = arith.mulf %gather3A_35, %gather3A_25 : vector<16xf32>
    %sub3A_40 = arith.subf %mul3A_38, %mul3A_39 : vector<16xf32>
    %mul3A_41 = arith.mulf %sub3A, %sub3A : vector<16xf32>
    %add3A_42 = arith.addf %broadcast_in_dim3A_17, %mul3A_41 : vector<16xf32>
    %mul3A_43 = arith.mulf %sub3A_40, %sub3A_40 : vector<16xf32>
    %add3A_44 = arith.addf %broadcast_in_dim3A_19, %mul3A_43 : vector<16xf32>
    %add3A_45 = arith.addf %broadcast_in_dim3A_21, %gather3A_25 : vector<16xf32>
    %add3A_46 = arith.constant 8 : i32
    %add3A_47 = vector.broadcast %add3A_46 : i32 to vector<16xi32>
    %add3A_48 = arith.addi %add3A_47, %shift_right_arithmetic3A_13 : vector<16xi32>
    %gather3A_49 = tpu.vector_load_idx %arg9[%add3A_48] : memref<64xi32, #tpu.memory_space<vmem>>[vector<16xi32>], vector<16xi32>,
    %gather3A_50 = tpu.vector_load_idx %arg10[%add3A_48] : memref<64xf32, #tpu.memory_space<vmem>>[vector<16xi32>], vector<16xf32>,
    %shift_right_arithmetic3A_51 = arith.constant 6 : i32
    %shift_right_arithmetic3A_52 = vector.broadcast %shift_right_arithmetic3A_51 : i32 to vector<16xi32>
    %shift_right_arithmetic3A_53 = arith.shrsi %gather3A_49, %shift_right_arithmetic3A_52 : vector<16xi32>
    %and3A_54 = arith.constant 63 : i32
    %and3A_55 = vector.broadcast %and3A_54 : i32 to vector<16xi32>
    %and3A_56 = arith.andi %gather3A_49, %and3A_55 : vector<16xi32>
    %gather3A_57 = tpu.vector_load_idx %arg11[%and3A_16, %shift_right_arithmetic3A_53, %and3A_56] : memref<2x64x64xf32, #tpu.memory_space<vmem>>[vector<16xi32>, vector<16xi32>, vector<16xi32>], vector<16xf32>,
    %gather3A_58 = tpu.vector_load_idx %arg12[%and3A_16, %shift_right_arithmetic3A_53, %and3A_56] : memref<2x64x64xf32, #tpu.memory_space<vmem>>[vector<16xi32>, vector<16xi32>, vector<16xi32>], vector<16xf32>,
    %gather3A_59 = tpu.vector_load_idx %arg13[%add3A_48, %and3A_16] : memref<64x2xf32, #tpu.memory_space<vmem>>[vector<16xi32>, vector<16xi32>], vector<16xf32>,
    %gather3A_60 = tpu.vector_load_idx %arg14[%add3A_48, %and3A_16] : memref<64x2xf32, #tpu.memory_space<vmem>>[vector<16xi32>, vector<16xi32>], vector<16xf32>,
    %mul3A_61 = arith.mulf %gather3A_57, %gather3A_50 : vector<16xf32>
    %mul3A_62 = arith.mulf %gather3A_59, %gather3A_50 : vector<16xf32>
    %sub3A_63 = arith.subf %mul3A_61, %mul3A_62 : vector<16xf32>
    %mul3A_64 = arith.mulf %gather3A_58, %gather3A_50 : vector<16xf32>
    %mul3A_65 = arith.mulf %gather3A_60, %gather3A_50 : vector<16xf32>
    %sub3A_66 = arith.subf %mul3A_64, %mul3A_65 : vector<16xf32>
    %mul3A_67 = arith.mulf %sub3A_63, %sub3A_63 : vector<16xf32>
    %add3A_68 = arith.addf %add3A_42, %mul3A_67 : vector<16xf32>
    %mul3A_69 = arith.mulf %sub3A_66, %sub3A_66 : vector<16xf32>
    %add3A_70 = arith.addf %add3A_44, %mul3A_69 : vector<16xf32>
    %add3A_71 = arith.addf %add3A_45, %gather3A_50 : vector<16xf32>
    %add3A_72 = arith.constant 16 : i32
    %add3A_73 = vector.broadcast %add3A_72 : i32 to vector<16xi32>
    %add3A_74 = arith.addi %add3A_73, %shift_right_arithmetic3A_13 : vector<16xi32>
    %gather3A_75 = tpu.vector_load_idx %arg9[%add3A_74] : memref<64xi32, #tpu.memory_space<vmem>>[vector<16xi32>], vector<16xi32>,
    %gather3A_76 = tpu.vector_load_idx %arg10[%add3A_74] : memref<64xf32, #tpu.memory_space<vmem>>[vector<16xi32>], vector<16xf32>,
    %shift_right_arithmetic3A_77 = arith.constant 6 : i32
    %shift_right_arithmetic3A_78 = vector.broadcast %shift_right_arithmetic3A_77 : i32 to vector<16xi32>
    %shift_right_arithmetic3A_79 = arith.shrsi %gather3A_75, %shift_right_arithmetic3A_78 : vector<16xi32>
    %and3A_80 = arith.constant 63 : i32
    %and3A_81 = vector.broadcast %and3A_80 : i32 to vector<16xi32>
    %and3A_82 = arith.andi %gather3A_75, %and3A_81 : vector<16xi32>
    %gather3A_83 = tpu.vector_load_idx %arg11[%and3A_16, %shift_right_arithmetic3A_79, %and3A_82] : memref<2x64x64xf32, #tpu.memory_space<vmem>>[vector<16xi32>, vector<16xi32>, vector<16xi32>], vector<16xf32>,
    %gather3A_84 = tpu.vector_load_idx %arg12[%and3A_16, %shift_right_arithmetic3A_79, %and3A_82] : memref<2x64x64xf32, #tpu.memory_space<vmem>>[vector<16xi32>, vector<16xi32>, vector<16xi32>], vector<16xf32>,
    %gather3A_85 = tpu.vector_load_idx %arg13[%add3A_74, %and3A_16] : memref<64x2xf32, #tpu.memory_space<vmem>>[vector<16xi32>, vector<16xi32>], vector<16xf32>,
    %gather3A_86 = tpu.vector_load_idx %arg14[%add3A_74, %and3A_16] : memref<64x2xf32, #tpu.memory_space<vmem>>[vector<16xi32>, vector<16xi32>], vector<16xf32>,
    %mul3A_87 = arith.mulf %gather3A_83, %gather3A_76 : vector<16xf32>
    %mul3A_88 = arith.mulf %gather3A_85, %gather3A_76 : vector<16xf32>
    %sub3A_89 = arith.subf %mul3A_87, %mul3A_88 : vector<16xf32>
    %mul3A_90 = arith.mulf %gather3A_84, %gather3A_76 : vector<16xf32>
    %mul3A_91 = arith.mulf %gather3A_86, %gather3A_76 : vector<16xf32>
    %sub3A_92 = arith.subf %mul3A_90, %mul3A_91 : vector<16xf32>
    %mul3A_93 = arith.mulf %sub3A_89, %sub3A_89 : vector<16xf32>
    %add3A_94 = arith.addf %add3A_68, %mul3A_93 : vector<16xf32>
    %mul3A_95 = arith.mulf %sub3A_92, %sub3A_92 : vector<16xf32>
    %add3A_96 = arith.addf %add3A_70, %mul3A_95 : vector<16xf32>
    %add3A_97 = arith.addf %add3A_71, %gather3A_76 : vector<16xf32>
    %add3A_98 = arith.constant 24 : i32
    %add3A_99 = vector.broadcast %add3A_98 : i32 to vector<16xi32>
    %add3A_100 = arith.addi %add3A_99, %shift_right_arithmetic3A_13 : vector<16xi32>
    %gather3A_101 = tpu.vector_load_idx %arg9[%add3A_100] : memref<64xi32, #tpu.memory_space<vmem>>[vector<16xi32>], vector<16xi32>,
    %gather3A_102 = tpu.vector_load_idx %arg10[%add3A_100] : memref<64xf32, #tpu.memory_space<vmem>>[vector<16xi32>], vector<16xf32>,
    %shift_right_arithmetic3A_103 = arith.constant 6 : i32
    %shift_right_arithmetic3A_104 = vector.broadcast %shift_right_arithmetic3A_103 : i32 to vector<16xi32>
    %shift_right_arithmetic3A_105 = arith.shrsi %gather3A_101, %shift_right_arithmetic3A_104 : vector<16xi32>
    %and3A_106 = arith.constant 63 : i32
    %and3A_107 = vector.broadcast %and3A_106 : i32 to vector<16xi32>
    %and3A_108 = arith.andi %gather3A_101, %and3A_107 : vector<16xi32>
    %gather3A_109 = tpu.vector_load_idx %arg11[%and3A_16, %shift_right_arithmetic3A_105, %and3A_108] : memref<2x64x64xf32, #tpu.memory_space<vmem>>[vector<16xi32>, vector<16xi32>, vector<16xi32>], vector<16xf32>,
    %gather3A_110 = tpu.vector_load_idx %arg12[%and3A_16, %shift_right_arithmetic3A_105, %and3A_108] : memref<2x64x64xf32, #tpu.memory_space<vmem>>[vector<16xi32>, vector<16xi32>, vector<16xi32>], vector<16xf32>,
    %gather3A_111 = tpu.vector_load_idx %arg13[%add3A_100, %and3A_16] : memref<64x2xf32, #tpu.memory_space<vmem>>[vector<16xi32>, vector<16xi32>], vector<16xf32>,
    %gather3A_112 = tpu.vector_load_idx %arg14[%add3A_100, %and3A_16] : memref<64x2xf32, #tpu.memory_space<vmem>>[vector<16xi32>, vector<16xi32>], vector<16xf32>,
    %mul3A_113 = arith.mulf %gather3A_109, %gather3A_102 : vector<16xf32>
    %mul3A_114 = arith.mulf %gather3A_111, %gather3A_102 : vector<16xf32>
    %sub3A_115 = arith.subf %mul3A_113, %mul3A_114 : vector<16xf32>
    %mul3A_116 = arith.mulf %gather3A_110, %gather3A_102 : vector<16xf32>
    %mul3A_117 = arith.mulf %gather3A_112, %gather3A_102 : vector<16xf32>
    %sub3A_118 = arith.subf %mul3A_116, %mul3A_117 : vector<16xf32>
    %mul3A_119 = arith.mulf %sub3A_115, %sub3A_115 : vector<16xf32>
    %add3A_120 = arith.addf %add3A_94, %mul3A_119 : vector<16xf32>
    %mul3A_121 = arith.mulf %sub3A_118, %sub3A_118 : vector<16xf32>
    %add3A_122 = arith.addf %add3A_96, %mul3A_121 : vector<16xf32>
    %add3A_123 = arith.addf %add3A_97, %gather3A_102 : vector<16xf32>
    %add3A_124 = arith.constant 32 : i32
    %add3A_125 = vector.broadcast %add3A_124 : i32 to vector<16xi32>
    %add3A_126 = arith.addi %add3A_125, %shift_right_arithmetic3A_13 : vector<16xi32>
    %gather3A_127 = tpu.vector_load_idx %arg9[%add3A_126] : memref<64xi32, #tpu.memory_space<vmem>>[vector<16xi32>], vector<16xi32>,
    %gather3A_128 = tpu.vector_load_idx %arg10[%add3A_126] : memref<64xf32, #tpu.memory_space<vmem>>[vector<16xi32>], vector<16xf32>,
    %shift_right_arithmetic3A_129 = arith.constant 6 : i32
    %shift_right_arithmetic3A_130 = vector.broadcast %shift_right_arithmetic3A_129 : i32 to vector<16xi32>
    %shift_right_arithmetic3A_131 = arith.shrsi %gather3A_127, %shift_right_arithmetic3A_130 : vector<16xi32>
    %and3A_132 = arith.constant 63 : i32
    %and3A_133 = vector.broadcast %and3A_132 : i32 to vector<16xi32>
    %and3A_134 = arith.andi %gather3A_127, %and3A_133 : vector<16xi32>
    %gather3A_135 = tpu.vector_load_idx %arg11[%and3A_16, %shift_right_arithmetic3A_131, %and3A_134] : memref<2x64x64xf32, #tpu.memory_space<vmem>>[vector<16xi32>, vector<16xi32>, vector<16xi32>], vector<16xf32>,
    %gather3A_136 = tpu.vector_load_idx %arg12[%and3A_16, %shift_right_arithmetic3A_131, %and3A_134] : memref<2x64x64xf32, #tpu.memory_space<vmem>>[vector<16xi32>, vector<16xi32>, vector<16xi32>], vector<16xf32>,
    %gather3A_137 = tpu.vector_load_idx %arg13[%add3A_126, %and3A_16] : memref<64x2xf32, #tpu.memory_space<vmem>>[vector<16xi32>, vector<16xi32>], vector<16xf32>,
    %gather3A_138 = tpu.vector_load_idx %arg14[%add3A_126, %and3A_16] : memref<64x2xf32, #tpu.memory_space<vmem>>[vector<16xi32>, vector<16xi32>], vector<16xf32>,
    %mul3A_139 = arith.mulf %gather3A_135, %gather3A_128 : vector<16xf32>
    %mul3A_140 = arith.mulf %gather3A_137, %gather3A_128 : vector<16xf32>
    %sub3A_141 = arith.subf %mul3A_139, %mul3A_140 : vector<16xf32>
    %mul3A_142 = arith.mulf %gather3A_136, %gather3A_128 : vector<16xf32>
    %mul3A_143 = arith.mulf %gather3A_138, %gather3A_128 : vector<16xf32>
    %sub3A_144 = arith.subf %mul3A_142, %mul3A_143 : vector<16xf32>
    %mul3A_145 = arith.mulf %sub3A_141, %sub3A_141 : vector<16xf32>
    %add3A_146 = arith.addf %add3A_120, %mul3A_145 : vector<16xf32>
    %mul3A_147 = arith.mulf %sub3A_144, %sub3A_144 : vector<16xf32>
    %add3A_148 = arith.addf %add3A_122, %mul3A_147 : vector<16xf32>
    %add3A_149 = arith.addf %add3A_123, %gather3A_128 : vector<16xf32>
    %add3A_150 = arith.constant 40 : i32
    %add3A_151 = vector.broadcast %add3A_150 : i32 to vector<16xi32>
    %add3A_152 = arith.addi %add3A_151, %shift_right_arithmetic3A_13 : vector<16xi32>
    %gather3A_153 = tpu.vector_load_idx %arg9[%add3A_152] : memref<64xi32, #tpu.memory_space<vmem>>[vector<16xi32>], vector<16xi32>,
    %gather3A_154 = tpu.vector_load_idx %arg10[%add3A_152] : memref<64xf32, #tpu.memory_space<vmem>>[vector<16xi32>], vector<16xf32>,
    %shift_right_arithmetic3A_155 = arith.constant 6 : i32
    %shift_right_arithmetic3A_156 = vector.broadcast %shift_right_arithmetic3A_155 : i32 to vector<16xi32>
    %shift_right_arithmetic3A_157 = arith.shrsi %gather3A_153, %shift_right_arithmetic3A_156 : vector<16xi32>
    %and3A_158 = arith.constant 63 : i32
    %and3A_159 = vector.broadcast %and3A_158 : i32 to vector<16xi32>
    %and3A_160 = arith.andi %gather3A_153, %and3A_159 : vector<16xi32>
    %gather3A_161 = tpu.vector_load_idx %arg11[%and3A_16, %shift_right_arithmetic3A_157, %and3A_160] : memref<2x64x64xf32, #tpu.memory_space<vmem>>[vector<16xi32>, vector<16xi32>, vector<16xi32>], vector<16xf32>,
    %gather3A_162 = tpu.vector_load_idx %arg12[%and3A_16, %shift_right_arithmetic3A_157, %and3A_160] : memref<2x64x64xf32, #tpu.memory_space<vmem>>[vector<16xi32>, vector<16xi32>, vector<16xi32>], vector<16xf32>,
    %gather3A_163 = tpu.vector_load_idx %arg13[%add3A_152, %and3A_16] : memref<64x2xf32, #tpu.memory_space<vmem>>[vector<16xi32>, vector<16xi32>], vector<16xf32>,
    %gather3A_164 = tpu.vector_load_idx %arg14[%add3A_152, %and3A_16] : memref<64x2xf32, #tpu.memory_space<vmem>>[vector<16xi32>, vector<16xi32>], vector<16xf32>,
    %mul3A_165 = arith.mulf %gather3A_161, %gather3A_154 : vector<16xf32>
    %mul3A_166 = arith.mulf %gather3A_163, %gather3A_154 : vector<16xf32>
    %sub3A_167 = arith.subf %mul3A_165, %mul3A_166 : vector<16xf32>
    %mul3A_168 = arith.mulf %gather3A_162, %gather3A_154 : vector<16xf32>
    %mul3A_169 = arith.mulf %gather3A_164, %gather3A_154 : vector<16xf32>
    %sub3A_170 = arith.subf %mul3A_168, %mul3A_169 : vector<16xf32>
    %mul3A_171 = arith.mulf %sub3A_167, %sub3A_167 : vector<16xf32>
    %add3A_172 = arith.addf %add3A_146, %mul3A_171 : vector<16xf32>
    %mul3A_173 = arith.mulf %sub3A_170, %sub3A_170 : vector<16xf32>
    %add3A_174 = arith.addf %add3A_148, %mul3A_173 : vector<16xf32>
    %add3A_175 = arith.addf %add3A_149, %gather3A_154 : vector<16xf32>
    %add3A_176 = arith.constant 48 : i32
    %add3A_177 = vector.broadcast %add3A_176 : i32 to vector<16xi32>
    %add3A_178 = arith.addi %add3A_177, %shift_right_arithmetic3A_13 : vector<16xi32>
    %gather3A_179 = tpu.vector_load_idx %arg9[%add3A_178] : memref<64xi32, #tpu.memory_space<vmem>>[vector<16xi32>], vector<16xi32>,
    %gather3A_180 = tpu.vector_load_idx %arg10[%add3A_178] : memref<64xf32, #tpu.memory_space<vmem>>[vector<16xi32>], vector<16xf32>,
    %shift_right_arithmetic3A_181 = arith.constant 6 : i32
    %shift_right_arithmetic3A_182 = vector.broadcast %shift_right_arithmetic3A_181 : i32 to vector<16xi32>
    %shift_right_arithmetic3A_183 = arith.shrsi %gather3A_179, %shift_right_arithmetic3A_182 : vector<16xi32>
    %and3A_184 = arith.constant 63 : i32
    %and3A_185 = vector.broadcast %and3A_184 : i32 to vector<16xi32>
    %and3A_186 = arith.andi %gather3A_179, %and3A_185 : vector<16xi32>
    %gather3A_187 = tpu.vector_load_idx %arg11[%and3A_16, %shift_right_arithmetic3A_183, %and3A_186] : memref<2x64x64xf32, #tpu.memory_space<vmem>>[vector<16xi32>, vector<16xi32>, vector<16xi32>], vector<16xf32>,
    %gather3A_188 = tpu.vector_load_idx %arg12[%and3A_16, %shift_right_arithmetic3A_183, %and3A_186] : memref<2x64x64xf32, #tpu.memory_space<vmem>>[vector<16xi32>, vector<16xi32>, vector<16xi32>], vector<16xf32>,
    %gather3A_189 = tpu.vector_load_idx %arg13[%add3A_178, %and3A_16] : memref<64x2xf32, #tpu.memory_space<vmem>>[vector<16xi32>, vector<16xi32>], vector<16xf32>,
    %gather3A_190 = tpu.vector_load_idx %arg14[%add3A_178, %and3A_16] : memref<64x2xf32, #tpu.memory_space<vmem>>[vector<16xi32>, vector<16xi32>], vector<16xf32>,
    %mul3A_191 = arith.mulf %gather3A_187, %gather3A_180 : vector<16xf32>
    %mul3A_192 = arith.mulf %gather3A_189, %gather3A_180 : vector<16xf32>
    %sub3A_193 = arith.subf %mul3A_191, %mul3A_192 : vector<16xf32>
    %mul3A_194 = arith.mulf %gather3A_188, %gather3A_180 : vector<16xf32>
    %mul3A_195 = arith.mulf %gather3A_190, %gather3A_180 : vector<16xf32>
    %sub3A_196 = arith.subf %mul3A_194, %mul3A_195 : vector<16xf32>
    %mul3A_197 = arith.mulf %sub3A_193, %sub3A_193 : vector<16xf32>
    %add3A_198 = arith.addf %add3A_172, %mul3A_197 : vector<16xf32>
    %mul3A_199 = arith.mulf %sub3A_196, %sub3A_196 : vector<16xf32>
    %add3A_200 = arith.addf %add3A_174, %mul3A_199 : vector<16xf32>
    %add3A_201 = arith.addf %add3A_175, %gather3A_180 : vector<16xf32>
    %add3A_202 = arith.constant 56 : i32
    %add3A_203 = vector.broadcast %add3A_202 : i32 to vector<16xi32>
    %add3A_204 = arith.addi %add3A_203, %shift_right_arithmetic3A_13 : vector<16xi32>
    %gather3A_205 = tpu.vector_load_idx %arg9[%add3A_204] : memref<64xi32, #tpu.memory_space<vmem>>[vector<16xi32>], vector<16xi32>,
    %gather3A_206 = tpu.vector_load_idx %arg10[%add3A_204] : memref<64xf32, #tpu.memory_space<vmem>>[vector<16xi32>], vector<16xf32>,
    %shift_right_arithmetic3A_207 = arith.constant 6 : i32
    %shift_right_arithmetic3A_208 = vector.broadcast %shift_right_arithmetic3A_207 : i32 to vector<16xi32>
    %shift_right_arithmetic3A_209 = arith.shrsi %gather3A_205, %shift_right_arithmetic3A_208 : vector<16xi32>
    %and3A_210 = arith.constant 63 : i32
    %and3A_211 = vector.broadcast %and3A_210 : i32 to vector<16xi32>
    %and3A_212 = arith.andi %gather3A_205, %and3A_211 : vector<16xi32>
    %gather3A_213 = tpu.vector_load_idx %arg11[%and3A_16, %shift_right_arithmetic3A_209, %and3A_212] : memref<2x64x64xf32, #tpu.memory_space<vmem>>[vector<16xi32>, vector<16xi32>, vector<16xi32>], vector<16xf32>,
    %gather3A_214 = tpu.vector_load_idx %arg12[%and3A_16, %shift_right_arithmetic3A_209, %and3A_212] : memref<2x64x64xf32, #tpu.memory_space<vmem>>[vector<16xi32>, vector<16xi32>, vector<16xi32>], vector<16xf32>,
    %gather3A_215 = tpu.vector_load_idx %arg13[%add3A_204, %and3A_16] : memref<64x2xf32, #tpu.memory_space<vmem>>[vector<16xi32>, vector<16xi32>], vector<16xf32>,
    %gather3A_216 = tpu.vector_load_idx %arg14[%add3A_204, %and3A_16] : memref<64x2xf32, #tpu.memory_space<vmem>>[vector<16xi32>, vector<16xi32>], vector<16xf32>,
    %mul3A_217 = arith.mulf %gather3A_213, %gather3A_206 : vector<16xf32>
    %mul3A_218 = arith.mulf %gather3A_215, %gather3A_206 : vector<16xf32>
    %sub3A_219 = arith.subf %mul3A_217, %mul3A_218 : vector<16xf32>
    %mul3A_220 = arith.mulf %gather3A_214, %gather3A_206 : vector<16xf32>
    %mul3A_221 = arith.mulf %gather3A_216, %gather3A_206 : vector<16xf32>
    %sub3A_222 = arith.subf %mul3A_220, %mul3A_221 : vector<16xf32>
    %mul3A_223 = arith.mulf %sub3A_219, %sub3A_219 : vector<16xf32>
    %add3A_224 = arith.addf %add3A_198, %mul3A_223 : vector<16xf32>
    %mul3A_225 = arith.mulf %sub3A_222, %sub3A_222 : vector<16xf32>
    %add3A_226 = arith.addf %add3A_200, %mul3A_225 : vector<16xf32>
    %add3A_227 = arith.addf %add3A_201, %gather3A_206 : vector<16xf32>
    %swap3A = arith.constant 0 : index
    %swap3A_228 = tpu.vector_load %arg15[%swap3A] {strides = array<i32>} : memref<48xf32, #tpu.memory_space<vmem>>, vector<16xf32>,
    tpu.vector_store %arg15[%swap3A], %add3A_224 {strides = array<i32>} : memref<48xf32, #tpu.memory_space<vmem>>, vector<16xf32>,
    %swap3A_229 = arith.constant 16 : index
    %swap3A_230 = tpu.vector_load %arg15[%swap3A_229] {strides = array<i32>} : memref<48xf32, #tpu.memory_space<vmem>>, vector<16xf32>,
    tpu.vector_store %arg15[%swap3A_229], %add3A_226 {strides = array<i32>} : memref<48xf32, #tpu.memory_space<vmem>>, vector<16xf32>,
    %swap3A_231 = arith.constant 32 : index
    %swap3A_232 = tpu.vector_load %arg15[%swap3A_231] {strides = array<i32>} : memref<48xf32, #tpu.memory_space<vmem>>, vector<16xf32>,
    tpu.vector_store %arg15[%swap3A_231], %add3A_227 {strides = array<i32>} : memref<48xf32, #tpu.memory_space<vmem>>, vector<16xf32>,
    "tpu.region"() ({
      %run_scoped3A = tpu.sem_alloc : memref<!tpu.dma_semaphore, #tpu.memory_space<semaphore_mem>>
      %dma_start3A = arith.constant 0 : i32
      %dma_start3A_233 = tpu.memref_slice %arg8[%add3A, %dma_start3A] : memref<32x48xf32, #tpu.memory_space<hbm>> -> memref<1x48xf32, #tpu.memory_space<hbm>>
      %dma_start3A_234 = tpu.memref_squeeze %dma_start3A_233 : memref<1x48xf32, #tpu.memory_space<hbm>> -> memref<48xf32, #tpu.memory_space<hbm>>
      %dma_start3A_235 = arith.constant 0 : i32
      %dma_start3A_236 = tpu.memref_slice %arg8[%add3A, %dma_start3A_235] : memref<32x48xf32, #tpu.memory_space<hbm>> -> memref<1x48xf32, #tpu.memory_space<hbm>>
      %dma_start3A_237 = tpu.memref_squeeze %dma_start3A_236 : memref<1x48xf32, #tpu.memory_space<hbm>> -> memref<48xf32, #tpu.memory_space<hbm>>
      tpu.enqueue_dma source(%arg15 : memref<48xf32, #tpu.memory_space<vmem>>) target(%dma_start3A_237 : memref<48xf32, #tpu.memory_space<hbm>>) target_semaphore(%run_scoped3A : memref<!tpu.dma_semaphore, #tpu.memory_space<semaphore_mem>>)
      %dma_wait3A = arith.constant 0 : i32
      %dma_wait3A_238 = tpu.memref_slice %arg8[%add3A, %dma_wait3A] : memref<32x48xf32, #tpu.memory_space<hbm>> -> memref<1x48xf32, #tpu.memory_space<hbm>>
      %dma_wait3A_239 = tpu.memref_squeeze %dma_wait3A_238 : memref<1x48xf32, #tpu.memory_space<hbm>> -> memref<48xf32, #tpu.memory_space<hbm>>
      %dma_wait3A_240 = arith.constant 0 : i32
      %dma_wait3A_241 = tpu.memref_slice %arg8[%add3A, %dma_wait3A_240] : memref<32x48xf32, #tpu.memory_space<hbm>> -> memref<1x48xf32, #tpu.memory_space<hbm>>
      %dma_wait3A_242 = tpu.memref_squeeze %dma_wait3A_241 : memref<1x48xf32, #tpu.memory_space<hbm>> -> memref<48xf32, #tpu.memory_space<hbm>>
      tpu.wait_dma2 semaphore(%run_scoped3A : memref<!tpu.dma_semaphore, #tpu.memory_space<semaphore_mem>>) src(%arg15 : memref<48xf32, #tpu.memory_space<vmem>>) dst(%dma_wait3A_242 : memref<48xf32, #tpu.memory_space<hbm>>)
      tpu.yield
    }) : () -> ()
    return
  }
}

module attributes {stable_mosaic.version = 14 : i64} {
  func.func @_focal_body(%arg0: i32, %arg1: i32, %arg2: memref<1x64x64x80xf32, #tpu.memory_space<vmem>>, %arg3: memref<1x64x64x80xf32, #tpu.memory_space<vmem>>, %arg4: memref<1x1xf32, #tpu.memory_space<smem>>) attributes {dimension_semantics = [#tpu.dimension_semantics<arbitrary>, #tpu.dimension_semantics<arbitrary>], iteration_bounds = array<i64: 16, 1>, scalar_prefetch = 0 : i64, scratch_operands = 0 : i64, tpu.core_type = #tpu.core_type<tc>, window_params = [{transform_indices = @transform_0, window_bounds = array<i64: 1, 64, 64, 80>}, {transform_indices = @transform_1, window_bounds = array<i64: 1, 64, 64, 80>}, {transform_indices = @transform_2, window_bounds = array<i64: 1, 1>}]} {
    %broadcast_in_dim3A = arith.constant 0.000000e+00 : f32
    %broadcast_in_dim3A_0 = vector.broadcast %broadcast_in_dim3A : f32 to vector<64x80xf32>
    %get3A = arith.constant 0 : index
    %get3A_1 = arith.constant 0 : index
    %get3A_2 = arith.constant 0 : index
    %get3A_3 = arith.constant 0 : index
    %get3A_4 = vector.load %arg2[%get3A, %get3A_1, %get3A_2, %get3A_3] : memref<1x64x64x80xf32, #tpu.memory_space<vmem>>, vector<1x1x64x80xf32>
    %get3A_5 = vector.shape_cast %get3A_4 : vector<1x1x64x80xf32> to vector<64x80xf32>
    %get3A_6 = arith.constant 0 : index
    %get3A_7 = arith.constant 0 : index
    %get3A_8 = arith.constant 0 : index
    %get3A_9 = arith.constant 0 : index
    %get3A_10 = vector.load %arg3[%get3A_6, %get3A_7, %get3A_8, %get3A_9] : memref<1x64x64x80xf32, #tpu.memory_space<vmem>>, vector<1x1x64x80xf32>
    %get3A_11 = vector.shape_cast %get3A_10 : vector<1x1x64x80xf32> to vector<64x80xf32>
    %jit3A = arith.constant 9.99999997E-7 : f32
    %jit3A_12 = arith.constant 0.999998986 : f32
    %max3A = vector.broadcast %jit3A : f32 to vector<64x80xf32>
    %max3A_13 = arith.maximumf %max3A, %get3A_5 : vector<64x80xf32>
    %min3A = vector.broadcast %jit3A_12 : f32 to vector<64x80xf32>
    %min3A_14 = arith.minimumf %min3A, %max3A_13 : vector<64x80xf32>
    %sub3A = arith.constant 1.000000e+00 : f32
    %sub3A_15 = vector.broadcast %sub3A : f32 to vector<64x80xf32>
    %sub3A_16 = arith.subf %sub3A_15, %get3A_11 : vector<64x80xf32>
    %mul3A = arith.mulf %sub3A_16, %sub3A_16 : vector<64x80xf32>
    %mul3A_17 = arith.mulf %mul3A, %mul3A : vector<64x80xf32>
    %sub3A_18 = arith.constant 1.000000e+00 : f32
    %sub3A_19 = vector.broadcast %sub3A_18 : f32 to vector<64x80xf32>
    %sub3A_20 = arith.subf %sub3A_19, %min3A_14 : vector<64x80xf32>
    %log3A = math.log %sub3A_20 : vector<64x80xf32>
    %mul3A_21 = arith.mulf %min3A_14, %min3A_14 : vector<64x80xf32>
    %mul3A_22 = arith.mulf %log3A, %mul3A_21 : vector<64x80xf32>
    %mul3A_23 = arith.mulf %mul3A_22, %mul3A_17 : vector<64x80xf32>
    %sub3A_24 = arith.subf %broadcast_in_dim3A_0, %mul3A_23 : vector<64x80xf32>
    %get3A_25 = arith.constant 0 : index
    %get3A_26 = arith.constant 1 : index
    %get3A_27 = arith.constant 0 : index
    %get3A_28 = arith.constant 0 : index
    %get3A_29 = vector.load %arg2[%get3A_25, %get3A_26, %get3A_27, %get3A_28] : memref<1x64x64x80xf32, #tpu.memory_space<vmem>>, vector<1x1x64x80xf32>
    %get3A_30 = vector.shape_cast %get3A_29 : vector<1x1x64x80xf32> to vector<64x80xf32>
    %get3A_31 = arith.constant 0 : index
    %get3A_32 = arith.constant 1 : index
    %get3A_33 = arith.constant 0 : index
    %get3A_34 = arith.constant 0 : index
    %get3A_35 = vector.load %arg3[%get3A_31, %get3A_32, %get3A_33, %get3A_34] : memref<1x64x64x80xf32, #tpu.memory_space<vmem>>, vector<1x1x64x80xf32>
    %get3A_36 = vector.shape_cast %get3A_35 : vector<1x1x64x80xf32> to vector<64x80xf32>
    %jit3A_37 = arith.constant 9.99999997E-7 : f32
    %jit3A_38 = arith.constant 0.999998986 : f32
    %max3A_39 = vector.broadcast %jit3A_37 : f32 to vector<64x80xf32>
    %max3A_40 = arith.maximumf %max3A_39, %get3A_30 : vector<64x80xf32>
    %min3A_41 = vector.broadcast %jit3A_38 : f32 to vector<64x80xf32>
    %min3A_42 = arith.minimumf %min3A_41, %max3A_40 : vector<64x80xf32>
    %sub3A_43 = arith.constant 1.000000e+00 : f32
    %sub3A_44 = vector.broadcast %sub3A_43 : f32 to vector<64x80xf32>
    %sub3A_45 = arith.subf %sub3A_44, %get3A_36 : vector<64x80xf32>
    %mul3A_46 = arith.mulf %sub3A_45, %sub3A_45 : vector<64x80xf32>
    %mul3A_47 = arith.mulf %mul3A_46, %mul3A_46 : vector<64x80xf32>
    %sub3A_48 = arith.constant 1.000000e+00 : f32
    %sub3A_49 = vector.broadcast %sub3A_48 : f32 to vector<64x80xf32>
    %sub3A_50 = arith.subf %sub3A_49, %min3A_42 : vector<64x80xf32>
    %log3A_51 = math.log %sub3A_50 : vector<64x80xf32>
    %mul3A_52 = arith.mulf %min3A_42, %min3A_42 : vector<64x80xf32>
    %mul3A_53 = arith.mulf %log3A_51, %mul3A_52 : vector<64x80xf32>
    %mul3A_54 = arith.mulf %mul3A_53, %mul3A_47 : vector<64x80xf32>
    %sub3A_55 = arith.subf %sub3A_24, %mul3A_54 : vector<64x80xf32>
    %get3A_56 = arith.constant 0 : index
    %get3A_57 = arith.constant 2 : index
    %get3A_58 = arith.constant 0 : index
    %get3A_59 = arith.constant 0 : index
    %get3A_60 = vector.load %arg2[%get3A_56, %get3A_57, %get3A_58, %get3A_59] : memref<1x64x64x80xf32, #tpu.memory_space<vmem>>, vector<1x1x64x80xf32>
    %get3A_61 = vector.shape_cast %get3A_60 : vector<1x1x64x80xf32> to vector<64x80xf32>
    %get3A_62 = arith.constant 0 : index
    %get3A_63 = arith.constant 2 : index
    %get3A_64 = arith.constant 0 : index
    %get3A_65 = arith.constant 0 : index
    %get3A_66 = vector.load %arg3[%get3A_62, %get3A_63, %get3A_64, %get3A_65] : memref<1x64x64x80xf32, #tpu.memory_space<vmem>>, vector<1x1x64x80xf32>
    %get3A_67 = vector.shape_cast %get3A_66 : vector<1x1x64x80xf32> to vector<64x80xf32>
    %jit3A_68 = arith.constant 9.99999997E-7 : f32
    %jit3A_69 = arith.constant 0.999998986 : f32
    %max3A_70 = vector.broadcast %jit3A_68 : f32 to vector<64x80xf32>
    %max3A_71 = arith.maximumf %max3A_70, %get3A_61 : vector<64x80xf32>
    %min3A_72 = vector.broadcast %jit3A_69 : f32 to vector<64x80xf32>
    %min3A_73 = arith.minimumf %min3A_72, %max3A_71 : vector<64x80xf32>
    %sub3A_74 = arith.constant 1.000000e+00 : f32
    %sub3A_75 = vector.broadcast %sub3A_74 : f32 to vector<64x80xf32>
    %sub3A_76 = arith.subf %sub3A_75, %get3A_67 : vector<64x80xf32>
    %mul3A_77 = arith.mulf %sub3A_76, %sub3A_76 : vector<64x80xf32>
    %mul3A_78 = arith.mulf %mul3A_77, %mul3A_77 : vector<64x80xf32>
    %sub3A_79 = arith.constant 1.000000e+00 : f32
    %sub3A_80 = vector.broadcast %sub3A_79 : f32 to vector<64x80xf32>
    %sub3A_81 = arith.subf %sub3A_80, %min3A_73 : vector<64x80xf32>
    %log3A_82 = math.log %sub3A_81 : vector<64x80xf32>
    %mul3A_83 = arith.mulf %min3A_73, %min3A_73 : vector<64x80xf32>
    %mul3A_84 = arith.mulf %log3A_82, %mul3A_83 : vector<64x80xf32>
    %mul3A_85 = arith.mulf %mul3A_84, %mul3A_78 : vector<64x80xf32>
    %sub3A_86 = arith.subf %sub3A_55, %mul3A_85 : vector<64x80xf32>
    %get3A_87 = arith.constant 0 : index
    %get3A_88 = arith.constant 3 : index
    %get3A_89 = arith.constant 0 : index
    %get3A_90 = arith.constant 0 : index
    %get3A_91 = vector.load %arg2[%get3A_87, %get3A_88, %get3A_89, %get3A_90] : memref<1x64x64x80xf32, #tpu.memory_space<vmem>>, vector<1x1x64x80xf32>
    %get3A_92 = vector.shape_cast %get3A_91 : vector<1x1x64x80xf32> to vector<64x80xf32>
    %get3A_93 = arith.constant 0 : index
    %get3A_94 = arith.constant 3 : index
    %get3A_95 = arith.constant 0 : index
    %get3A_96 = arith.constant 0 : index
    %get3A_97 = vector.load %arg3[%get3A_93, %get3A_94, %get3A_95, %get3A_96] : memref<1x64x64x80xf32, #tpu.memory_space<vmem>>, vector<1x1x64x80xf32>
    %get3A_98 = vector.shape_cast %get3A_97 : vector<1x1x64x80xf32> to vector<64x80xf32>
    %jit3A_99 = arith.constant 9.99999997E-7 : f32
    %jit3A_100 = arith.constant 0.999998986 : f32
    %max3A_101 = vector.broadcast %jit3A_99 : f32 to vector<64x80xf32>
    %max3A_102 = arith.maximumf %max3A_101, %get3A_92 : vector<64x80xf32>
    %min3A_103 = vector.broadcast %jit3A_100 : f32 to vector<64x80xf32>
    %min3A_104 = arith.minimumf %min3A_103, %max3A_102 : vector<64x80xf32>
    %sub3A_105 = arith.constant 1.000000e+00 : f32
    %sub3A_106 = vector.broadcast %sub3A_105 : f32 to vector<64x80xf32>
    %sub3A_107 = arith.subf %sub3A_106, %get3A_98 : vector<64x80xf32>
    %mul3A_108 = arith.mulf %sub3A_107, %sub3A_107 : vector<64x80xf32>
    %mul3A_109 = arith.mulf %mul3A_108, %mul3A_108 : vector<64x80xf32>
    %sub3A_110 = arith.constant 1.000000e+00 : f32
    %sub3A_111 = vector.broadcast %sub3A_110 : f32 to vector<64x80xf32>
    %sub3A_112 = arith.subf %sub3A_111, %min3A_104 : vector<64x80xf32>
    %log3A_113 = math.log %sub3A_112 : vector<64x80xf32>
    %mul3A_114 = arith.mulf %min3A_104, %min3A_104 : vector<64x80xf32>
    %mul3A_115 = arith.mulf %log3A_113, %mul3A_114 : vector<64x80xf32>
    %mul3A_116 = arith.mulf %mul3A_115, %mul3A_109 : vector<64x80xf32>
    %sub3A_117 = arith.subf %sub3A_86, %mul3A_116 : vector<64x80xf32>
    %get3A_118 = arith.constant 0 : index
    %get3A_119 = arith.constant 4 : index
    %get3A_120 = arith.constant 0 : index
    %get3A_121 = arith.constant 0 : index
    %get3A_122 = vector.load %arg2[%get3A_118, %get3A_119, %get3A_120, %get3A_121] : memref<1x64x64x80xf32, #tpu.memory_space<vmem>>, vector<1x1x64x80xf32>
    %get3A_123 = vector.shape_cast %get3A_122 : vector<1x1x64x80xf32> to vector<64x80xf32>
    %get3A_124 = arith.constant 0 : index
    %get3A_125 = arith.constant 4 : index
    %get3A_126 = arith.constant 0 : index
    %get3A_127 = arith.constant 0 : index
    %get3A_128 = vector.load %arg3[%get3A_124, %get3A_125, %get3A_126, %get3A_127] : memref<1x64x64x80xf32, #tpu.memory_space<vmem>>, vector<1x1x64x80xf32>
    %get3A_129 = vector.shape_cast %get3A_128 : vector<1x1x64x80xf32> to vector<64x80xf32>
    %jit3A_130 = arith.constant 9.99999997E-7 : f32
    %jit3A_131 = arith.constant 0.999998986 : f32
    %max3A_132 = vector.broadcast %jit3A_130 : f32 to vector<64x80xf32>
    %max3A_133 = arith.maximumf %max3A_132, %get3A_123 : vector<64x80xf32>
    %min3A_134 = vector.broadcast %jit3A_131 : f32 to vector<64x80xf32>
    %min3A_135 = arith.minimumf %min3A_134, %max3A_133 : vector<64x80xf32>
    %sub3A_136 = arith.constant 1.000000e+00 : f32
    %sub3A_137 = vector.broadcast %sub3A_136 : f32 to vector<64x80xf32>
    %sub3A_138 = arith.subf %sub3A_137, %get3A_129 : vector<64x80xf32>
    %mul3A_139 = arith.mulf %sub3A_138, %sub3A_138 : vector<64x80xf32>
    %mul3A_140 = arith.mulf %mul3A_139, %mul3A_139 : vector<64x80xf32>
    %sub3A_141 = arith.constant 1.000000e+00 : f32
    %sub3A_142 = vector.broadcast %sub3A_141 : f32 to vector<64x80xf32>
    %sub3A_143 = arith.subf %sub3A_142, %min3A_135 : vector<64x80xf32>
    %log3A_144 = math.log %sub3A_143 : vector<64x80xf32>
    %mul3A_145 = arith.mulf %min3A_135, %min3A_135 : vector<64x80xf32>
    %mul3A_146 = arith.mulf %log3A_144, %mul3A_145 : vector<64x80xf32>
    %mul3A_147 = arith.mulf %mul3A_146, %mul3A_140 : vector<64x80xf32>
    %sub3A_148 = arith.subf %sub3A_117, %mul3A_147 : vector<64x80xf32>
    %get3A_149 = arith.constant 0 : index
    %get3A_150 = arith.constant 5 : index
    %get3A_151 = arith.constant 0 : index
    %get3A_152 = arith.constant 0 : index
    %get3A_153 = vector.load %arg2[%get3A_149, %get3A_150, %get3A_151, %get3A_152] : memref<1x64x64x80xf32, #tpu.memory_space<vmem>>, vector<1x1x64x80xf32>
    %get3A_154 = vector.shape_cast %get3A_153 : vector<1x1x64x80xf32> to vector<64x80xf32>
    %get3A_155 = arith.constant 0 : index
    %get3A_156 = arith.constant 5 : index
    %get3A_157 = arith.constant 0 : index
    %get3A_158 = arith.constant 0 : index
    %get3A_159 = vector.load %arg3[%get3A_155, %get3A_156, %get3A_157, %get3A_158] : memref<1x64x64x80xf32, #tpu.memory_space<vmem>>, vector<1x1x64x80xf32>
    %get3A_160 = vector.shape_cast %get3A_159 : vector<1x1x64x80xf32> to vector<64x80xf32>
    %jit3A_161 = arith.constant 9.99999997E-7 : f32
    %jit3A_162 = arith.constant 0.999998986 : f32
    %max3A_163 = vector.broadcast %jit3A_161 : f32 to vector<64x80xf32>
    %max3A_164 = arith.maximumf %max3A_163, %get3A_154 : vector<64x80xf32>
    %min3A_165 = vector.broadcast %jit3A_162 : f32 to vector<64x80xf32>
    %min3A_166 = arith.minimumf %min3A_165, %max3A_164 : vector<64x80xf32>
    %sub3A_167 = arith.constant 1.000000e+00 : f32
    %sub3A_168 = vector.broadcast %sub3A_167 : f32 to vector<64x80xf32>
    %sub3A_169 = arith.subf %sub3A_168, %get3A_160 : vector<64x80xf32>
    %mul3A_170 = arith.mulf %sub3A_169, %sub3A_169 : vector<64x80xf32>
    %mul3A_171 = arith.mulf %mul3A_170, %mul3A_170 : vector<64x80xf32>
    %sub3A_172 = arith.constant 1.000000e+00 : f32
    %sub3A_173 = vector.broadcast %sub3A_172 : f32 to vector<64x80xf32>
    %sub3A_174 = arith.subf %sub3A_173, %min3A_166 : vector<64x80xf32>
    %log3A_175 = math.log %sub3A_174 : vector<64x80xf32>
    %mul3A_176 = arith.mulf %min3A_166, %min3A_166 : vector<64x80xf32>
    %mul3A_177 = arith.mulf %log3A_175, %mul3A_176 : vector<64x80xf32>
    %mul3A_178 = arith.mulf %mul3A_177, %mul3A_171 : vector<64x80xf32>
    %sub3A_179 = arith.subf %sub3A_148, %mul3A_178 : vector<64x80xf32>
    %get3A_180 = arith.constant 0 : index
    %get3A_181 = arith.constant 6 : index
    %get3A_182 = arith.constant 0 : index
    %get3A_183 = arith.constant 0 : index
    %get3A_184 = vector.load %arg2[%get3A_180, %get3A_181, %get3A_182, %get3A_183] : memref<1x64x64x80xf32, #tpu.memory_space<vmem>>, vector<1x1x64x80xf32>
    %get3A_185 = vector.shape_cast %get3A_184 : vector<1x1x64x80xf32> to vector<64x80xf32>
    %get3A_186 = arith.constant 0 : index
    %get3A_187 = arith.constant 6 : index
    %get3A_188 = arith.constant 0 : index
    %get3A_189 = arith.constant 0 : index
    %get3A_190 = vector.load %arg3[%get3A_186, %get3A_187, %get3A_188, %get3A_189] : memref<1x64x64x80xf32, #tpu.memory_space<vmem>>, vector<1x1x64x80xf32>
    %get3A_191 = vector.shape_cast %get3A_190 : vector<1x1x64x80xf32> to vector<64x80xf32>
    %jit3A_192 = arith.constant 9.99999997E-7 : f32
    %jit3A_193 = arith.constant 0.999998986 : f32
    %max3A_194 = vector.broadcast %jit3A_192 : f32 to vector<64x80xf32>
    %max3A_195 = arith.maximumf %max3A_194, %get3A_185 : vector<64x80xf32>
    %min3A_196 = vector.broadcast %jit3A_193 : f32 to vector<64x80xf32>
    %min3A_197 = arith.minimumf %min3A_196, %max3A_195 : vector<64x80xf32>
    %sub3A_198 = arith.constant 1.000000e+00 : f32
    %sub3A_199 = vector.broadcast %sub3A_198 : f32 to vector<64x80xf32>
    %sub3A_200 = arith.subf %sub3A_199, %get3A_191 : vector<64x80xf32>
    %mul3A_201 = arith.mulf %sub3A_200, %sub3A_200 : vector<64x80xf32>
    %mul3A_202 = arith.mulf %mul3A_201, %mul3A_201 : vector<64x80xf32>
    %sub3A_203 = arith.constant 1.000000e+00 : f32
    %sub3A_204 = vector.broadcast %sub3A_203 : f32 to vector<64x80xf32>
    %sub3A_205 = arith.subf %sub3A_204, %min3A_197 : vector<64x80xf32>
    %log3A_206 = math.log %sub3A_205 : vector<64x80xf32>
    %mul3A_207 = arith.mulf %min3A_197, %min3A_197 : vector<64x80xf32>
    %mul3A_208 = arith.mulf %log3A_206, %mul3A_207 : vector<64x80xf32>
    %mul3A_209 = arith.mulf %mul3A_208, %mul3A_202 : vector<64x80xf32>
    %sub3A_210 = arith.subf %sub3A_179, %mul3A_209 : vector<64x80xf32>
    %get3A_211 = arith.constant 0 : index
    %get3A_212 = arith.constant 7 : index
    %get3A_213 = arith.constant 0 : index
    %get3A_214 = arith.constant 0 : index
    %get3A_215 = vector.load %arg2[%get3A_211, %get3A_212, %get3A_213, %get3A_214] : memref<1x64x64x80xf32, #tpu.memory_space<vmem>>, vector<1x1x64x80xf32>
    %get3A_216 = vector.shape_cast %get3A_215 : vector<1x1x64x80xf32> to vector<64x80xf32>
    %get3A_217 = arith.constant 0 : index
    %get3A_218 = arith.constant 7 : index
    %get3A_219 = arith.constant 0 : index
    %get3A_220 = arith.constant 0 : index
    %get3A_221 = vector.load %arg3[%get3A_217, %get3A_218, %get3A_219, %get3A_220] : memref<1x64x64x80xf32, #tpu.memory_space<vmem>>, vector<1x1x64x80xf32>
    %get3A_222 = vector.shape_cast %get3A_221 : vector<1x1x64x80xf32> to vector<64x80xf32>
    %jit3A_223 = arith.constant 9.99999997E-7 : f32
    %jit3A_224 = arith.constant 0.999998986 : f32
    %max3A_225 = vector.broadcast %jit3A_223 : f32 to vector<64x80xf32>
    %max3A_226 = arith.maximumf %max3A_225, %get3A_216 : vector<64x80xf32>
    %min3A_227 = vector.broadcast %jit3A_224 : f32 to vector<64x80xf32>
    %min3A_228 = arith.minimumf %min3A_227, %max3A_226 : vector<64x80xf32>
    %sub3A_229 = arith.constant 1.000000e+00 : f32
    %sub3A_230 = vector.broadcast %sub3A_229 : f32 to vector<64x80xf32>
    %sub3A_231 = arith.subf %sub3A_230, %get3A_222 : vector<64x80xf32>
    %mul3A_232 = arith.mulf %sub3A_231, %sub3A_231 : vector<64x80xf32>
    %mul3A_233 = arith.mulf %mul3A_232, %mul3A_232 : vector<64x80xf32>
    %sub3A_234 = arith.constant 1.000000e+00 : f32
    %sub3A_235 = vector.broadcast %sub3A_234 : f32 to vector<64x80xf32>
    %sub3A_236 = arith.subf %sub3A_235, %min3A_228 : vector<64x80xf32>
    %log3A_237 = math.log %sub3A_236 : vector<64x80xf32>
    %mul3A_238 = arith.mulf %min3A_228, %min3A_228 : vector<64x80xf32>
    %mul3A_239 = arith.mulf %log3A_237, %mul3A_238 : vector<64x80xf32>
    %mul3A_240 = arith.mulf %mul3A_239, %mul3A_233 : vector<64x80xf32>
    %sub3A_241 = arith.subf %sub3A_210, %mul3A_240 : vector<64x80xf32>
    %get3A_242 = arith.constant 0 : index
    %get3A_243 = arith.constant 8 : index
    %get3A_244 = arith.constant 0 : index
    %get3A_245 = arith.constant 0 : index
    %get3A_246 = vector.load %arg2[%get3A_242, %get3A_243, %get3A_244, %get3A_245] : memref<1x64x64x80xf32, #tpu.memory_space<vmem>>, vector<1x1x64x80xf32>
    %get3A_247 = vector.shape_cast %get3A_246 : vector<1x1x64x80xf32> to vector<64x80xf32>
    %get3A_248 = arith.constant 0 : index
    %get3A_249 = arith.constant 8 : index
    %get3A_250 = arith.constant 0 : index
    %get3A_251 = arith.constant 0 : index
    %get3A_252 = vector.load %arg3[%get3A_248, %get3A_249, %get3A_250, %get3A_251] : memref<1x64x64x80xf32, #tpu.memory_space<vmem>>, vector<1x1x64x80xf32>
    %get3A_253 = vector.shape_cast %get3A_252 : vector<1x1x64x80xf32> to vector<64x80xf32>
    %jit3A_254 = arith.constant 9.99999997E-7 : f32
    %jit3A_255 = arith.constant 0.999998986 : f32
    %max3A_256 = vector.broadcast %jit3A_254 : f32 to vector<64x80xf32>
    %max3A_257 = arith.maximumf %max3A_256, %get3A_247 : vector<64x80xf32>
    %min3A_258 = vector.broadcast %jit3A_255 : f32 to vector<64x80xf32>
    %min3A_259 = arith.minimumf %min3A_258, %max3A_257 : vector<64x80xf32>
    %sub3A_260 = arith.constant 1.000000e+00 : f32
    %sub3A_261 = vector.broadcast %sub3A_260 : f32 to vector<64x80xf32>
    %sub3A_262 = arith.subf %sub3A_261, %get3A_253 : vector<64x80xf32>
    %mul3A_263 = arith.mulf %sub3A_262, %sub3A_262 : vector<64x80xf32>
    %mul3A_264 = arith.mulf %mul3A_263, %mul3A_263 : vector<64x80xf32>
    %sub3A_265 = arith.constant 1.000000e+00 : f32
    %sub3A_266 = vector.broadcast %sub3A_265 : f32 to vector<64x80xf32>
    %sub3A_267 = arith.subf %sub3A_266, %min3A_259 : vector<64x80xf32>
    %log3A_268 = math.log %sub3A_267 : vector<64x80xf32>
    %mul3A_269 = arith.mulf %min3A_259, %min3A_259 : vector<64x80xf32>
    %mul3A_270 = arith.mulf %log3A_268, %mul3A_269 : vector<64x80xf32>
    %mul3A_271 = arith.mulf %mul3A_270, %mul3A_264 : vector<64x80xf32>
    %sub3A_272 = arith.subf %sub3A_241, %mul3A_271 : vector<64x80xf32>
    %get3A_273 = arith.constant 0 : index
    %get3A_274 = arith.constant 9 : index
    %get3A_275 = arith.constant 0 : index
    %get3A_276 = arith.constant 0 : index
    %get3A_277 = vector.load %arg2[%get3A_273, %get3A_274, %get3A_275, %get3A_276] : memref<1x64x64x80xf32, #tpu.memory_space<vmem>>, vector<1x1x64x80xf32>
    %get3A_278 = vector.shape_cast %get3A_277 : vector<1x1x64x80xf32> to vector<64x80xf32>
    %get3A_279 = arith.constant 0 : index
    %get3A_280 = arith.constant 9 : index
    %get3A_281 = arith.constant 0 : index
    %get3A_282 = arith.constant 0 : index
    %get3A_283 = vector.load %arg3[%get3A_279, %get3A_280, %get3A_281, %get3A_282] : memref<1x64x64x80xf32, #tpu.memory_space<vmem>>, vector<1x1x64x80xf32>
    %get3A_284 = vector.shape_cast %get3A_283 : vector<1x1x64x80xf32> to vector<64x80xf32>
    %jit3A_285 = arith.constant 9.99999997E-7 : f32
    %jit3A_286 = arith.constant 0.999998986 : f32
    %max3A_287 = vector.broadcast %jit3A_285 : f32 to vector<64x80xf32>
    %max3A_288 = arith.maximumf %max3A_287, %get3A_278 : vector<64x80xf32>
    %min3A_289 = vector.broadcast %jit3A_286 : f32 to vector<64x80xf32>
    %min3A_290 = arith.minimumf %min3A_289, %max3A_288 : vector<64x80xf32>
    %sub3A_291 = arith.constant 1.000000e+00 : f32
    %sub3A_292 = vector.broadcast %sub3A_291 : f32 to vector<64x80xf32>
    %sub3A_293 = arith.subf %sub3A_292, %get3A_284 : vector<64x80xf32>
    %mul3A_294 = arith.mulf %sub3A_293, %sub3A_293 : vector<64x80xf32>
    %mul3A_295 = arith.mulf %mul3A_294, %mul3A_294 : vector<64x80xf32>
    %sub3A_296 = arith.constant 1.000000e+00 : f32
    %sub3A_297 = vector.broadcast %sub3A_296 : f32 to vector<64x80xf32>
    %sub3A_298 = arith.subf %sub3A_297, %min3A_290 : vector<64x80xf32>
    %log3A_299 = math.log %sub3A_298 : vector<64x80xf32>
    %mul3A_300 = arith.mulf %min3A_290, %min3A_290 : vector<64x80xf32>
    %mul3A_301 = arith.mulf %log3A_299, %mul3A_300 : vector<64x80xf32>
    %mul3A_302 = arith.mulf %mul3A_301, %mul3A_295 : vector<64x80xf32>
    %sub3A_303 = arith.subf %sub3A_272, %mul3A_302 : vector<64x80xf32>
    %get3A_304 = arith.constant 0 : index
    %get3A_305 = arith.constant 10 : index
    %get3A_306 = arith.constant 0 : index
    %get3A_307 = arith.constant 0 : index
    %get3A_308 = vector.load %arg2[%get3A_304, %get3A_305, %get3A_306, %get3A_307] : memref<1x64x64x80xf32, #tpu.memory_space<vmem>>, vector<1x1x64x80xf32>
    %get3A_309 = vector.shape_cast %get3A_308 : vector<1x1x64x80xf32> to vector<64x80xf32>
    %get3A_310 = arith.constant 0 : index
    %get3A_311 = arith.constant 10 : index
    %get3A_312 = arith.constant 0 : index
    %get3A_313 = arith.constant 0 : index
    %get3A_314 = vector.load %arg3[%get3A_310, %get3A_311, %get3A_312, %get3A_313] : memref<1x64x64x80xf32, #tpu.memory_space<vmem>>, vector<1x1x64x80xf32>
    %get3A_315 = vector.shape_cast %get3A_314 : vector<1x1x64x80xf32> to vector<64x80xf32>
    %jit3A_316 = arith.constant 9.99999997E-7 : f32
    %jit3A_317 = arith.constant 0.999998986 : f32
    %max3A_318 = vector.broadcast %jit3A_316 : f32 to vector<64x80xf32>
    %max3A_319 = arith.maximumf %max3A_318, %get3A_309 : vector<64x80xf32>
    %min3A_320 = vector.broadcast %jit3A_317 : f32 to vector<64x80xf32>
    %min3A_321 = arith.minimumf %min3A_320, %max3A_319 : vector<64x80xf32>
    %sub3A_322 = arith.constant 1.000000e+00 : f32
    %sub3A_323 = vector.broadcast %sub3A_322 : f32 to vector<64x80xf32>
    %sub3A_324 = arith.subf %sub3A_323, %get3A_315 : vector<64x80xf32>
    %mul3A_325 = arith.mulf %sub3A_324, %sub3A_324 : vector<64x80xf32>
    %mul3A_326 = arith.mulf %mul3A_325, %mul3A_325 : vector<64x80xf32>
    %sub3A_327 = arith.constant 1.000000e+00 : f32
    %sub3A_328 = vector.broadcast %sub3A_327 : f32 to vector<64x80xf32>
    %sub3A_329 = arith.subf %sub3A_328, %min3A_321 : vector<64x80xf32>
    %log3A_330 = math.log %sub3A_329 : vector<64x80xf32>
    %mul3A_331 = arith.mulf %min3A_321, %min3A_321 : vector<64x80xf32>
    %mul3A_332 = arith.mulf %log3A_330, %mul3A_331 : vector<64x80xf32>
    %mul3A_333 = arith.mulf %mul3A_332, %mul3A_326 : vector<64x80xf32>
    %sub3A_334 = arith.subf %sub3A_303, %mul3A_333 : vector<64x80xf32>
    %get3A_335 = arith.constant 0 : index
    %get3A_336 = arith.constant 11 : index
    %get3A_337 = arith.constant 0 : index
    %get3A_338 = arith.constant 0 : index
    %get3A_339 = vector.load %arg2[%get3A_335, %get3A_336, %get3A_337, %get3A_338] : memref<1x64x64x80xf32, #tpu.memory_space<vmem>>, vector<1x1x64x80xf32>
    %get3A_340 = vector.shape_cast %get3A_339 : vector<1x1x64x80xf32> to vector<64x80xf32>
    %get3A_341 = arith.constant 0 : index
    %get3A_342 = arith.constant 11 : index
    %get3A_343 = arith.constant 0 : index
    %get3A_344 = arith.constant 0 : index
    %get3A_345 = vector.load %arg3[%get3A_341, %get3A_342, %get3A_343, %get3A_344] : memref<1x64x64x80xf32, #tpu.memory_space<vmem>>, vector<1x1x64x80xf32>
    %get3A_346 = vector.shape_cast %get3A_345 : vector<1x1x64x80xf32> to vector<64x80xf32>
    %jit3A_347 = arith.constant 9.99999997E-7 : f32
    %jit3A_348 = arith.constant 0.999998986 : f32
    %max3A_349 = vector.broadcast %jit3A_347 : f32 to vector<64x80xf32>
    %max3A_350 = arith.maximumf %max3A_349, %get3A_340 : vector<64x80xf32>
    %min3A_351 = vector.broadcast %jit3A_348 : f32 to vector<64x80xf32>
    %min3A_352 = arith.minimumf %min3A_351, %max3A_350 : vector<64x80xf32>
    %sub3A_353 = arith.constant 1.000000e+00 : f32
    %sub3A_354 = vector.broadcast %sub3A_353 : f32 to vector<64x80xf32>
    %sub3A_355 = arith.subf %sub3A_354, %get3A_346 : vector<64x80xf32>
    %mul3A_356 = arith.mulf %sub3A_355, %sub3A_355 : vector<64x80xf32>
    %mul3A_357 = arith.mulf %mul3A_356, %mul3A_356 : vector<64x80xf32>
    %sub3A_358 = arith.constant 1.000000e+00 : f32
    %sub3A_359 = vector.broadcast %sub3A_358 : f32 to vector<64x80xf32>
    %sub3A_360 = arith.subf %sub3A_359, %min3A_352 : vector<64x80xf32>
    %log3A_361 = math.log %sub3A_360 : vector<64x80xf32>
    %mul3A_362 = arith.mulf %min3A_352, %min3A_352 : vector<64x80xf32>
    %mul3A_363 = arith.mulf %log3A_361, %mul3A_362 : vector<64x80xf32>
    %mul3A_364 = arith.mulf %mul3A_363, %mul3A_357 : vector<64x80xf32>
    %sub3A_365 = arith.subf %sub3A_334, %mul3A_364 : vector<64x80xf32>
    %get3A_366 = arith.constant 0 : index
    %get3A_367 = arith.constant 12 : index
    %get3A_368 = arith.constant 0 : index
    %get3A_369 = arith.constant 0 : index
    %get3A_370 = vector.load %arg2[%get3A_366, %get3A_367, %get3A_368, %get3A_369] : memref<1x64x64x80xf32, #tpu.memory_space<vmem>>, vector<1x1x64x80xf32>
    %get3A_371 = vector.shape_cast %get3A_370 : vector<1x1x64x80xf32> to vector<64x80xf32>
    %get3A_372 = arith.constant 0 : index
    %get3A_373 = arith.constant 12 : index
    %get3A_374 = arith.constant 0 : index
    %get3A_375 = arith.constant 0 : index
    %get3A_376 = vector.load %arg3[%get3A_372, %get3A_373, %get3A_374, %get3A_375] : memref<1x64x64x80xf32, #tpu.memory_space<vmem>>, vector<1x1x64x80xf32>
    %get3A_377 = vector.shape_cast %get3A_376 : vector<1x1x64x80xf32> to vector<64x80xf32>
    %jit3A_378 = arith.constant 9.99999997E-7 : f32
    %jit3A_379 = arith.constant 0.999998986 : f32
    %max3A_380 = vector.broadcast %jit3A_378 : f32 to vector<64x80xf32>
    %max3A_381 = arith.maximumf %max3A_380, %get3A_371 : vector<64x80xf32>
    %min3A_382 = vector.broadcast %jit3A_379 : f32 to vector<64x80xf32>
    %min3A_383 = arith.minimumf %min3A_382, %max3A_381 : vector<64x80xf32>
    %sub3A_384 = arith.constant 1.000000e+00 : f32
    %sub3A_385 = vector.broadcast %sub3A_384 : f32 to vector<64x80xf32>
    %sub3A_386 = arith.subf %sub3A_385, %get3A_377 : vector<64x80xf32>
    %mul3A_387 = arith.mulf %sub3A_386, %sub3A_386 : vector<64x80xf32>
    %mul3A_388 = arith.mulf %mul3A_387, %mul3A_387 : vector<64x80xf32>
    %sub3A_389 = arith.constant 1.000000e+00 : f32
    %sub3A_390 = vector.broadcast %sub3A_389 : f32 to vector<64x80xf32>
    %sub3A_391 = arith.subf %sub3A_390, %min3A_383 : vector<64x80xf32>
    %log3A_392 = math.log %sub3A_391 : vector<64x80xf32>
    %mul3A_393 = arith.mulf %min3A_383, %min3A_383 : vector<64x80xf32>
    %mul3A_394 = arith.mulf %log3A_392, %mul3A_393 : vector<64x80xf32>
    %mul3A_395 = arith.mulf %mul3A_394, %mul3A_388 : vector<64x80xf32>
    %sub3A_396 = arith.subf %sub3A_365, %mul3A_395 : vector<64x80xf32>
    %get3A_397 = arith.constant 0 : index
    %get3A_398 = arith.constant 13 : index
    %get3A_399 = arith.constant 0 : index
    %get3A_400 = arith.constant 0 : index
    %get3A_401 = vector.load %arg2[%get3A_397, %get3A_398, %get3A_399, %get3A_400] : memref<1x64x64x80xf32, #tpu.memory_space<vmem>>, vector<1x1x64x80xf32>
    %get3A_402 = vector.shape_cast %get3A_401 : vector<1x1x64x80xf32> to vector<64x80xf32>
    %get3A_403 = arith.constant 0 : index
    %get3A_404 = arith.constant 13 : index
    %get3A_405 = arith.constant 0 : index
    %get3A_406 = arith.constant 0 : index
    %get3A_407 = vector.load %arg3[%get3A_403, %get3A_404, %get3A_405, %get3A_406] : memref<1x64x64x80xf32, #tpu.memory_space<vmem>>, vector<1x1x64x80xf32>
    %get3A_408 = vector.shape_cast %get3A_407 : vector<1x1x64x80xf32> to vector<64x80xf32>
    %jit3A_409 = arith.constant 9.99999997E-7 : f32
    %jit3A_410 = arith.constant 0.999998986 : f32
    %max3A_411 = vector.broadcast %jit3A_409 : f32 to vector<64x80xf32>
    %max3A_412 = arith.maximumf %max3A_411, %get3A_402 : vector<64x80xf32>
    %min3A_413 = vector.broadcast %jit3A_410 : f32 to vector<64x80xf32>
    %min3A_414 = arith.minimumf %min3A_413, %max3A_412 : vector<64x80xf32>
    %sub3A_415 = arith.constant 1.000000e+00 : f32
    %sub3A_416 = vector.broadcast %sub3A_415 : f32 to vector<64x80xf32>
    %sub3A_417 = arith.subf %sub3A_416, %get3A_408 : vector<64x80xf32>
    %mul3A_418 = arith.mulf %sub3A_417, %sub3A_417 : vector<64x80xf32>
    %mul3A_419 = arith.mulf %mul3A_418, %mul3A_418 : vector<64x80xf32>
    %sub3A_420 = arith.constant 1.000000e+00 : f32
    %sub3A_421 = vector.broadcast %sub3A_420 : f32 to vector<64x80xf32>
    %sub3A_422 = arith.subf %sub3A_421, %min3A_414 : vector<64x80xf32>
    %log3A_423 = math.log %sub3A_422 : vector<64x80xf32>
    %mul3A_424 = arith.mulf %min3A_414, %min3A_414 : vector<64x80xf32>
    %mul3A_425 = arith.mulf %log3A_423, %mul3A_424 : vector<64x80xf32>
    %mul3A_426 = arith.mulf %mul3A_425, %mul3A_419 : vector<64x80xf32>
    %sub3A_427 = arith.subf %sub3A_396, %mul3A_426 : vector<64x80xf32>
    %get3A_428 = arith.constant 0 : index
    %get3A_429 = arith.constant 14 : index
    %get3A_430 = arith.constant 0 : index
    %get3A_431 = arith.constant 0 : index
    %get3A_432 = vector.load %arg2[%get3A_428, %get3A_429, %get3A_430, %get3A_431] : memref<1x64x64x80xf32, #tpu.memory_space<vmem>>, vector<1x1x64x80xf32>
    %get3A_433 = vector.shape_cast %get3A_432 : vector<1x1x64x80xf32> to vector<64x80xf32>
    %get3A_434 = arith.constant 0 : index
    %get3A_435 = arith.constant 14 : index
    %get3A_436 = arith.constant 0 : index
    %get3A_437 = arith.constant 0 : index
    %get3A_438 = vector.load %arg3[%get3A_434, %get3A_435, %get3A_436, %get3A_437] : memref<1x64x64x80xf32, #tpu.memory_space<vmem>>, vector<1x1x64x80xf32>
    %get3A_439 = vector.shape_cast %get3A_438 : vector<1x1x64x80xf32> to vector<64x80xf32>
    %jit3A_440 = arith.constant 9.99999997E-7 : f32
    %jit3A_441 = arith.constant 0.999998986 : f32
    %max3A_442 = vector.broadcast %jit3A_440 : f32 to vector<64x80xf32>
    %max3A_443 = arith.maximumf %max3A_442, %get3A_433 : vector<64x80xf32>
    %min3A_444 = vector.broadcast %jit3A_441 : f32 to vector<64x80xf32>
    %min3A_445 = arith.minimumf %min3A_444, %max3A_443 : vector<64x80xf32>
    %sub3A_446 = arith.constant 1.000000e+00 : f32
    %sub3A_447 = vector.broadcast %sub3A_446 : f32 to vector<64x80xf32>
    %sub3A_448 = arith.subf %sub3A_447, %get3A_439 : vector<64x80xf32>
    %mul3A_449 = arith.mulf %sub3A_448, %sub3A_448 : vector<64x80xf32>
    %mul3A_450 = arith.mulf %mul3A_449, %mul3A_449 : vector<64x80xf32>
    %sub3A_451 = arith.constant 1.000000e+00 : f32
    %sub3A_452 = vector.broadcast %sub3A_451 : f32 to vector<64x80xf32>
    %sub3A_453 = arith.subf %sub3A_452, %min3A_445 : vector<64x80xf32>
    %log3A_454 = math.log %sub3A_453 : vector<64x80xf32>
    %mul3A_455 = arith.mulf %min3A_445, %min3A_445 : vector<64x80xf32>
    %mul3A_456 = arith.mulf %log3A_454, %mul3A_455 : vector<64x80xf32>
    %mul3A_457 = arith.mulf %mul3A_456, %mul3A_450 : vector<64x80xf32>
    %sub3A_458 = arith.subf %sub3A_427, %mul3A_457 : vector<64x80xf32>
    %get3A_459 = arith.constant 0 : index
    %get3A_460 = arith.constant 15 : index
    %get3A_461 = arith.constant 0 : index
    %get3A_462 = arith.constant 0 : index
    %get3A_463 = vector.load %arg2[%get3A_459, %get3A_460, %get3A_461, %get3A_462] : memref<1x64x64x80xf32, #tpu.memory_space<vmem>>, vector<1x1x64x80xf32>
    %get3A_464 = vector.shape_cast %get3A_463 : vector<1x1x64x80xf32> to vector<64x80xf32>
    %get3A_465 = arith.constant 0 : index
    %get3A_466 = arith.constant 15 : index
    %get3A_467 = arith.constant 0 : index
    %get3A_468 = arith.constant 0 : index
    %get3A_469 = vector.load %arg3[%get3A_465, %get3A_466, %get3A_467, %get3A_468] : memref<1x64x64x80xf32, #tpu.memory_space<vmem>>, vector<1x1x64x80xf32>
    %get3A_470 = vector.shape_cast %get3A_469 : vector<1x1x64x80xf32> to vector<64x80xf32>
    %jit3A_471 = arith.constant 9.99999997E-7 : f32
    %jit3A_472 = arith.constant 0.999998986 : f32
    %max3A_473 = vector.broadcast %jit3A_471 : f32 to vector<64x80xf32>
    %max3A_474 = arith.maximumf %max3A_473, %get3A_464 : vector<64x80xf32>
    %min3A_475 = vector.broadcast %jit3A_472 : f32 to vector<64x80xf32>
    %min3A_476 = arith.minimumf %min3A_475, %max3A_474 : vector<64x80xf32>
    %sub3A_477 = arith.constant 1.000000e+00 : f32
    %sub3A_478 = vector.broadcast %sub3A_477 : f32 to vector<64x80xf32>
    %sub3A_479 = arith.subf %sub3A_478, %get3A_470 : vector<64x80xf32>
    %mul3A_480 = arith.mulf %sub3A_479, %sub3A_479 : vector<64x80xf32>
    %mul3A_481 = arith.mulf %mul3A_480, %mul3A_480 : vector<64x80xf32>
    %sub3A_482 = arith.constant 1.000000e+00 : f32
    %sub3A_483 = vector.broadcast %sub3A_482 : f32 to vector<64x80xf32>
    %sub3A_484 = arith.subf %sub3A_483, %min3A_476 : vector<64x80xf32>
    %log3A_485 = math.log %sub3A_484 : vector<64x80xf32>
    %mul3A_486 = arith.mulf %min3A_476, %min3A_476 : vector<64x80xf32>
    %mul3A_487 = arith.mulf %log3A_485, %mul3A_486 : vector<64x80xf32>
    %mul3A_488 = arith.mulf %mul3A_487, %mul3A_481 : vector<64x80xf32>
    %sub3A_489 = arith.subf %sub3A_458, %mul3A_488 : vector<64x80xf32>
    %get3A_490 = arith.constant 0 : index
    %get3A_491 = arith.constant 16 : index
    %get3A_492 = arith.constant 0 : index
    %get3A_493 = arith.constant 0 : index
    %get3A_494 = vector.load %arg2[%get3A_490, %get3A_491, %get3A_492, %get3A_493] : memref<1x64x64x80xf32, #tpu.memory_space<vmem>>, vector<1x1x64x80xf32>
    %get3A_495 = vector.shape_cast %get3A_494 : vector<1x1x64x80xf32> to vector<64x80xf32>
    %get3A_496 = arith.constant 0 : index
    %get3A_497 = arith.constant 16 : index
    %get3A_498 = arith.constant 0 : index
    %get3A_499 = arith.constant 0 : index
    %get3A_500 = vector.load %arg3[%get3A_496, %get3A_497, %get3A_498, %get3A_499] : memref<1x64x64x80xf32, #tpu.memory_space<vmem>>, vector<1x1x64x80xf32>
    %get3A_501 = vector.shape_cast %get3A_500 : vector<1x1x64x80xf32> to vector<64x80xf32>
    %jit3A_502 = arith.constant 9.99999997E-7 : f32
    %jit3A_503 = arith.constant 0.999998986 : f32
    %max3A_504 = vector.broadcast %jit3A_502 : f32 to vector<64x80xf32>
    %max3A_505 = arith.maximumf %max3A_504, %get3A_495 : vector<64x80xf32>
    %min3A_506 = vector.broadcast %jit3A_503 : f32 to vector<64x80xf32>
    %min3A_507 = arith.minimumf %min3A_506, %max3A_505 : vector<64x80xf32>
    %sub3A_508 = arith.constant 1.000000e+00 : f32
    %sub3A_509 = vector.broadcast %sub3A_508 : f32 to vector<64x80xf32>
    %sub3A_510 = arith.subf %sub3A_509, %get3A_501 : vector<64x80xf32>
    %mul3A_511 = arith.mulf %sub3A_510, %sub3A_510 : vector<64x80xf32>
    %mul3A_512 = arith.mulf %mul3A_511, %mul3A_511 : vector<64x80xf32>
    %sub3A_513 = arith.constant 1.000000e+00 : f32
    %sub3A_514 = vector.broadcast %sub3A_513 : f32 to vector<64x80xf32>
    %sub3A_515 = arith.subf %sub3A_514, %min3A_507 : vector<64x80xf32>
    %log3A_516 = math.log %sub3A_515 : vector<64x80xf32>
    %mul3A_517 = arith.mulf %min3A_507, %min3A_507 : vector<64x80xf32>
    %mul3A_518 = arith.mulf %log3A_516, %mul3A_517 : vector<64x80xf32>
    %mul3A_519 = arith.mulf %mul3A_518, %mul3A_512 : vector<64x80xf32>
    %sub3A_520 = arith.subf %sub3A_489, %mul3A_519 : vector<64x80xf32>
    %get3A_521 = arith.constant 0 : index
    %get3A_522 = arith.constant 17 : index
    %get3A_523 = arith.constant 0 : index
    %get3A_524 = arith.constant 0 : index
    %get3A_525 = vector.load %arg2[%get3A_521, %get3A_522, %get3A_523, %get3A_524] : memref<1x64x64x80xf32, #tpu.memory_space<vmem>>, vector<1x1x64x80xf32>
    %get3A_526 = vector.shape_cast %get3A_525 : vector<1x1x64x80xf32> to vector<64x80xf32>
    %get3A_527 = arith.constant 0 : index
    %get3A_528 = arith.constant 17 : index
    %get3A_529 = arith.constant 0 : index
    %get3A_530 = arith.constant 0 : index
    %get3A_531 = vector.load %arg3[%get3A_527, %get3A_528, %get3A_529, %get3A_530] : memref<1x64x64x80xf32, #tpu.memory_space<vmem>>, vector<1x1x64x80xf32>
    %get3A_532 = vector.shape_cast %get3A_531 : vector<1x1x64x80xf32> to vector<64x80xf32>
    %jit3A_533 = arith.constant 9.99999997E-7 : f32
    %jit3A_534 = arith.constant 0.999998986 : f32
    %max3A_535 = vector.broadcast %jit3A_533 : f32 to vector<64x80xf32>
    %max3A_536 = arith.maximumf %max3A_535, %get3A_526 : vector<64x80xf32>
    %min3A_537 = vector.broadcast %jit3A_534 : f32 to vector<64x80xf32>
    %min3A_538 = arith.minimumf %min3A_537, %max3A_536 : vector<64x80xf32>
    %sub3A_539 = arith.constant 1.000000e+00 : f32
    %sub3A_540 = vector.broadcast %sub3A_539 : f32 to vector<64x80xf32>
    %sub3A_541 = arith.subf %sub3A_540, %get3A_532 : vector<64x80xf32>
    %mul3A_542 = arith.mulf %sub3A_541, %sub3A_541 : vector<64x80xf32>
    %mul3A_543 = arith.mulf %mul3A_542, %mul3A_542 : vector<64x80xf32>
    %sub3A_544 = arith.constant 1.000000e+00 : f32
    %sub3A_545 = vector.broadcast %sub3A_544 : f32 to vector<64x80xf32>
    %sub3A_546 = arith.subf %sub3A_545, %min3A_538 : vector<64x80xf32>
    %log3A_547 = math.log %sub3A_546 : vector<64x80xf32>
    %mul3A_548 = arith.mulf %min3A_538, %min3A_538 : vector<64x80xf32>
    %mul3A_549 = arith.mulf %log3A_547, %mul3A_548 : vector<64x80xf32>
    %mul3A_550 = arith.mulf %mul3A_549, %mul3A_543 : vector<64x80xf32>
    %sub3A_551 = arith.subf %sub3A_520, %mul3A_550 : vector<64x80xf32>
    %get3A_552 = arith.constant 0 : index
    %get3A_553 = arith.constant 18 : index
    %get3A_554 = arith.constant 0 : index
    %get3A_555 = arith.constant 0 : index
    %get3A_556 = vector.load %arg2[%get3A_552, %get3A_553, %get3A_554, %get3A_555] : memref<1x64x64x80xf32, #tpu.memory_space<vmem>>, vector<1x1x64x80xf32>
    %get3A_557 = vector.shape_cast %get3A_556 : vector<1x1x64x80xf32> to vector<64x80xf32>
    %get3A_558 = arith.constant 0 : index
    %get3A_559 = arith.constant 18 : index
    %get3A_560 = arith.constant 0 : index
    %get3A_561 = arith.constant 0 : index
    %get3A_562 = vector.load %arg3[%get3A_558, %get3A_559, %get3A_560, %get3A_561] : memref<1x64x64x80xf32, #tpu.memory_space<vmem>>, vector<1x1x64x80xf32>
    %get3A_563 = vector.shape_cast %get3A_562 : vector<1x1x64x80xf32> to vector<64x80xf32>
    %jit3A_564 = arith.constant 9.99999997E-7 : f32
    %jit3A_565 = arith.constant 0.999998986 : f32
    %max3A_566 = vector.broadcast %jit3A_564 : f32 to vector<64x80xf32>
    %max3A_567 = arith.maximumf %max3A_566, %get3A_557 : vector<64x80xf32>
    %min3A_568 = vector.broadcast %jit3A_565 : f32 to vector<64x80xf32>
    %min3A_569 = arith.minimumf %min3A_568, %max3A_567 : vector<64x80xf32>
    %sub3A_570 = arith.constant 1.000000e+00 : f32
    %sub3A_571 = vector.broadcast %sub3A_570 : f32 to vector<64x80xf32>
    %sub3A_572 = arith.subf %sub3A_571, %get3A_563 : vector<64x80xf32>
    %mul3A_573 = arith.mulf %sub3A_572, %sub3A_572 : vector<64x80xf32>
    %mul3A_574 = arith.mulf %mul3A_573, %mul3A_573 : vector<64x80xf32>
    %sub3A_575 = arith.constant 1.000000e+00 : f32
    %sub3A_576 = vector.broadcast %sub3A_575 : f32 to vector<64x80xf32>
    %sub3A_577 = arith.subf %sub3A_576, %min3A_569 : vector<64x80xf32>
    %log3A_578 = math.log %sub3A_577 : vector<64x80xf32>
    %mul3A_579 = arith.mulf %min3A_569, %min3A_569 : vector<64x80xf32>
    %mul3A_580 = arith.mulf %log3A_578, %mul3A_579 : vector<64x80xf32>
    %mul3A_581 = arith.mulf %mul3A_580, %mul3A_574 : vector<64x80xf32>
    %sub3A_582 = arith.subf %sub3A_551, %mul3A_581 : vector<64x80xf32>
    %get3A_583 = arith.constant 0 : index
    %get3A_584 = arith.constant 19 : index
    %get3A_585 = arith.constant 0 : index
    %get3A_586 = arith.constant 0 : index
    %get3A_587 = vector.load %arg2[%get3A_583, %get3A_584, %get3A_585, %get3A_586] : memref<1x64x64x80xf32, #tpu.memory_space<vmem>>, vector<1x1x64x80xf32>
    %get3A_588 = vector.shape_cast %get3A_587 : vector<1x1x64x80xf32> to vector<64x80xf32>
    %get3A_589 = arith.constant 0 : index
    %get3A_590 = arith.constant 19 : index
    %get3A_591 = arith.constant 0 : index
    %get3A_592 = arith.constant 0 : index
    %get3A_593 = vector.load %arg3[%get3A_589, %get3A_590, %get3A_591, %get3A_592] : memref<1x64x64x80xf32, #tpu.memory_space<vmem>>, vector<1x1x64x80xf32>
    %get3A_594 = vector.shape_cast %get3A_593 : vector<1x1x64x80xf32> to vector<64x80xf32>
    %jit3A_595 = arith.constant 9.99999997E-7 : f32
    %jit3A_596 = arith.constant 0.999998986 : f32
    %max3A_597 = vector.broadcast %jit3A_595 : f32 to vector<64x80xf32>
    %max3A_598 = arith.maximumf %max3A_597, %get3A_588 : vector<64x80xf32>
    %min3A_599 = vector.broadcast %jit3A_596 : f32 to vector<64x80xf32>
    %min3A_600 = arith.minimumf %min3A_599, %max3A_598 : vector<64x80xf32>
    %sub3A_601 = arith.constant 1.000000e+00 : f32
    %sub3A_602 = vector.broadcast %sub3A_601 : f32 to vector<64x80xf32>
    %sub3A_603 = arith.subf %sub3A_602, %get3A_594 : vector<64x80xf32>
    %mul3A_604 = arith.mulf %sub3A_603, %sub3A_603 : vector<64x80xf32>
    %mul3A_605 = arith.mulf %mul3A_604, %mul3A_604 : vector<64x80xf32>
    %sub3A_606 = arith.constant 1.000000e+00 : f32
    %sub3A_607 = vector.broadcast %sub3A_606 : f32 to vector<64x80xf32>
    %sub3A_608 = arith.subf %sub3A_607, %min3A_600 : vector<64x80xf32>
    %log3A_609 = math.log %sub3A_608 : vector<64x80xf32>
    %mul3A_610 = arith.mulf %min3A_600, %min3A_600 : vector<64x80xf32>
    %mul3A_611 = arith.mulf %log3A_609, %mul3A_610 : vector<64x80xf32>
    %mul3A_612 = arith.mulf %mul3A_611, %mul3A_605 : vector<64x80xf32>
    %sub3A_613 = arith.subf %sub3A_582, %mul3A_612 : vector<64x80xf32>
    %get3A_614 = arith.constant 0 : index
    %get3A_615 = arith.constant 20 : index
    %get3A_616 = arith.constant 0 : index
    %get3A_617 = arith.constant 0 : index
    %get3A_618 = vector.load %arg2[%get3A_614, %get3A_615, %get3A_616, %get3A_617] : memref<1x64x64x80xf32, #tpu.memory_space<vmem>>, vector<1x1x64x80xf32>
    %get3A_619 = vector.shape_cast %get3A_618 : vector<1x1x64x80xf32> to vector<64x80xf32>
    %get3A_620 = arith.constant 0 : index
    %get3A_621 = arith.constant 20 : index
    %get3A_622 = arith.constant 0 : index
    %get3A_623 = arith.constant 0 : index
    %get3A_624 = vector.load %arg3[%get3A_620, %get3A_621, %get3A_622, %get3A_623] : memref<1x64x64x80xf32, #tpu.memory_space<vmem>>, vector<1x1x64x80xf32>
    %get3A_625 = vector.shape_cast %get3A_624 : vector<1x1x64x80xf32> to vector<64x80xf32>
    %jit3A_626 = arith.constant 9.99999997E-7 : f32
    %jit3A_627 = arith.constant 0.999998986 : f32
    %max3A_628 = vector.broadcast %jit3A_626 : f32 to vector<64x80xf32>
    %max3A_629 = arith.maximumf %max3A_628, %get3A_619 : vector<64x80xf32>
    %min3A_630 = vector.broadcast %jit3A_627 : f32 to vector<64x80xf32>
    %min3A_631 = arith.minimumf %min3A_630, %max3A_629 : vector<64x80xf32>
    %sub3A_632 = arith.constant 1.000000e+00 : f32
    %sub3A_633 = vector.broadcast %sub3A_632 : f32 to vector<64x80xf32>
    %sub3A_634 = arith.subf %sub3A_633, %get3A_625 : vector<64x80xf32>
    %mul3A_635 = arith.mulf %sub3A_634, %sub3A_634 : vector<64x80xf32>
    %mul3A_636 = arith.mulf %mul3A_635, %mul3A_635 : vector<64x80xf32>
    %sub3A_637 = arith.constant 1.000000e+00 : f32
    %sub3A_638 = vector.broadcast %sub3A_637 : f32 to vector<64x80xf32>
    %sub3A_639 = arith.subf %sub3A_638, %min3A_631 : vector<64x80xf32>
    %log3A_640 = math.log %sub3A_639 : vector<64x80xf32>
    %mul3A_641 = arith.mulf %min3A_631, %min3A_631 : vector<64x80xf32>
    %mul3A_642 = arith.mulf %log3A_640, %mul3A_641 : vector<64x80xf32>
    %mul3A_643 = arith.mulf %mul3A_642, %mul3A_636 : vector<64x80xf32>
    %sub3A_644 = arith.subf %sub3A_613, %mul3A_643 : vector<64x80xf32>
    %get3A_645 = arith.constant 0 : index
    %get3A_646 = arith.constant 21 : index
    %get3A_647 = arith.constant 0 : index
    %get3A_648 = arith.constant 0 : index
    %get3A_649 = vector.load %arg2[%get3A_645, %get3A_646, %get3A_647, %get3A_648] : memref<1x64x64x80xf32, #tpu.memory_space<vmem>>, vector<1x1x64x80xf32>
    %get3A_650 = vector.shape_cast %get3A_649 : vector<1x1x64x80xf32> to vector<64x80xf32>
    %get3A_651 = arith.constant 0 : index
    %get3A_652 = arith.constant 21 : index
    %get3A_653 = arith.constant 0 : index
    %get3A_654 = arith.constant 0 : index
    %get3A_655 = vector.load %arg3[%get3A_651, %get3A_652, %get3A_653, %get3A_654] : memref<1x64x64x80xf32, #tpu.memory_space<vmem>>, vector<1x1x64x80xf32>
    %get3A_656 = vector.shape_cast %get3A_655 : vector<1x1x64x80xf32> to vector<64x80xf32>
    %jit3A_657 = arith.constant 9.99999997E-7 : f32
    %jit3A_658 = arith.constant 0.999998986 : f32
    %max3A_659 = vector.broadcast %jit3A_657 : f32 to vector<64x80xf32>
    %max3A_660 = arith.maximumf %max3A_659, %get3A_650 : vector<64x80xf32>
    %min3A_661 = vector.broadcast %jit3A_658 : f32 to vector<64x80xf32>
    %min3A_662 = arith.minimumf %min3A_661, %max3A_660 : vector<64x80xf32>
    %sub3A_663 = arith.constant 1.000000e+00 : f32
    %sub3A_664 = vector.broadcast %sub3A_663 : f32 to vector<64x80xf32>
    %sub3A_665 = arith.subf %sub3A_664, %get3A_656 : vector<64x80xf32>
    %mul3A_666 = arith.mulf %sub3A_665, %sub3A_665 : vector<64x80xf32>
    %mul3A_667 = arith.mulf %mul3A_666, %mul3A_666 : vector<64x80xf32>
    %sub3A_668 = arith.constant 1.000000e+00 : f32
    %sub3A_669 = vector.broadcast %sub3A_668 : f32 to vector<64x80xf32>
    %sub3A_670 = arith.subf %sub3A_669, %min3A_662 : vector<64x80xf32>
    %log3A_671 = math.log %sub3A_670 : vector<64x80xf32>
    %mul3A_672 = arith.mulf %min3A_662, %min3A_662 : vector<64x80xf32>
    %mul3A_673 = arith.mulf %log3A_671, %mul3A_672 : vector<64x80xf32>
    %mul3A_674 = arith.mulf %mul3A_673, %mul3A_667 : vector<64x80xf32>
    %sub3A_675 = arith.subf %sub3A_644, %mul3A_674 : vector<64x80xf32>
    %get3A_676 = arith.constant 0 : index
    %get3A_677 = arith.constant 22 : index
    %get3A_678 = arith.constant 0 : index
    %get3A_679 = arith.constant 0 : index
    %get3A_680 = vector.load %arg2[%get3A_676, %get3A_677, %get3A_678, %get3A_679] : memref<1x64x64x80xf32, #tpu.memory_space<vmem>>, vector<1x1x64x80xf32>
    %get3A_681 = vector.shape_cast %get3A_680 : vector<1x1x64x80xf32> to vector<64x80xf32>
    %get3A_682 = arith.constant 0 : index
    %get3A_683 = arith.constant 22 : index
    %get3A_684 = arith.constant 0 : index
    %get3A_685 = arith.constant 0 : index
    %get3A_686 = vector.load %arg3[%get3A_682, %get3A_683, %get3A_684, %get3A_685] : memref<1x64x64x80xf32, #tpu.memory_space<vmem>>, vector<1x1x64x80xf32>
    %get3A_687 = vector.shape_cast %get3A_686 : vector<1x1x64x80xf32> to vector<64x80xf32>
    %jit3A_688 = arith.constant 9.99999997E-7 : f32
    %jit3A_689 = arith.constant 0.999998986 : f32
    %max3A_690 = vector.broadcast %jit3A_688 : f32 to vector<64x80xf32>
    %max3A_691 = arith.maximumf %max3A_690, %get3A_681 : vector<64x80xf32>
    %min3A_692 = vector.broadcast %jit3A_689 : f32 to vector<64x80xf32>
    %min3A_693 = arith.minimumf %min3A_692, %max3A_691 : vector<64x80xf32>
    %sub3A_694 = arith.constant 1.000000e+00 : f32
    %sub3A_695 = vector.broadcast %sub3A_694 : f32 to vector<64x80xf32>
    %sub3A_696 = arith.subf %sub3A_695, %get3A_687 : vector<64x80xf32>
    %mul3A_697 = arith.mulf %sub3A_696, %sub3A_696 : vector<64x80xf32>
    %mul3A_698 = arith.mulf %mul3A_697, %mul3A_697 : vector<64x80xf32>
    %sub3A_699 = arith.constant 1.000000e+00 : f32
    %sub3A_700 = vector.broadcast %sub3A_699 : f32 to vector<64x80xf32>
    %sub3A_701 = arith.subf %sub3A_700, %min3A_693 : vector<64x80xf32>
    %log3A_702 = math.log %sub3A_701 : vector<64x80xf32>
    %mul3A_703 = arith.mulf %min3A_693, %min3A_693 : vector<64x80xf32>
    %mul3A_704 = arith.mulf %log3A_702, %mul3A_703 : vector<64x80xf32>
    %mul3A_705 = arith.mulf %mul3A_704, %mul3A_698 : vector<64x80xf32>
    %sub3A_706 = arith.subf %sub3A_675, %mul3A_705 : vector<64x80xf32>
    %get3A_707 = arith.constant 0 : index
    %get3A_708 = arith.constant 23 : index
    %get3A_709 = arith.constant 0 : index
    %get3A_710 = arith.constant 0 : index
    %get3A_711 = vector.load %arg2[%get3A_707, %get3A_708, %get3A_709, %get3A_710] : memref<1x64x64x80xf32, #tpu.memory_space<vmem>>, vector<1x1x64x80xf32>
    %get3A_712 = vector.shape_cast %get3A_711 : vector<1x1x64x80xf32> to vector<64x80xf32>
    %get3A_713 = arith.constant 0 : index
    %get3A_714 = arith.constant 23 : index
    %get3A_715 = arith.constant 0 : index
    %get3A_716 = arith.constant 0 : index
    %get3A_717 = vector.load %arg3[%get3A_713, %get3A_714, %get3A_715, %get3A_716] : memref<1x64x64x80xf32, #tpu.memory_space<vmem>>, vector<1x1x64x80xf32>
    %get3A_718 = vector.shape_cast %get3A_717 : vector<1x1x64x80xf32> to vector<64x80xf32>
    %jit3A_719 = arith.constant 9.99999997E-7 : f32
    %jit3A_720 = arith.constant 0.999998986 : f32
    %max3A_721 = vector.broadcast %jit3A_719 : f32 to vector<64x80xf32>
    %max3A_722 = arith.maximumf %max3A_721, %get3A_712 : vector<64x80xf32>
    %min3A_723 = vector.broadcast %jit3A_720 : f32 to vector<64x80xf32>
    %min3A_724 = arith.minimumf %min3A_723, %max3A_722 : vector<64x80xf32>
    %sub3A_725 = arith.constant 1.000000e+00 : f32
    %sub3A_726 = vector.broadcast %sub3A_725 : f32 to vector<64x80xf32>
    %sub3A_727 = arith.subf %sub3A_726, %get3A_718 : vector<64x80xf32>
    %mul3A_728 = arith.mulf %sub3A_727, %sub3A_727 : vector<64x80xf32>
    %mul3A_729 = arith.mulf %mul3A_728, %mul3A_728 : vector<64x80xf32>
    %sub3A_730 = arith.constant 1.000000e+00 : f32
    %sub3A_731 = vector.broadcast %sub3A_730 : f32 to vector<64x80xf32>
    %sub3A_732 = arith.subf %sub3A_731, %min3A_724 : vector<64x80xf32>
    %log3A_733 = math.log %sub3A_732 : vector<64x80xf32>
    %mul3A_734 = arith.mulf %min3A_724, %min3A_724 : vector<64x80xf32>
    %mul3A_735 = arith.mulf %log3A_733, %mul3A_734 : vector<64x80xf32>
    %mul3A_736 = arith.mulf %mul3A_735, %mul3A_729 : vector<64x80xf32>
    %sub3A_737 = arith.subf %sub3A_706, %mul3A_736 : vector<64x80xf32>
    %get3A_738 = arith.constant 0 : index
    %get3A_739 = arith.constant 24 : index
    %get3A_740 = arith.constant 0 : index
    %get3A_741 = arith.constant 0 : index
    %get3A_742 = vector.load %arg2[%get3A_738, %get3A_739, %get3A_740, %get3A_741] : memref<1x64x64x80xf32, #tpu.memory_space<vmem>>, vector<1x1x64x80xf32>
    %get3A_743 = vector.shape_cast %get3A_742 : vector<1x1x64x80xf32> to vector<64x80xf32>
    %get3A_744 = arith.constant 0 : index
    %get3A_745 = arith.constant 24 : index
    %get3A_746 = arith.constant 0 : index
    %get3A_747 = arith.constant 0 : index
    %get3A_748 = vector.load %arg3[%get3A_744, %get3A_745, %get3A_746, %get3A_747] : memref<1x64x64x80xf32, #tpu.memory_space<vmem>>, vector<1x1x64x80xf32>
    %get3A_749 = vector.shape_cast %get3A_748 : vector<1x1x64x80xf32> to vector<64x80xf32>
    %jit3A_750 = arith.constant 9.99999997E-7 : f32
    %jit3A_751 = arith.constant 0.999998986 : f32
    %max3A_752 = vector.broadcast %jit3A_750 : f32 to vector<64x80xf32>
    %max3A_753 = arith.maximumf %max3A_752, %get3A_743 : vector<64x80xf32>
    %min3A_754 = vector.broadcast %jit3A_751 : f32 to vector<64x80xf32>
    %min3A_755 = arith.minimumf %min3A_754, %max3A_753 : vector<64x80xf32>
    %sub3A_756 = arith.constant 1.000000e+00 : f32
    %sub3A_757 = vector.broadcast %sub3A_756 : f32 to vector<64x80xf32>
    %sub3A_758 = arith.subf %sub3A_757, %get3A_749 : vector<64x80xf32>
    %mul3A_759 = arith.mulf %sub3A_758, %sub3A_758 : vector<64x80xf32>
    %mul3A_760 = arith.mulf %mul3A_759, %mul3A_759 : vector<64x80xf32>
    %sub3A_761 = arith.constant 1.000000e+00 : f32
    %sub3A_762 = vector.broadcast %sub3A_761 : f32 to vector<64x80xf32>
    %sub3A_763 = arith.subf %sub3A_762, %min3A_755 : vector<64x80xf32>
    %log3A_764 = math.log %sub3A_763 : vector<64x80xf32>
    %mul3A_765 = arith.mulf %min3A_755, %min3A_755 : vector<64x80xf32>
    %mul3A_766 = arith.mulf %log3A_764, %mul3A_765 : vector<64x80xf32>
    %mul3A_767 = arith.mulf %mul3A_766, %mul3A_760 : vector<64x80xf32>
    %sub3A_768 = arith.subf %sub3A_737, %mul3A_767 : vector<64x80xf32>
    %get3A_769 = arith.constant 0 : index
    %get3A_770 = arith.constant 25 : index
    %get3A_771 = arith.constant 0 : index
    %get3A_772 = arith.constant 0 : index
    %get3A_773 = vector.load %arg2[%get3A_769, %get3A_770, %get3A_771, %get3A_772] : memref<1x64x64x80xf32, #tpu.memory_space<vmem>>, vector<1x1x64x80xf32>
    %get3A_774 = vector.shape_cast %get3A_773 : vector<1x1x64x80xf32> to vector<64x80xf32>
    %get3A_775 = arith.constant 0 : index
    %get3A_776 = arith.constant 25 : index
    %get3A_777 = arith.constant 0 : index
    %get3A_778 = arith.constant 0 : index
    %get3A_779 = vector.load %arg3[%get3A_775, %get3A_776, %get3A_777, %get3A_778] : memref<1x64x64x80xf32, #tpu.memory_space<vmem>>, vector<1x1x64x80xf32>
    %get3A_780 = vector.shape_cast %get3A_779 : vector<1x1x64x80xf32> to vector<64x80xf32>
    %jit3A_781 = arith.constant 9.99999997E-7 : f32
    %jit3A_782 = arith.constant 0.999998986 : f32
    %max3A_783 = vector.broadcast %jit3A_781 : f32 to vector<64x80xf32>
    %max3A_784 = arith.maximumf %max3A_783, %get3A_774 : vector<64x80xf32>
    %min3A_785 = vector.broadcast %jit3A_782 : f32 to vector<64x80xf32>
    %min3A_786 = arith.minimumf %min3A_785, %max3A_784 : vector<64x80xf32>
    %sub3A_787 = arith.constant 1.000000e+00 : f32
    %sub3A_788 = vector.broadcast %sub3A_787 : f32 to vector<64x80xf32>
    %sub3A_789 = arith.subf %sub3A_788, %get3A_780 : vector<64x80xf32>
    %mul3A_790 = arith.mulf %sub3A_789, %sub3A_789 : vector<64x80xf32>
    %mul3A_791 = arith.mulf %mul3A_790, %mul3A_790 : vector<64x80xf32>
    %sub3A_792 = arith.constant 1.000000e+00 : f32
    %sub3A_793 = vector.broadcast %sub3A_792 : f32 to vector<64x80xf32>
    %sub3A_794 = arith.subf %sub3A_793, %min3A_786 : vector<64x80xf32>
    %log3A_795 = math.log %sub3A_794 : vector<64x80xf32>
    %mul3A_796 = arith.mulf %min3A_786, %min3A_786 : vector<64x80xf32>
    %mul3A_797 = arith.mulf %log3A_795, %mul3A_796 : vector<64x80xf32>
    %mul3A_798 = arith.mulf %mul3A_797, %mul3A_791 : vector<64x80xf32>
    %sub3A_799 = arith.subf %sub3A_768, %mul3A_798 : vector<64x80xf32>
    %get3A_800 = arith.constant 0 : index
    %get3A_801 = arith.constant 26 : index
    %get3A_802 = arith.constant 0 : index
    %get3A_803 = arith.constant 0 : index
    %get3A_804 = vector.load %arg2[%get3A_800, %get3A_801, %get3A_802, %get3A_803] : memref<1x64x64x80xf32, #tpu.memory_space<vmem>>, vector<1x1x64x80xf32>
    %get3A_805 = vector.shape_cast %get3A_804 : vector<1x1x64x80xf32> to vector<64x80xf32>
    %get3A_806 = arith.constant 0 : index
    %get3A_807 = arith.constant 26 : index
    %get3A_808 = arith.constant 0 : index
    %get3A_809 = arith.constant 0 : index
    %get3A_810 = vector.load %arg3[%get3A_806, %get3A_807, %get3A_808, %get3A_809] : memref<1x64x64x80xf32, #tpu.memory_space<vmem>>, vector<1x1x64x80xf32>
    %get3A_811 = vector.shape_cast %get3A_810 : vector<1x1x64x80xf32> to vector<64x80xf32>
    %jit3A_812 = arith.constant 9.99999997E-7 : f32
    %jit3A_813 = arith.constant 0.999998986 : f32
    %max3A_814 = vector.broadcast %jit3A_812 : f32 to vector<64x80xf32>
    %max3A_815 = arith.maximumf %max3A_814, %get3A_805 : vector<64x80xf32>
    %min3A_816 = vector.broadcast %jit3A_813 : f32 to vector<64x80xf32>
    %min3A_817 = arith.minimumf %min3A_816, %max3A_815 : vector<64x80xf32>
    %sub3A_818 = arith.constant 1.000000e+00 : f32
    %sub3A_819 = vector.broadcast %sub3A_818 : f32 to vector<64x80xf32>
    %sub3A_820 = arith.subf %sub3A_819, %get3A_811 : vector<64x80xf32>
    %mul3A_821 = arith.mulf %sub3A_820, %sub3A_820 : vector<64x80xf32>
    %mul3A_822 = arith.mulf %mul3A_821, %mul3A_821 : vector<64x80xf32>
    %sub3A_823 = arith.constant 1.000000e+00 : f32
    %sub3A_824 = vector.broadcast %sub3A_823 : f32 to vector<64x80xf32>
    %sub3A_825 = arith.subf %sub3A_824, %min3A_817 : vector<64x80xf32>
    %log3A_826 = math.log %sub3A_825 : vector<64x80xf32>
    %mul3A_827 = arith.mulf %min3A_817, %min3A_817 : vector<64x80xf32>
    %mul3A_828 = arith.mulf %log3A_826, %mul3A_827 : vector<64x80xf32>
    %mul3A_829 = arith.mulf %mul3A_828, %mul3A_822 : vector<64x80xf32>
    %sub3A_830 = arith.subf %sub3A_799, %mul3A_829 : vector<64x80xf32>
    %get3A_831 = arith.constant 0 : index
    %get3A_832 = arith.constant 27 : index
    %get3A_833 = arith.constant 0 : index
    %get3A_834 = arith.constant 0 : index
    %get3A_835 = vector.load %arg2[%get3A_831, %get3A_832, %get3A_833, %get3A_834] : memref<1x64x64x80xf32, #tpu.memory_space<vmem>>, vector<1x1x64x80xf32>
    %get3A_836 = vector.shape_cast %get3A_835 : vector<1x1x64x80xf32> to vector<64x80xf32>
    %get3A_837 = arith.constant 0 : index
    %get3A_838 = arith.constant 27 : index
    %get3A_839 = arith.constant 0 : index
    %get3A_840 = arith.constant 0 : index
    %get3A_841 = vector.load %arg3[%get3A_837, %get3A_838, %get3A_839, %get3A_840] : memref<1x64x64x80xf32, #tpu.memory_space<vmem>>, vector<1x1x64x80xf32>
    %get3A_842 = vector.shape_cast %get3A_841 : vector<1x1x64x80xf32> to vector<64x80xf32>
    %jit3A_843 = arith.constant 9.99999997E-7 : f32
    %jit3A_844 = arith.constant 0.999998986 : f32
    %max3A_845 = vector.broadcast %jit3A_843 : f32 to vector<64x80xf32>
    %max3A_846 = arith.maximumf %max3A_845, %get3A_836 : vector<64x80xf32>
    %min3A_847 = vector.broadcast %jit3A_844 : f32 to vector<64x80xf32>
    %min3A_848 = arith.minimumf %min3A_847, %max3A_846 : vector<64x80xf32>
    %sub3A_849 = arith.constant 1.000000e+00 : f32
    %sub3A_850 = vector.broadcast %sub3A_849 : f32 to vector<64x80xf32>
    %sub3A_851 = arith.subf %sub3A_850, %get3A_842 : vector<64x80xf32>
    %mul3A_852 = arith.mulf %sub3A_851, %sub3A_851 : vector<64x80xf32>
    %mul3A_853 = arith.mulf %mul3A_852, %mul3A_852 : vector<64x80xf32>
    %sub3A_854 = arith.constant 1.000000e+00 : f32
    %sub3A_855 = vector.broadcast %sub3A_854 : f32 to vector<64x80xf32>
    %sub3A_856 = arith.subf %sub3A_855, %min3A_848 : vector<64x80xf32>
    %log3A_857 = math.log %sub3A_856 : vector<64x80xf32>
    %mul3A_858 = arith.mulf %min3A_848, %min3A_848 : vector<64x80xf32>
    %mul3A_859 = arith.mulf %log3A_857, %mul3A_858 : vector<64x80xf32>
    %mul3A_860 = arith.mulf %mul3A_859, %mul3A_853 : vector<64x80xf32>
    %sub3A_861 = arith.subf %sub3A_830, %mul3A_860 : vector<64x80xf32>
    %get3A_862 = arith.constant 0 : index
    %get3A_863 = arith.constant 28 : index
    %get3A_864 = arith.constant 0 : index
    %get3A_865 = arith.constant 0 : index
    %get3A_866 = vector.load %arg2[%get3A_862, %get3A_863, %get3A_864, %get3A_865] : memref<1x64x64x80xf32, #tpu.memory_space<vmem>>, vector<1x1x64x80xf32>
    %get3A_867 = vector.shape_cast %get3A_866 : vector<1x1x64x80xf32> to vector<64x80xf32>
    %get3A_868 = arith.constant 0 : index
    %get3A_869 = arith.constant 28 : index
    %get3A_870 = arith.constant 0 : index
    %get3A_871 = arith.constant 0 : index
    %get3A_872 = vector.load %arg3[%get3A_868, %get3A_869, %get3A_870, %get3A_871] : memref<1x64x64x80xf32, #tpu.memory_space<vmem>>, vector<1x1x64x80xf32>
    %get3A_873 = vector.shape_cast %get3A_872 : vector<1x1x64x80xf32> to vector<64x80xf32>
    %jit3A_874 = arith.constant 9.99999997E-7 : f32
    %jit3A_875 = arith.constant 0.999998986 : f32
    %max3A_876 = vector.broadcast %jit3A_874 : f32 to vector<64x80xf32>
    %max3A_877 = arith.maximumf %max3A_876, %get3A_867 : vector<64x80xf32>
    %min3A_878 = vector.broadcast %jit3A_875 : f32 to vector<64x80xf32>
    %min3A_879 = arith.minimumf %min3A_878, %max3A_877 : vector<64x80xf32>
    %sub3A_880 = arith.constant 1.000000e+00 : f32
    %sub3A_881 = vector.broadcast %sub3A_880 : f32 to vector<64x80xf32>
    %sub3A_882 = arith.subf %sub3A_881, %get3A_873 : vector<64x80xf32>
    %mul3A_883 = arith.mulf %sub3A_882, %sub3A_882 : vector<64x80xf32>
    %mul3A_884 = arith.mulf %mul3A_883, %mul3A_883 : vector<64x80xf32>
    %sub3A_885 = arith.constant 1.000000e+00 : f32
    %sub3A_886 = vector.broadcast %sub3A_885 : f32 to vector<64x80xf32>
    %sub3A_887 = arith.subf %sub3A_886, %min3A_879 : vector<64x80xf32>
    %log3A_888 = math.log %sub3A_887 : vector<64x80xf32>
    %mul3A_889 = arith.mulf %min3A_879, %min3A_879 : vector<64x80xf32>
    %mul3A_890 = arith.mulf %log3A_888, %mul3A_889 : vector<64x80xf32>
    %mul3A_891 = arith.mulf %mul3A_890, %mul3A_884 : vector<64x80xf32>
    %sub3A_892 = arith.subf %sub3A_861, %mul3A_891 : vector<64x80xf32>
    %get3A_893 = arith.constant 0 : index
    %get3A_894 = arith.constant 29 : index
    %get3A_895 = arith.constant 0 : index
    %get3A_896 = arith.constant 0 : index
    %get3A_897 = vector.load %arg2[%get3A_893, %get3A_894, %get3A_895, %get3A_896] : memref<1x64x64x80xf32, #tpu.memory_space<vmem>>, vector<1x1x64x80xf32>
    %get3A_898 = vector.shape_cast %get3A_897 : vector<1x1x64x80xf32> to vector<64x80xf32>
    %get3A_899 = arith.constant 0 : index
    %get3A_900 = arith.constant 29 : index
    %get3A_901 = arith.constant 0 : index
    %get3A_902 = arith.constant 0 : index
    %get3A_903 = vector.load %arg3[%get3A_899, %get3A_900, %get3A_901, %get3A_902] : memref<1x64x64x80xf32, #tpu.memory_space<vmem>>, vector<1x1x64x80xf32>
    %get3A_904 = vector.shape_cast %get3A_903 : vector<1x1x64x80xf32> to vector<64x80xf32>
    %jit3A_905 = arith.constant 9.99999997E-7 : f32
    %jit3A_906 = arith.constant 0.999998986 : f32
    %max3A_907 = vector.broadcast %jit3A_905 : f32 to vector<64x80xf32>
    %max3A_908 = arith.maximumf %max3A_907, %get3A_898 : vector<64x80xf32>
    %min3A_909 = vector.broadcast %jit3A_906 : f32 to vector<64x80xf32>
    %min3A_910 = arith.minimumf %min3A_909, %max3A_908 : vector<64x80xf32>
    %sub3A_911 = arith.constant 1.000000e+00 : f32
    %sub3A_912 = vector.broadcast %sub3A_911 : f32 to vector<64x80xf32>
    %sub3A_913 = arith.subf %sub3A_912, %get3A_904 : vector<64x80xf32>
    %mul3A_914 = arith.mulf %sub3A_913, %sub3A_913 : vector<64x80xf32>
    %mul3A_915 = arith.mulf %mul3A_914, %mul3A_914 : vector<64x80xf32>
    %sub3A_916 = arith.constant 1.000000e+00 : f32
    %sub3A_917 = vector.broadcast %sub3A_916 : f32 to vector<64x80xf32>
    %sub3A_918 = arith.subf %sub3A_917, %min3A_910 : vector<64x80xf32>
    %log3A_919 = math.log %sub3A_918 : vector<64x80xf32>
    %mul3A_920 = arith.mulf %min3A_910, %min3A_910 : vector<64x80xf32>
    %mul3A_921 = arith.mulf %log3A_919, %mul3A_920 : vector<64x80xf32>
    %mul3A_922 = arith.mulf %mul3A_921, %mul3A_915 : vector<64x80xf32>
    %sub3A_923 = arith.subf %sub3A_892, %mul3A_922 : vector<64x80xf32>
    %get3A_924 = arith.constant 0 : index
    %get3A_925 = arith.constant 30 : index
    %get3A_926 = arith.constant 0 : index
    %get3A_927 = arith.constant 0 : index
    %get3A_928 = vector.load %arg2[%get3A_924, %get3A_925, %get3A_926, %get3A_927] : memref<1x64x64x80xf32, #tpu.memory_space<vmem>>, vector<1x1x64x80xf32>
    %get3A_929 = vector.shape_cast %get3A_928 : vector<1x1x64x80xf32> to vector<64x80xf32>
    %get3A_930 = arith.constant 0 : index
    %get3A_931 = arith.constant 30 : index
    %get3A_932 = arith.constant 0 : index
    %get3A_933 = arith.constant 0 : index
    %get3A_934 = vector.load %arg3[%get3A_930, %get3A_931, %get3A_932, %get3A_933] : memref<1x64x64x80xf32, #tpu.memory_space<vmem>>, vector<1x1x64x80xf32>
    %get3A_935 = vector.shape_cast %get3A_934 : vector<1x1x64x80xf32> to vector<64x80xf32>
    %jit3A_936 = arith.constant 9.99999997E-7 : f32
    %jit3A_937 = arith.constant 0.999998986 : f32
    %max3A_938 = vector.broadcast %jit3A_936 : f32 to vector<64x80xf32>
    %max3A_939 = arith.maximumf %max3A_938, %get3A_929 : vector<64x80xf32>
    %min3A_940 = vector.broadcast %jit3A_937 : f32 to vector<64x80xf32>
    %min3A_941 = arith.minimumf %min3A_940, %max3A_939 : vector<64x80xf32>
    %sub3A_942 = arith.constant 1.000000e+00 : f32
    %sub3A_943 = vector.broadcast %sub3A_942 : f32 to vector<64x80xf32>
    %sub3A_944 = arith.subf %sub3A_943, %get3A_935 : vector<64x80xf32>
    %mul3A_945 = arith.mulf %sub3A_944, %sub3A_944 : vector<64x80xf32>
    %mul3A_946 = arith.mulf %mul3A_945, %mul3A_945 : vector<64x80xf32>
    %sub3A_947 = arith.constant 1.000000e+00 : f32
    %sub3A_948 = vector.broadcast %sub3A_947 : f32 to vector<64x80xf32>
    %sub3A_949 = arith.subf %sub3A_948, %min3A_941 : vector<64x80xf32>
    %log3A_950 = math.log %sub3A_949 : vector<64x80xf32>
    %mul3A_951 = arith.mulf %min3A_941, %min3A_941 : vector<64x80xf32>
    %mul3A_952 = arith.mulf %log3A_950, %mul3A_951 : vector<64x80xf32>
    %mul3A_953 = arith.mulf %mul3A_952, %mul3A_946 : vector<64x80xf32>
    %sub3A_954 = arith.subf %sub3A_923, %mul3A_953 : vector<64x80xf32>
    %get3A_955 = arith.constant 0 : index
    %get3A_956 = arith.constant 31 : index
    %get3A_957 = arith.constant 0 : index
    %get3A_958 = arith.constant 0 : index
    %get3A_959 = vector.load %arg2[%get3A_955, %get3A_956, %get3A_957, %get3A_958] : memref<1x64x64x80xf32, #tpu.memory_space<vmem>>, vector<1x1x64x80xf32>
    %get3A_960 = vector.shape_cast %get3A_959 : vector<1x1x64x80xf32> to vector<64x80xf32>
    %get3A_961 = arith.constant 0 : index
    %get3A_962 = arith.constant 31 : index
    %get3A_963 = arith.constant 0 : index
    %get3A_964 = arith.constant 0 : index
    %get3A_965 = vector.load %arg3[%get3A_961, %get3A_962, %get3A_963, %get3A_964] : memref<1x64x64x80xf32, #tpu.memory_space<vmem>>, vector<1x1x64x80xf32>
    %get3A_966 = vector.shape_cast %get3A_965 : vector<1x1x64x80xf32> to vector<64x80xf32>
    %jit3A_967 = arith.constant 9.99999997E-7 : f32
    %jit3A_968 = arith.constant 0.999998986 : f32
    %max3A_969 = vector.broadcast %jit3A_967 : f32 to vector<64x80xf32>
    %max3A_970 = arith.maximumf %max3A_969, %get3A_960 : vector<64x80xf32>
    %min3A_971 = vector.broadcast %jit3A_968 : f32 to vector<64x80xf32>
    %min3A_972 = arith.minimumf %min3A_971, %max3A_970 : vector<64x80xf32>
    %sub3A_973 = arith.constant 1.000000e+00 : f32
    %sub3A_974 = vector.broadcast %sub3A_973 : f32 to vector<64x80xf32>
    %sub3A_975 = arith.subf %sub3A_974, %get3A_966 : vector<64x80xf32>
    %mul3A_976 = arith.mulf %sub3A_975, %sub3A_975 : vector<64x80xf32>
    %mul3A_977 = arith.mulf %mul3A_976, %mul3A_976 : vector<64x80xf32>
    %sub3A_978 = arith.constant 1.000000e+00 : f32
    %sub3A_979 = vector.broadcast %sub3A_978 : f32 to vector<64x80xf32>
    %sub3A_980 = arith.subf %sub3A_979, %min3A_972 : vector<64x80xf32>
    %log3A_981 = math.log %sub3A_980 : vector<64x80xf32>
    %mul3A_982 = arith.mulf %min3A_972, %min3A_972 : vector<64x80xf32>
    %mul3A_983 = arith.mulf %log3A_981, %mul3A_982 : vector<64x80xf32>
    %mul3A_984 = arith.mulf %mul3A_983, %mul3A_977 : vector<64x80xf32>
    %sub3A_985 = arith.subf %sub3A_954, %mul3A_984 : vector<64x80xf32>
    %get3A_986 = arith.constant 0 : index
    %get3A_987 = arith.constant 32 : index
    %get3A_988 = arith.constant 0 : index
    %get3A_989 = arith.constant 0 : index
    %get3A_990 = vector.load %arg2[%get3A_986, %get3A_987, %get3A_988, %get3A_989] : memref<1x64x64x80xf32, #tpu.memory_space<vmem>>, vector<1x1x64x80xf32>
    %get3A_991 = vector.shape_cast %get3A_990 : vector<1x1x64x80xf32> to vector<64x80xf32>
    %get3A_992 = arith.constant 0 : index
    %get3A_993 = arith.constant 32 : index
    %get3A_994 = arith.constant 0 : index
    %get3A_995 = arith.constant 0 : index
    %get3A_996 = vector.load %arg3[%get3A_992, %get3A_993, %get3A_994, %get3A_995] : memref<1x64x64x80xf32, #tpu.memory_space<vmem>>, vector<1x1x64x80xf32>
    %get3A_997 = vector.shape_cast %get3A_996 : vector<1x1x64x80xf32> to vector<64x80xf32>
    %jit3A_998 = arith.constant 9.99999997E-7 : f32
    %jit3A_999 = arith.constant 0.999998986 : f32
    %max3A_1000 = vector.broadcast %jit3A_998 : f32 to vector<64x80xf32>
    %max3A_1001 = arith.maximumf %max3A_1000, %get3A_991 : vector<64x80xf32>
    %min3A_1002 = vector.broadcast %jit3A_999 : f32 to vector<64x80xf32>
    %min3A_1003 = arith.minimumf %min3A_1002, %max3A_1001 : vector<64x80xf32>
    %sub3A_1004 = arith.constant 1.000000e+00 : f32
    %sub3A_1005 = vector.broadcast %sub3A_1004 : f32 to vector<64x80xf32>
    %sub3A_1006 = arith.subf %sub3A_1005, %get3A_997 : vector<64x80xf32>
    %mul3A_1007 = arith.mulf %sub3A_1006, %sub3A_1006 : vector<64x80xf32>
    %mul3A_1008 = arith.mulf %mul3A_1007, %mul3A_1007 : vector<64x80xf32>
    %sub3A_1009 = arith.constant 1.000000e+00 : f32
    %sub3A_1010 = vector.broadcast %sub3A_1009 : f32 to vector<64x80xf32>
    %sub3A_1011 = arith.subf %sub3A_1010, %min3A_1003 : vector<64x80xf32>
    %log3A_1012 = math.log %sub3A_1011 : vector<64x80xf32>
    %mul3A_1013 = arith.mulf %min3A_1003, %min3A_1003 : vector<64x80xf32>
    %mul3A_1014 = arith.mulf %log3A_1012, %mul3A_1013 : vector<64x80xf32>
    %mul3A_1015 = arith.mulf %mul3A_1014, %mul3A_1008 : vector<64x80xf32>
    %sub3A_1016 = arith.subf %sub3A_985, %mul3A_1015 : vector<64x80xf32>
    %get3A_1017 = arith.constant 0 : index
    %get3A_1018 = arith.constant 33 : index
    %get3A_1019 = arith.constant 0 : index
    %get3A_1020 = arith.constant 0 : index
    %get3A_1021 = vector.load %arg2[%get3A_1017, %get3A_1018, %get3A_1019, %get3A_1020] : memref<1x64x64x80xf32, #tpu.memory_space<vmem>>, vector<1x1x64x80xf32>
    %get3A_1022 = vector.shape_cast %get3A_1021 : vector<1x1x64x80xf32> to vector<64x80xf32>
    %get3A_1023 = arith.constant 0 : index
    %get3A_1024 = arith.constant 33 : index
    %get3A_1025 = arith.constant 0 : index
    %get3A_1026 = arith.constant 0 : index
    %get3A_1027 = vector.load %arg3[%get3A_1023, %get3A_1024, %get3A_1025, %get3A_1026] : memref<1x64x64x80xf32, #tpu.memory_space<vmem>>, vector<1x1x64x80xf32>
    %get3A_1028 = vector.shape_cast %get3A_1027 : vector<1x1x64x80xf32> to vector<64x80xf32>
    %jit3A_1029 = arith.constant 9.99999997E-7 : f32
    %jit3A_1030 = arith.constant 0.999998986 : f32
    %max3A_1031 = vector.broadcast %jit3A_1029 : f32 to vector<64x80xf32>
    %max3A_1032 = arith.maximumf %max3A_1031, %get3A_1022 : vector<64x80xf32>
    %min3A_1033 = vector.broadcast %jit3A_1030 : f32 to vector<64x80xf32>
    %min3A_1034 = arith.minimumf %min3A_1033, %max3A_1032 : vector<64x80xf32>
    %sub3A_1035 = arith.constant 1.000000e+00 : f32
    %sub3A_1036 = vector.broadcast %sub3A_1035 : f32 to vector<64x80xf32>
    %sub3A_1037 = arith.subf %sub3A_1036, %get3A_1028 : vector<64x80xf32>
    %mul3A_1038 = arith.mulf %sub3A_1037, %sub3A_1037 : vector<64x80xf32>
    %mul3A_1039 = arith.mulf %mul3A_1038, %mul3A_1038 : vector<64x80xf32>
    %sub3A_1040 = arith.constant 1.000000e+00 : f32
    %sub3A_1041 = vector.broadcast %sub3A_1040 : f32 to vector<64x80xf32>
    %sub3A_1042 = arith.subf %sub3A_1041, %min3A_1034 : vector<64x80xf32>
    %log3A_1043 = math.log %sub3A_1042 : vector<64x80xf32>
    %mul3A_1044 = arith.mulf %min3A_1034, %min3A_1034 : vector<64x80xf32>
    %mul3A_1045 = arith.mulf %log3A_1043, %mul3A_1044 : vector<64x80xf32>
    %mul3A_1046 = arith.mulf %mul3A_1045, %mul3A_1039 : vector<64x80xf32>
    %sub3A_1047 = arith.subf %sub3A_1016, %mul3A_1046 : vector<64x80xf32>
    %get3A_1048 = arith.constant 0 : index
    %get3A_1049 = arith.constant 34 : index
    %get3A_1050 = arith.constant 0 : index
    %get3A_1051 = arith.constant 0 : index
    %get3A_1052 = vector.load %arg2[%get3A_1048, %get3A_1049, %get3A_1050, %get3A_1051] : memref<1x64x64x80xf32, #tpu.memory_space<vmem>>, vector<1x1x64x80xf32>
    %get3A_1053 = vector.shape_cast %get3A_1052 : vector<1x1x64x80xf32> to vector<64x80xf32>
    %get3A_1054 = arith.constant 0 : index
    %get3A_1055 = arith.constant 34 : index
    %get3A_1056 = arith.constant 0 : index
    %get3A_1057 = arith.constant 0 : index
    %get3A_1058 = vector.load %arg3[%get3A_1054, %get3A_1055, %get3A_1056, %get3A_1057] : memref<1x64x64x80xf32, #tpu.memory_space<vmem>>, vector<1x1x64x80xf32>
    %get3A_1059 = vector.shape_cast %get3A_1058 : vector<1x1x64x80xf32> to vector<64x80xf32>
    %jit3A_1060 = arith.constant 9.99999997E-7 : f32
    %jit3A_1061 = arith.constant 0.999998986 : f32
    %max3A_1062 = vector.broadcast %jit3A_1060 : f32 to vector<64x80xf32>
    %max3A_1063 = arith.maximumf %max3A_1062, %get3A_1053 : vector<64x80xf32>
    %min3A_1064 = vector.broadcast %jit3A_1061 : f32 to vector<64x80xf32>
    %min3A_1065 = arith.minimumf %min3A_1064, %max3A_1063 : vector<64x80xf32>
    %sub3A_1066 = arith.constant 1.000000e+00 : f32
    %sub3A_1067 = vector.broadcast %sub3A_1066 : f32 to vector<64x80xf32>
    %sub3A_1068 = arith.subf %sub3A_1067, %get3A_1059 : vector<64x80xf32>
    %mul3A_1069 = arith.mulf %sub3A_1068, %sub3A_1068 : vector<64x80xf32>
    %mul3A_1070 = arith.mulf %mul3A_1069, %mul3A_1069 : vector<64x80xf32>
    %sub3A_1071 = arith.constant 1.000000e+00 : f32
    %sub3A_1072 = vector.broadcast %sub3A_1071 : f32 to vector<64x80xf32>
    %sub3A_1073 = arith.subf %sub3A_1072, %min3A_1065 : vector<64x80xf32>
    %log3A_1074 = math.log %sub3A_1073 : vector<64x80xf32>
    %mul3A_1075 = arith.mulf %min3A_1065, %min3A_1065 : vector<64x80xf32>
    %mul3A_1076 = arith.mulf %log3A_1074, %mul3A_1075 : vector<64x80xf32>
    %mul3A_1077 = arith.mulf %mul3A_1076, %mul3A_1070 : vector<64x80xf32>
    %sub3A_1078 = arith.subf %sub3A_1047, %mul3A_1077 : vector<64x80xf32>
    %get3A_1079 = arith.constant 0 : index
    %get3A_1080 = arith.constant 35 : index
    %get3A_1081 = arith.constant 0 : index
    %get3A_1082 = arith.constant 0 : index
    %get3A_1083 = vector.load %arg2[%get3A_1079, %get3A_1080, %get3A_1081, %get3A_1082] : memref<1x64x64x80xf32, #tpu.memory_space<vmem>>, vector<1x1x64x80xf32>
    %get3A_1084 = vector.shape_cast %get3A_1083 : vector<1x1x64x80xf32> to vector<64x80xf32>
    %get3A_1085 = arith.constant 0 : index
    %get3A_1086 = arith.constant 35 : index
    %get3A_1087 = arith.constant 0 : index
    %get3A_1088 = arith.constant 0 : index
    %get3A_1089 = vector.load %arg3[%get3A_1085, %get3A_1086, %get3A_1087, %get3A_1088] : memref<1x64x64x80xf32, #tpu.memory_space<vmem>>, vector<1x1x64x80xf32>
    %get3A_1090 = vector.shape_cast %get3A_1089 : vector<1x1x64x80xf32> to vector<64x80xf32>
    %jit3A_1091 = arith.constant 9.99999997E-7 : f32
    %jit3A_1092 = arith.constant 0.999998986 : f32
    %max3A_1093 = vector.broadcast %jit3A_1091 : f32 to vector<64x80xf32>
    %max3A_1094 = arith.maximumf %max3A_1093, %get3A_1084 : vector<64x80xf32>
    %min3A_1095 = vector.broadcast %jit3A_1092 : f32 to vector<64x80xf32>
    %min3A_1096 = arith.minimumf %min3A_1095, %max3A_1094 : vector<64x80xf32>
    %sub3A_1097 = arith.constant 1.000000e+00 : f32
    %sub3A_1098 = vector.broadcast %sub3A_1097 : f32 to vector<64x80xf32>
    %sub3A_1099 = arith.subf %sub3A_1098, %get3A_1090 : vector<64x80xf32>
    %mul3A_1100 = arith.mulf %sub3A_1099, %sub3A_1099 : vector<64x80xf32>
    %mul3A_1101 = arith.mulf %mul3A_1100, %mul3A_1100 : vector<64x80xf32>
    %sub3A_1102 = arith.constant 1.000000e+00 : f32
    %sub3A_1103 = vector.broadcast %sub3A_1102 : f32 to vector<64x80xf32>
    %sub3A_1104 = arith.subf %sub3A_1103, %min3A_1096 : vector<64x80xf32>
    %log3A_1105 = math.log %sub3A_1104 : vector<64x80xf32>
    %mul3A_1106 = arith.mulf %min3A_1096, %min3A_1096 : vector<64x80xf32>
    %mul3A_1107 = arith.mulf %log3A_1105, %mul3A_1106 : vector<64x80xf32>
    %mul3A_1108 = arith.mulf %mul3A_1107, %mul3A_1101 : vector<64x80xf32>
    %sub3A_1109 = arith.subf %sub3A_1078, %mul3A_1108 : vector<64x80xf32>
    %get3A_1110 = arith.constant 0 : index
    %get3A_1111 = arith.constant 36 : index
    %get3A_1112 = arith.constant 0 : index
    %get3A_1113 = arith.constant 0 : index
    %get3A_1114 = vector.load %arg2[%get3A_1110, %get3A_1111, %get3A_1112, %get3A_1113] : memref<1x64x64x80xf32, #tpu.memory_space<vmem>>, vector<1x1x64x80xf32>
    %get3A_1115 = vector.shape_cast %get3A_1114 : vector<1x1x64x80xf32> to vector<64x80xf32>
    %get3A_1116 = arith.constant 0 : index
    %get3A_1117 = arith.constant 36 : index
    %get3A_1118 = arith.constant 0 : index
    %get3A_1119 = arith.constant 0 : index
    %get3A_1120 = vector.load %arg3[%get3A_1116, %get3A_1117, %get3A_1118, %get3A_1119] : memref<1x64x64x80xf32, #tpu.memory_space<vmem>>, vector<1x1x64x80xf32>
    %get3A_1121 = vector.shape_cast %get3A_1120 : vector<1x1x64x80xf32> to vector<64x80xf32>
    %jit3A_1122 = arith.constant 9.99999997E-7 : f32
    %jit3A_1123 = arith.constant 0.999998986 : f32
    %max3A_1124 = vector.broadcast %jit3A_1122 : f32 to vector<64x80xf32>
    %max3A_1125 = arith.maximumf %max3A_1124, %get3A_1115 : vector<64x80xf32>
    %min3A_1126 = vector.broadcast %jit3A_1123 : f32 to vector<64x80xf32>
    %min3A_1127 = arith.minimumf %min3A_1126, %max3A_1125 : vector<64x80xf32>
    %sub3A_1128 = arith.constant 1.000000e+00 : f32
    %sub3A_1129 = vector.broadcast %sub3A_1128 : f32 to vector<64x80xf32>
    %sub3A_1130 = arith.subf %sub3A_1129, %get3A_1121 : vector<64x80xf32>
    %mul3A_1131 = arith.mulf %sub3A_1130, %sub3A_1130 : vector<64x80xf32>
    %mul3A_1132 = arith.mulf %mul3A_1131, %mul3A_1131 : vector<64x80xf32>
    %sub3A_1133 = arith.constant 1.000000e+00 : f32
    %sub3A_1134 = vector.broadcast %sub3A_1133 : f32 to vector<64x80xf32>
    %sub3A_1135 = arith.subf %sub3A_1134, %min3A_1127 : vector<64x80xf32>
    %log3A_1136 = math.log %sub3A_1135 : vector<64x80xf32>
    %mul3A_1137 = arith.mulf %min3A_1127, %min3A_1127 : vector<64x80xf32>
    %mul3A_1138 = arith.mulf %log3A_1136, %mul3A_1137 : vector<64x80xf32>
    %mul3A_1139 = arith.mulf %mul3A_1138, %mul3A_1132 : vector<64x80xf32>
    %sub3A_1140 = arith.subf %sub3A_1109, %mul3A_1139 : vector<64x80xf32>
    %get3A_1141 = arith.constant 0 : index
    %get3A_1142 = arith.constant 37 : index
    %get3A_1143 = arith.constant 0 : index
    %get3A_1144 = arith.constant 0 : index
    %get3A_1145 = vector.load %arg2[%get3A_1141, %get3A_1142, %get3A_1143, %get3A_1144] : memref<1x64x64x80xf32, #tpu.memory_space<vmem>>, vector<1x1x64x80xf32>
    %get3A_1146 = vector.shape_cast %get3A_1145 : vector<1x1x64x80xf32> to vector<64x80xf32>
    %get3A_1147 = arith.constant 0 : index
    %get3A_1148 = arith.constant 37 : index
    %get3A_1149 = arith.constant 0 : index
    %get3A_1150 = arith.constant 0 : index
    %get3A_1151 = vector.load %arg3[%get3A_1147, %get3A_1148, %get3A_1149, %get3A_1150] : memref<1x64x64x80xf32, #tpu.memory_space<vmem>>, vector<1x1x64x80xf32>
    %get3A_1152 = vector.shape_cast %get3A_1151 : vector<1x1x64x80xf32> to vector<64x80xf32>
    %jit3A_1153 = arith.constant 9.99999997E-7 : f32
    %jit3A_1154 = arith.constant 0.999998986 : f32
    %max3A_1155 = vector.broadcast %jit3A_1153 : f32 to vector<64x80xf32>
    %max3A_1156 = arith.maximumf %max3A_1155, %get3A_1146 : vector<64x80xf32>
    %min3A_1157 = vector.broadcast %jit3A_1154 : f32 to vector<64x80xf32>
    %min3A_1158 = arith.minimumf %min3A_1157, %max3A_1156 : vector<64x80xf32>
    %sub3A_1159 = arith.constant 1.000000e+00 : f32
    %sub3A_1160 = vector.broadcast %sub3A_1159 : f32 to vector<64x80xf32>
    %sub3A_1161 = arith.subf %sub3A_1160, %get3A_1152 : vector<64x80xf32>
    %mul3A_1162 = arith.mulf %sub3A_1161, %sub3A_1161 : vector<64x80xf32>
    %mul3A_1163 = arith.mulf %mul3A_1162, %mul3A_1162 : vector<64x80xf32>
    %sub3A_1164 = arith.constant 1.000000e+00 : f32
    %sub3A_1165 = vector.broadcast %sub3A_1164 : f32 to vector<64x80xf32>
    %sub3A_1166 = arith.subf %sub3A_1165, %min3A_1158 : vector<64x80xf32>
    %log3A_1167 = math.log %sub3A_1166 : vector<64x80xf32>
    %mul3A_1168 = arith.mulf %min3A_1158, %min3A_1158 : vector<64x80xf32>
    %mul3A_1169 = arith.mulf %log3A_1167, %mul3A_1168 : vector<64x80xf32>
    %mul3A_1170 = arith.mulf %mul3A_1169, %mul3A_1163 : vector<64x80xf32>
    %sub3A_1171 = arith.subf %sub3A_1140, %mul3A_1170 : vector<64x80xf32>
    %get3A_1172 = arith.constant 0 : index
    %get3A_1173 = arith.constant 38 : index
    %get3A_1174 = arith.constant 0 : index
    %get3A_1175 = arith.constant 0 : index
    %get3A_1176 = vector.load %arg2[%get3A_1172, %get3A_1173, %get3A_1174, %get3A_1175] : memref<1x64x64x80xf32, #tpu.memory_space<vmem>>, vector<1x1x64x80xf32>
    %get3A_1177 = vector.shape_cast %get3A_1176 : vector<1x1x64x80xf32> to vector<64x80xf32>
    %get3A_1178 = arith.constant 0 : index
    %get3A_1179 = arith.constant 38 : index
    %get3A_1180 = arith.constant 0 : index
    %get3A_1181 = arith.constant 0 : index
    %get3A_1182 = vector.load %arg3[%get3A_1178, %get3A_1179, %get3A_1180, %get3A_1181] : memref<1x64x64x80xf32, #tpu.memory_space<vmem>>, vector<1x1x64x80xf32>
    %get3A_1183 = vector.shape_cast %get3A_1182 : vector<1x1x64x80xf32> to vector<64x80xf32>
    %jit3A_1184 = arith.constant 9.99999997E-7 : f32
    %jit3A_1185 = arith.constant 0.999998986 : f32
    %max3A_1186 = vector.broadcast %jit3A_1184 : f32 to vector<64x80xf32>
    %max3A_1187 = arith.maximumf %max3A_1186, %get3A_1177 : vector<64x80xf32>
    %min3A_1188 = vector.broadcast %jit3A_1185 : f32 to vector<64x80xf32>
    %min3A_1189 = arith.minimumf %min3A_1188, %max3A_1187 : vector<64x80xf32>
    %sub3A_1190 = arith.constant 1.000000e+00 : f32
    %sub3A_1191 = vector.broadcast %sub3A_1190 : f32 to vector<64x80xf32>
    %sub3A_1192 = arith.subf %sub3A_1191, %get3A_1183 : vector<64x80xf32>
    %mul3A_1193 = arith.mulf %sub3A_1192, %sub3A_1192 : vector<64x80xf32>
    %mul3A_1194 = arith.mulf %mul3A_1193, %mul3A_1193 : vector<64x80xf32>
    %sub3A_1195 = arith.constant 1.000000e+00 : f32
    %sub3A_1196 = vector.broadcast %sub3A_1195 : f32 to vector<64x80xf32>
    %sub3A_1197 = arith.subf %sub3A_1196, %min3A_1189 : vector<64x80xf32>
    %log3A_1198 = math.log %sub3A_1197 : vector<64x80xf32>
    %mul3A_1199 = arith.mulf %min3A_1189, %min3A_1189 : vector<64x80xf32>
    %mul3A_1200 = arith.mulf %log3A_1198, %mul3A_1199 : vector<64x80xf32>
    %mul3A_1201 = arith.mulf %mul3A_1200, %mul3A_1194 : vector<64x80xf32>
    %sub3A_1202 = arith.subf %sub3A_1171, %mul3A_1201 : vector<64x80xf32>
    %get3A_1203 = arith.constant 0 : index
    %get3A_1204 = arith.constant 39 : index
    %get3A_1205 = arith.constant 0 : index
    %get3A_1206 = arith.constant 0 : index
    %get3A_1207 = vector.load %arg2[%get3A_1203, %get3A_1204, %get3A_1205, %get3A_1206] : memref<1x64x64x80xf32, #tpu.memory_space<vmem>>, vector<1x1x64x80xf32>
    %get3A_1208 = vector.shape_cast %get3A_1207 : vector<1x1x64x80xf32> to vector<64x80xf32>
    %get3A_1209 = arith.constant 0 : index
    %get3A_1210 = arith.constant 39 : index
    %get3A_1211 = arith.constant 0 : index
    %get3A_1212 = arith.constant 0 : index
    %get3A_1213 = vector.load %arg3[%get3A_1209, %get3A_1210, %get3A_1211, %get3A_1212] : memref<1x64x64x80xf32, #tpu.memory_space<vmem>>, vector<1x1x64x80xf32>
    %get3A_1214 = vector.shape_cast %get3A_1213 : vector<1x1x64x80xf32> to vector<64x80xf32>
    %jit3A_1215 = arith.constant 9.99999997E-7 : f32
    %jit3A_1216 = arith.constant 0.999998986 : f32
    %max3A_1217 = vector.broadcast %jit3A_1215 : f32 to vector<64x80xf32>
    %max3A_1218 = arith.maximumf %max3A_1217, %get3A_1208 : vector<64x80xf32>
    %min3A_1219 = vector.broadcast %jit3A_1216 : f32 to vector<64x80xf32>
    %min3A_1220 = arith.minimumf %min3A_1219, %max3A_1218 : vector<64x80xf32>
    %sub3A_1221 = arith.constant 1.000000e+00 : f32
    %sub3A_1222 = vector.broadcast %sub3A_1221 : f32 to vector<64x80xf32>
    %sub3A_1223 = arith.subf %sub3A_1222, %get3A_1214 : vector<64x80xf32>
    %mul3A_1224 = arith.mulf %sub3A_1223, %sub3A_1223 : vector<64x80xf32>
    %mul3A_1225 = arith.mulf %mul3A_1224, %mul3A_1224 : vector<64x80xf32>
    %sub3A_1226 = arith.constant 1.000000e+00 : f32
    %sub3A_1227 = vector.broadcast %sub3A_1226 : f32 to vector<64x80xf32>
    %sub3A_1228 = arith.subf %sub3A_1227, %min3A_1220 : vector<64x80xf32>
    %log3A_1229 = math.log %sub3A_1228 : vector<64x80xf32>
    %mul3A_1230 = arith.mulf %min3A_1220, %min3A_1220 : vector<64x80xf32>
    %mul3A_1231 = arith.mulf %log3A_1229, %mul3A_1230 : vector<64x80xf32>
    %mul3A_1232 = arith.mulf %mul3A_1231, %mul3A_1225 : vector<64x80xf32>
    %sub3A_1233 = arith.subf %sub3A_1202, %mul3A_1232 : vector<64x80xf32>
    %get3A_1234 = arith.constant 0 : index
    %get3A_1235 = arith.constant 40 : index
    %get3A_1236 = arith.constant 0 : index
    %get3A_1237 = arith.constant 0 : index
    %get3A_1238 = vector.load %arg2[%get3A_1234, %get3A_1235, %get3A_1236, %get3A_1237] : memref<1x64x64x80xf32, #tpu.memory_space<vmem>>, vector<1x1x64x80xf32>
    %get3A_1239 = vector.shape_cast %get3A_1238 : vector<1x1x64x80xf32> to vector<64x80xf32>
    %get3A_1240 = arith.constant 0 : index
    %get3A_1241 = arith.constant 40 : index
    %get3A_1242 = arith.constant 0 : index
    %get3A_1243 = arith.constant 0 : index
    %get3A_1244 = vector.load %arg3[%get3A_1240, %get3A_1241, %get3A_1242, %get3A_1243] : memref<1x64x64x80xf32, #tpu.memory_space<vmem>>, vector<1x1x64x80xf32>
    %get3A_1245 = vector.shape_cast %get3A_1244 : vector<1x1x64x80xf32> to vector<64x80xf32>
    %jit3A_1246 = arith.constant 9.99999997E-7 : f32
    %jit3A_1247 = arith.constant 0.999998986 : f32
    %max3A_1248 = vector.broadcast %jit3A_1246 : f32 to vector<64x80xf32>
    %max3A_1249 = arith.maximumf %max3A_1248, %get3A_1239 : vector<64x80xf32>
    %min3A_1250 = vector.broadcast %jit3A_1247 : f32 to vector<64x80xf32>
    %min3A_1251 = arith.minimumf %min3A_1250, %max3A_1249 : vector<64x80xf32>
    %sub3A_1252 = arith.constant 1.000000e+00 : f32
    %sub3A_1253 = vector.broadcast %sub3A_1252 : f32 to vector<64x80xf32>
    %sub3A_1254 = arith.subf %sub3A_1253, %get3A_1245 : vector<64x80xf32>
    %mul3A_1255 = arith.mulf %sub3A_1254, %sub3A_1254 : vector<64x80xf32>
    %mul3A_1256 = arith.mulf %mul3A_1255, %mul3A_1255 : vector<64x80xf32>
    %sub3A_1257 = arith.constant 1.000000e+00 : f32
    %sub3A_1258 = vector.broadcast %sub3A_1257 : f32 to vector<64x80xf32>
    %sub3A_1259 = arith.subf %sub3A_1258, %min3A_1251 : vector<64x80xf32>
    %log3A_1260 = math.log %sub3A_1259 : vector<64x80xf32>
    %mul3A_1261 = arith.mulf %min3A_1251, %min3A_1251 : vector<64x80xf32>
    %mul3A_1262 = arith.mulf %log3A_1260, %mul3A_1261 : vector<64x80xf32>
    %mul3A_1263 = arith.mulf %mul3A_1262, %mul3A_1256 : vector<64x80xf32>
    %sub3A_1264 = arith.subf %sub3A_1233, %mul3A_1263 : vector<64x80xf32>
    %get3A_1265 = arith.constant 0 : index
    %get3A_1266 = arith.constant 41 : index
    %get3A_1267 = arith.constant 0 : index
    %get3A_1268 = arith.constant 0 : index
    %get3A_1269 = vector.load %arg2[%get3A_1265, %get3A_1266, %get3A_1267, %get3A_1268] : memref<1x64x64x80xf32, #tpu.memory_space<vmem>>, vector<1x1x64x80xf32>
    %get3A_1270 = vector.shape_cast %get3A_1269 : vector<1x1x64x80xf32> to vector<64x80xf32>
    %get3A_1271 = arith.constant 0 : index
    %get3A_1272 = arith.constant 41 : index
    %get3A_1273 = arith.constant 0 : index
    %get3A_1274 = arith.constant 0 : index
    %get3A_1275 = vector.load %arg3[%get3A_1271, %get3A_1272, %get3A_1273, %get3A_1274] : memref<1x64x64x80xf32, #tpu.memory_space<vmem>>, vector<1x1x64x80xf32>
    %get3A_1276 = vector.shape_cast %get3A_1275 : vector<1x1x64x80xf32> to vector<64x80xf32>
    %jit3A_1277 = arith.constant 9.99999997E-7 : f32
    %jit3A_1278 = arith.constant 0.999998986 : f32
    %max3A_1279 = vector.broadcast %jit3A_1277 : f32 to vector<64x80xf32>
    %max3A_1280 = arith.maximumf %max3A_1279, %get3A_1270 : vector<64x80xf32>
    %min3A_1281 = vector.broadcast %jit3A_1278 : f32 to vector<64x80xf32>
    %min3A_1282 = arith.minimumf %min3A_1281, %max3A_1280 : vector<64x80xf32>
    %sub3A_1283 = arith.constant 1.000000e+00 : f32
    %sub3A_1284 = vector.broadcast %sub3A_1283 : f32 to vector<64x80xf32>
    %sub3A_1285 = arith.subf %sub3A_1284, %get3A_1276 : vector<64x80xf32>
    %mul3A_1286 = arith.mulf %sub3A_1285, %sub3A_1285 : vector<64x80xf32>
    %mul3A_1287 = arith.mulf %mul3A_1286, %mul3A_1286 : vector<64x80xf32>
    %sub3A_1288 = arith.constant 1.000000e+00 : f32
    %sub3A_1289 = vector.broadcast %sub3A_1288 : f32 to vector<64x80xf32>
    %sub3A_1290 = arith.subf %sub3A_1289, %min3A_1282 : vector<64x80xf32>
    %log3A_1291 = math.log %sub3A_1290 : vector<64x80xf32>
    %mul3A_1292 = arith.mulf %min3A_1282, %min3A_1282 : vector<64x80xf32>
    %mul3A_1293 = arith.mulf %log3A_1291, %mul3A_1292 : vector<64x80xf32>
    %mul3A_1294 = arith.mulf %mul3A_1293, %mul3A_1287 : vector<64x80xf32>
    %sub3A_1295 = arith.subf %sub3A_1264, %mul3A_1294 : vector<64x80xf32>
    %get3A_1296 = arith.constant 0 : index
    %get3A_1297 = arith.constant 42 : index
    %get3A_1298 = arith.constant 0 : index
    %get3A_1299 = arith.constant 0 : index
    %get3A_1300 = vector.load %arg2[%get3A_1296, %get3A_1297, %get3A_1298, %get3A_1299] : memref<1x64x64x80xf32, #tpu.memory_space<vmem>>, vector<1x1x64x80xf32>
    %get3A_1301 = vector.shape_cast %get3A_1300 : vector<1x1x64x80xf32> to vector<64x80xf32>
    %get3A_1302 = arith.constant 0 : index
    %get3A_1303 = arith.constant 42 : index
    %get3A_1304 = arith.constant 0 : index
    %get3A_1305 = arith.constant 0 : index
    %get3A_1306 = vector.load %arg3[%get3A_1302, %get3A_1303, %get3A_1304, %get3A_1305] : memref<1x64x64x80xf32, #tpu.memory_space<vmem>>, vector<1x1x64x80xf32>
    %get3A_1307 = vector.shape_cast %get3A_1306 : vector<1x1x64x80xf32> to vector<64x80xf32>
    %jit3A_1308 = arith.constant 9.99999997E-7 : f32
    %jit3A_1309 = arith.constant 0.999998986 : f32
    %max3A_1310 = vector.broadcast %jit3A_1308 : f32 to vector<64x80xf32>
    %max3A_1311 = arith.maximumf %max3A_1310, %get3A_1301 : vector<64x80xf32>
    %min3A_1312 = vector.broadcast %jit3A_1309 : f32 to vector<64x80xf32>
    %min3A_1313 = arith.minimumf %min3A_1312, %max3A_1311 : vector<64x80xf32>
    %sub3A_1314 = arith.constant 1.000000e+00 : f32
    %sub3A_1315 = vector.broadcast %sub3A_1314 : f32 to vector<64x80xf32>
    %sub3A_1316 = arith.subf %sub3A_1315, %get3A_1307 : vector<64x80xf32>
    %mul3A_1317 = arith.mulf %sub3A_1316, %sub3A_1316 : vector<64x80xf32>
    %mul3A_1318 = arith.mulf %mul3A_1317, %mul3A_1317 : vector<64x80xf32>
    %sub3A_1319 = arith.constant 1.000000e+00 : f32
    %sub3A_1320 = vector.broadcast %sub3A_1319 : f32 to vector<64x80xf32>
    %sub3A_1321 = arith.subf %sub3A_1320, %min3A_1313 : vector<64x80xf32>
    %log3A_1322 = math.log %sub3A_1321 : vector<64x80xf32>
    %mul3A_1323 = arith.mulf %min3A_1313, %min3A_1313 : vector<64x80xf32>
    %mul3A_1324 = arith.mulf %log3A_1322, %mul3A_1323 : vector<64x80xf32>
    %mul3A_1325 = arith.mulf %mul3A_1324, %mul3A_1318 : vector<64x80xf32>
    %sub3A_1326 = arith.subf %sub3A_1295, %mul3A_1325 : vector<64x80xf32>
    %get3A_1327 = arith.constant 0 : index
    %get3A_1328 = arith.constant 43 : index
    %get3A_1329 = arith.constant 0 : index
    %get3A_1330 = arith.constant 0 : index
    %get3A_1331 = vector.load %arg2[%get3A_1327, %get3A_1328, %get3A_1329, %get3A_1330] : memref<1x64x64x80xf32, #tpu.memory_space<vmem>>, vector<1x1x64x80xf32>
    %get3A_1332 = vector.shape_cast %get3A_1331 : vector<1x1x64x80xf32> to vector<64x80xf32>
    %get3A_1333 = arith.constant 0 : index
    %get3A_1334 = arith.constant 43 : index
    %get3A_1335 = arith.constant 0 : index
    %get3A_1336 = arith.constant 0 : index
    %get3A_1337 = vector.load %arg3[%get3A_1333, %get3A_1334, %get3A_1335, %get3A_1336] : memref<1x64x64x80xf32, #tpu.memory_space<vmem>>, vector<1x1x64x80xf32>
    %get3A_1338 = vector.shape_cast %get3A_1337 : vector<1x1x64x80xf32> to vector<64x80xf32>
    %jit3A_1339 = arith.constant 9.99999997E-7 : f32
    %jit3A_1340 = arith.constant 0.999998986 : f32
    %max3A_1341 = vector.broadcast %jit3A_1339 : f32 to vector<64x80xf32>
    %max3A_1342 = arith.maximumf %max3A_1341, %get3A_1332 : vector<64x80xf32>
    %min3A_1343 = vector.broadcast %jit3A_1340 : f32 to vector<64x80xf32>
    %min3A_1344 = arith.minimumf %min3A_1343, %max3A_1342 : vector<64x80xf32>
    %sub3A_1345 = arith.constant 1.000000e+00 : f32
    %sub3A_1346 = vector.broadcast %sub3A_1345 : f32 to vector<64x80xf32>
    %sub3A_1347 = arith.subf %sub3A_1346, %get3A_1338 : vector<64x80xf32>
    %mul3A_1348 = arith.mulf %sub3A_1347, %sub3A_1347 : vector<64x80xf32>
    %mul3A_1349 = arith.mulf %mul3A_1348, %mul3A_1348 : vector<64x80xf32>
    %sub3A_1350 = arith.constant 1.000000e+00 : f32
    %sub3A_1351 = vector.broadcast %sub3A_1350 : f32 to vector<64x80xf32>
    %sub3A_1352 = arith.subf %sub3A_1351, %min3A_1344 : vector<64x80xf32>
    %log3A_1353 = math.log %sub3A_1352 : vector<64x80xf32>
    %mul3A_1354 = arith.mulf %min3A_1344, %min3A_1344 : vector<64x80xf32>
    %mul3A_1355 = arith.mulf %log3A_1353, %mul3A_1354 : vector<64x80xf32>
    %mul3A_1356 = arith.mulf %mul3A_1355, %mul3A_1349 : vector<64x80xf32>
    %sub3A_1357 = arith.subf %sub3A_1326, %mul3A_1356 : vector<64x80xf32>
    %get3A_1358 = arith.constant 0 : index
    %get3A_1359 = arith.constant 44 : index
    %get3A_1360 = arith.constant 0 : index
    %get3A_1361 = arith.constant 0 : index
    %get3A_1362 = vector.load %arg2[%get3A_1358, %get3A_1359, %get3A_1360, %get3A_1361] : memref<1x64x64x80xf32, #tpu.memory_space<vmem>>, vector<1x1x64x80xf32>
    %get3A_1363 = vector.shape_cast %get3A_1362 : vector<1x1x64x80xf32> to vector<64x80xf32>
    %get3A_1364 = arith.constant 0 : index
    %get3A_1365 = arith.constant 44 : index
    %get3A_1366 = arith.constant 0 : index
    %get3A_1367 = arith.constant 0 : index
    %get3A_1368 = vector.load %arg3[%get3A_1364, %get3A_1365, %get3A_1366, %get3A_1367] : memref<1x64x64x80xf32, #tpu.memory_space<vmem>>, vector<1x1x64x80xf32>
    %get3A_1369 = vector.shape_cast %get3A_1368 : vector<1x1x64x80xf32> to vector<64x80xf32>
    %jit3A_1370 = arith.constant 9.99999997E-7 : f32
    %jit3A_1371 = arith.constant 0.999998986 : f32
    %max3A_1372 = vector.broadcast %jit3A_1370 : f32 to vector<64x80xf32>
    %max3A_1373 = arith.maximumf %max3A_1372, %get3A_1363 : vector<64x80xf32>
    %min3A_1374 = vector.broadcast %jit3A_1371 : f32 to vector<64x80xf32>
    %min3A_1375 = arith.minimumf %min3A_1374, %max3A_1373 : vector<64x80xf32>
    %sub3A_1376 = arith.constant 1.000000e+00 : f32
    %sub3A_1377 = vector.broadcast %sub3A_1376 : f32 to vector<64x80xf32>
    %sub3A_1378 = arith.subf %sub3A_1377, %get3A_1369 : vector<64x80xf32>
    %mul3A_1379 = arith.mulf %sub3A_1378, %sub3A_1378 : vector<64x80xf32>
    %mul3A_1380 = arith.mulf %mul3A_1379, %mul3A_1379 : vector<64x80xf32>
    %sub3A_1381 = arith.constant 1.000000e+00 : f32
    %sub3A_1382 = vector.broadcast %sub3A_1381 : f32 to vector<64x80xf32>
    %sub3A_1383 = arith.subf %sub3A_1382, %min3A_1375 : vector<64x80xf32>
    %log3A_1384 = math.log %sub3A_1383 : vector<64x80xf32>
    %mul3A_1385 = arith.mulf %min3A_1375, %min3A_1375 : vector<64x80xf32>
    %mul3A_1386 = arith.mulf %log3A_1384, %mul3A_1385 : vector<64x80xf32>
    %mul3A_1387 = arith.mulf %mul3A_1386, %mul3A_1380 : vector<64x80xf32>
    %sub3A_1388 = arith.subf %sub3A_1357, %mul3A_1387 : vector<64x80xf32>
    %get3A_1389 = arith.constant 0 : index
    %get3A_1390 = arith.constant 45 : index
    %get3A_1391 = arith.constant 0 : index
    %get3A_1392 = arith.constant 0 : index
    %get3A_1393 = vector.load %arg2[%get3A_1389, %get3A_1390, %get3A_1391, %get3A_1392] : memref<1x64x64x80xf32, #tpu.memory_space<vmem>>, vector<1x1x64x80xf32>
    %get3A_1394 = vector.shape_cast %get3A_1393 : vector<1x1x64x80xf32> to vector<64x80xf32>
    %get3A_1395 = arith.constant 0 : index
    %get3A_1396 = arith.constant 45 : index
    %get3A_1397 = arith.constant 0 : index
    %get3A_1398 = arith.constant 0 : index
    %get3A_1399 = vector.load %arg3[%get3A_1395, %get3A_1396, %get3A_1397, %get3A_1398] : memref<1x64x64x80xf32, #tpu.memory_space<vmem>>, vector<1x1x64x80xf32>
    %get3A_1400 = vector.shape_cast %get3A_1399 : vector<1x1x64x80xf32> to vector<64x80xf32>
    %jit3A_1401 = arith.constant 9.99999997E-7 : f32
    %jit3A_1402 = arith.constant 0.999998986 : f32
    %max3A_1403 = vector.broadcast %jit3A_1401 : f32 to vector<64x80xf32>
    %max3A_1404 = arith.maximumf %max3A_1403, %get3A_1394 : vector<64x80xf32>
    %min3A_1405 = vector.broadcast %jit3A_1402 : f32 to vector<64x80xf32>
    %min3A_1406 = arith.minimumf %min3A_1405, %max3A_1404 : vector<64x80xf32>
    %sub3A_1407 = arith.constant 1.000000e+00 : f32
    %sub3A_1408 = vector.broadcast %sub3A_1407 : f32 to vector<64x80xf32>
    %sub3A_1409 = arith.subf %sub3A_1408, %get3A_1400 : vector<64x80xf32>
    %mul3A_1410 = arith.mulf %sub3A_1409, %sub3A_1409 : vector<64x80xf32>
    %mul3A_1411 = arith.mulf %mul3A_1410, %mul3A_1410 : vector<64x80xf32>
    %sub3A_1412 = arith.constant 1.000000e+00 : f32
    %sub3A_1413 = vector.broadcast %sub3A_1412 : f32 to vector<64x80xf32>
    %sub3A_1414 = arith.subf %sub3A_1413, %min3A_1406 : vector<64x80xf32>
    %log3A_1415 = math.log %sub3A_1414 : vector<64x80xf32>
    %mul3A_1416 = arith.mulf %min3A_1406, %min3A_1406 : vector<64x80xf32>
    %mul3A_1417 = arith.mulf %log3A_1415, %mul3A_1416 : vector<64x80xf32>
    %mul3A_1418 = arith.mulf %mul3A_1417, %mul3A_1411 : vector<64x80xf32>
    %sub3A_1419 = arith.subf %sub3A_1388, %mul3A_1418 : vector<64x80xf32>
    %get3A_1420 = arith.constant 0 : index
    %get3A_1421 = arith.constant 46 : index
    %get3A_1422 = arith.constant 0 : index
    %get3A_1423 = arith.constant 0 : index
    %get3A_1424 = vector.load %arg2[%get3A_1420, %get3A_1421, %get3A_1422, %get3A_1423] : memref<1x64x64x80xf32, #tpu.memory_space<vmem>>, vector<1x1x64x80xf32>
    %get3A_1425 = vector.shape_cast %get3A_1424 : vector<1x1x64x80xf32> to vector<64x80xf32>
    %get3A_1426 = arith.constant 0 : index
    %get3A_1427 = arith.constant 46 : index
    %get3A_1428 = arith.constant 0 : index
    %get3A_1429 = arith.constant 0 : index
    %get3A_1430 = vector.load %arg3[%get3A_1426, %get3A_1427, %get3A_1428, %get3A_1429] : memref<1x64x64x80xf32, #tpu.memory_space<vmem>>, vector<1x1x64x80xf32>
    %get3A_1431 = vector.shape_cast %get3A_1430 : vector<1x1x64x80xf32> to vector<64x80xf32>
    %jit3A_1432 = arith.constant 9.99999997E-7 : f32
    %jit3A_1433 = arith.constant 0.999998986 : f32
    %max3A_1434 = vector.broadcast %jit3A_1432 : f32 to vector<64x80xf32>
    %max3A_1435 = arith.maximumf %max3A_1434, %get3A_1425 : vector<64x80xf32>
    %min3A_1436 = vector.broadcast %jit3A_1433 : f32 to vector<64x80xf32>
    %min3A_1437 = arith.minimumf %min3A_1436, %max3A_1435 : vector<64x80xf32>
    %sub3A_1438 = arith.constant 1.000000e+00 : f32
    %sub3A_1439 = vector.broadcast %sub3A_1438 : f32 to vector<64x80xf32>
    %sub3A_1440 = arith.subf %sub3A_1439, %get3A_1431 : vector<64x80xf32>
    %mul3A_1441 = arith.mulf %sub3A_1440, %sub3A_1440 : vector<64x80xf32>
    %mul3A_1442 = arith.mulf %mul3A_1441, %mul3A_1441 : vector<64x80xf32>
    %sub3A_1443 = arith.constant 1.000000e+00 : f32
    %sub3A_1444 = vector.broadcast %sub3A_1443 : f32 to vector<64x80xf32>
    %sub3A_1445 = arith.subf %sub3A_1444, %min3A_1437 : vector<64x80xf32>
    %log3A_1446 = math.log %sub3A_1445 : vector<64x80xf32>
    %mul3A_1447 = arith.mulf %min3A_1437, %min3A_1437 : vector<64x80xf32>
    %mul3A_1448 = arith.mulf %log3A_1446, %mul3A_1447 : vector<64x80xf32>
    %mul3A_1449 = arith.mulf %mul3A_1448, %mul3A_1442 : vector<64x80xf32>
    %sub3A_1450 = arith.subf %sub3A_1419, %mul3A_1449 : vector<64x80xf32>
    %get3A_1451 = arith.constant 0 : index
    %get3A_1452 = arith.constant 47 : index
    %get3A_1453 = arith.constant 0 : index
    %get3A_1454 = arith.constant 0 : index
    %get3A_1455 = vector.load %arg2[%get3A_1451, %get3A_1452, %get3A_1453, %get3A_1454] : memref<1x64x64x80xf32, #tpu.memory_space<vmem>>, vector<1x1x64x80xf32>
    %get3A_1456 = vector.shape_cast %get3A_1455 : vector<1x1x64x80xf32> to vector<64x80xf32>
    %get3A_1457 = arith.constant 0 : index
    %get3A_1458 = arith.constant 47 : index
    %get3A_1459 = arith.constant 0 : index
    %get3A_1460 = arith.constant 0 : index
    %get3A_1461 = vector.load %arg3[%get3A_1457, %get3A_1458, %get3A_1459, %get3A_1460] : memref<1x64x64x80xf32, #tpu.memory_space<vmem>>, vector<1x1x64x80xf32>
    %get3A_1462 = vector.shape_cast %get3A_1461 : vector<1x1x64x80xf32> to vector<64x80xf32>
    %jit3A_1463 = arith.constant 9.99999997E-7 : f32
    %jit3A_1464 = arith.constant 0.999998986 : f32
    %max3A_1465 = vector.broadcast %jit3A_1463 : f32 to vector<64x80xf32>
    %max3A_1466 = arith.maximumf %max3A_1465, %get3A_1456 : vector<64x80xf32>
    %min3A_1467 = vector.broadcast %jit3A_1464 : f32 to vector<64x80xf32>
    %min3A_1468 = arith.minimumf %min3A_1467, %max3A_1466 : vector<64x80xf32>
    %sub3A_1469 = arith.constant 1.000000e+00 : f32
    %sub3A_1470 = vector.broadcast %sub3A_1469 : f32 to vector<64x80xf32>
    %sub3A_1471 = arith.subf %sub3A_1470, %get3A_1462 : vector<64x80xf32>
    %mul3A_1472 = arith.mulf %sub3A_1471, %sub3A_1471 : vector<64x80xf32>
    %mul3A_1473 = arith.mulf %mul3A_1472, %mul3A_1472 : vector<64x80xf32>
    %sub3A_1474 = arith.constant 1.000000e+00 : f32
    %sub3A_1475 = vector.broadcast %sub3A_1474 : f32 to vector<64x80xf32>
    %sub3A_1476 = arith.subf %sub3A_1475, %min3A_1468 : vector<64x80xf32>
    %log3A_1477 = math.log %sub3A_1476 : vector<64x80xf32>
    %mul3A_1478 = arith.mulf %min3A_1468, %min3A_1468 : vector<64x80xf32>
    %mul3A_1479 = arith.mulf %log3A_1477, %mul3A_1478 : vector<64x80xf32>
    %mul3A_1480 = arith.mulf %mul3A_1479, %mul3A_1473 : vector<64x80xf32>
    %sub3A_1481 = arith.subf %sub3A_1450, %mul3A_1480 : vector<64x80xf32>
    %get3A_1482 = arith.constant 0 : index
    %get3A_1483 = arith.constant 48 : index
    %get3A_1484 = arith.constant 0 : index
    %get3A_1485 = arith.constant 0 : index
    %get3A_1486 = vector.load %arg2[%get3A_1482, %get3A_1483, %get3A_1484, %get3A_1485] : memref<1x64x64x80xf32, #tpu.memory_space<vmem>>, vector<1x1x64x80xf32>
    %get3A_1487 = vector.shape_cast %get3A_1486 : vector<1x1x64x80xf32> to vector<64x80xf32>
    %get3A_1488 = arith.constant 0 : index
    %get3A_1489 = arith.constant 48 : index
    %get3A_1490 = arith.constant 0 : index
    %get3A_1491 = arith.constant 0 : index
    %get3A_1492 = vector.load %arg3[%get3A_1488, %get3A_1489, %get3A_1490, %get3A_1491] : memref<1x64x64x80xf32, #tpu.memory_space<vmem>>, vector<1x1x64x80xf32>
    %get3A_1493 = vector.shape_cast %get3A_1492 : vector<1x1x64x80xf32> to vector<64x80xf32>
    %jit3A_1494 = arith.constant 9.99999997E-7 : f32
    %jit3A_1495 = arith.constant 0.999998986 : f32
    %max3A_1496 = vector.broadcast %jit3A_1494 : f32 to vector<64x80xf32>
    %max3A_1497 = arith.maximumf %max3A_1496, %get3A_1487 : vector<64x80xf32>
    %min3A_1498 = vector.broadcast %jit3A_1495 : f32 to vector<64x80xf32>
    %min3A_1499 = arith.minimumf %min3A_1498, %max3A_1497 : vector<64x80xf32>
    %sub3A_1500 = arith.constant 1.000000e+00 : f32
    %sub3A_1501 = vector.broadcast %sub3A_1500 : f32 to vector<64x80xf32>
    %sub3A_1502 = arith.subf %sub3A_1501, %get3A_1493 : vector<64x80xf32>
    %mul3A_1503 = arith.mulf %sub3A_1502, %sub3A_1502 : vector<64x80xf32>
    %mul3A_1504 = arith.mulf %mul3A_1503, %mul3A_1503 : vector<64x80xf32>
    %sub3A_1505 = arith.constant 1.000000e+00 : f32
    %sub3A_1506 = vector.broadcast %sub3A_1505 : f32 to vector<64x80xf32>
    %sub3A_1507 = arith.subf %sub3A_1506, %min3A_1499 : vector<64x80xf32>
    %log3A_1508 = math.log %sub3A_1507 : vector<64x80xf32>
    %mul3A_1509 = arith.mulf %min3A_1499, %min3A_1499 : vector<64x80xf32>
    %mul3A_1510 = arith.mulf %log3A_1508, %mul3A_1509 : vector<64x80xf32>
    %mul3A_1511 = arith.mulf %mul3A_1510, %mul3A_1504 : vector<64x80xf32>
    %sub3A_1512 = arith.subf %sub3A_1481, %mul3A_1511 : vector<64x80xf32>
    %get3A_1513 = arith.constant 0 : index
    %get3A_1514 = arith.constant 49 : index
    %get3A_1515 = arith.constant 0 : index
    %get3A_1516 = arith.constant 0 : index
    %get3A_1517 = vector.load %arg2[%get3A_1513, %get3A_1514, %get3A_1515, %get3A_1516] : memref<1x64x64x80xf32, #tpu.memory_space<vmem>>, vector<1x1x64x80xf32>
    %get3A_1518 = vector.shape_cast %get3A_1517 : vector<1x1x64x80xf32> to vector<64x80xf32>
    %get3A_1519 = arith.constant 0 : index
    %get3A_1520 = arith.constant 49 : index
    %get3A_1521 = arith.constant 0 : index
    %get3A_1522 = arith.constant 0 : index
    %get3A_1523 = vector.load %arg3[%get3A_1519, %get3A_1520, %get3A_1521, %get3A_1522] : memref<1x64x64x80xf32, #tpu.memory_space<vmem>>, vector<1x1x64x80xf32>
    %get3A_1524 = vector.shape_cast %get3A_1523 : vector<1x1x64x80xf32> to vector<64x80xf32>
    %jit3A_1525 = arith.constant 9.99999997E-7 : f32
    %jit3A_1526 = arith.constant 0.999998986 : f32
    %max3A_1527 = vector.broadcast %jit3A_1525 : f32 to vector<64x80xf32>
    %max3A_1528 = arith.maximumf %max3A_1527, %get3A_1518 : vector<64x80xf32>
    %min3A_1529 = vector.broadcast %jit3A_1526 : f32 to vector<64x80xf32>
    %min3A_1530 = arith.minimumf %min3A_1529, %max3A_1528 : vector<64x80xf32>
    %sub3A_1531 = arith.constant 1.000000e+00 : f32
    %sub3A_1532 = vector.broadcast %sub3A_1531 : f32 to vector<64x80xf32>
    %sub3A_1533 = arith.subf %sub3A_1532, %get3A_1524 : vector<64x80xf32>
    %mul3A_1534 = arith.mulf %sub3A_1533, %sub3A_1533 : vector<64x80xf32>
    %mul3A_1535 = arith.mulf %mul3A_1534, %mul3A_1534 : vector<64x80xf32>
    %sub3A_1536 = arith.constant 1.000000e+00 : f32
    %sub3A_1537 = vector.broadcast %sub3A_1536 : f32 to vector<64x80xf32>
    %sub3A_1538 = arith.subf %sub3A_1537, %min3A_1530 : vector<64x80xf32>
    %log3A_1539 = math.log %sub3A_1538 : vector<64x80xf32>
    %mul3A_1540 = arith.mulf %min3A_1530, %min3A_1530 : vector<64x80xf32>
    %mul3A_1541 = arith.mulf %log3A_1539, %mul3A_1540 : vector<64x80xf32>
    %mul3A_1542 = arith.mulf %mul3A_1541, %mul3A_1535 : vector<64x80xf32>
    %sub3A_1543 = arith.subf %sub3A_1512, %mul3A_1542 : vector<64x80xf32>
    %get3A_1544 = arith.constant 0 : index
    %get3A_1545 = arith.constant 50 : index
    %get3A_1546 = arith.constant 0 : index
    %get3A_1547 = arith.constant 0 : index
    %get3A_1548 = vector.load %arg2[%get3A_1544, %get3A_1545, %get3A_1546, %get3A_1547] : memref<1x64x64x80xf32, #tpu.memory_space<vmem>>, vector<1x1x64x80xf32>
    %get3A_1549 = vector.shape_cast %get3A_1548 : vector<1x1x64x80xf32> to vector<64x80xf32>
    %get3A_1550 = arith.constant 0 : index
    %get3A_1551 = arith.constant 50 : index
    %get3A_1552 = arith.constant 0 : index
    %get3A_1553 = arith.constant 0 : index
    %get3A_1554 = vector.load %arg3[%get3A_1550, %get3A_1551, %get3A_1552, %get3A_1553] : memref<1x64x64x80xf32, #tpu.memory_space<vmem>>, vector<1x1x64x80xf32>
    %get3A_1555 = vector.shape_cast %get3A_1554 : vector<1x1x64x80xf32> to vector<64x80xf32>
    %jit3A_1556 = arith.constant 9.99999997E-7 : f32
    %jit3A_1557 = arith.constant 0.999998986 : f32
    %max3A_1558 = vector.broadcast %jit3A_1556 : f32 to vector<64x80xf32>
    %max3A_1559 = arith.maximumf %max3A_1558, %get3A_1549 : vector<64x80xf32>
    %min3A_1560 = vector.broadcast %jit3A_1557 : f32 to vector<64x80xf32>
    %min3A_1561 = arith.minimumf %min3A_1560, %max3A_1559 : vector<64x80xf32>
    %sub3A_1562 = arith.constant 1.000000e+00 : f32
    %sub3A_1563 = vector.broadcast %sub3A_1562 : f32 to vector<64x80xf32>
    %sub3A_1564 = arith.subf %sub3A_1563, %get3A_1555 : vector<64x80xf32>
    %mul3A_1565 = arith.mulf %sub3A_1564, %sub3A_1564 : vector<64x80xf32>
    %mul3A_1566 = arith.mulf %mul3A_1565, %mul3A_1565 : vector<64x80xf32>
    %sub3A_1567 = arith.constant 1.000000e+00 : f32
    %sub3A_1568 = vector.broadcast %sub3A_1567 : f32 to vector<64x80xf32>
    %sub3A_1569 = arith.subf %sub3A_1568, %min3A_1561 : vector<64x80xf32>
    %log3A_1570 = math.log %sub3A_1569 : vector<64x80xf32>
    %mul3A_1571 = arith.mulf %min3A_1561, %min3A_1561 : vector<64x80xf32>
    %mul3A_1572 = arith.mulf %log3A_1570, %mul3A_1571 : vector<64x80xf32>
    %mul3A_1573 = arith.mulf %mul3A_1572, %mul3A_1566 : vector<64x80xf32>
    %sub3A_1574 = arith.subf %sub3A_1543, %mul3A_1573 : vector<64x80xf32>
    %get3A_1575 = arith.constant 0 : index
    %get3A_1576 = arith.constant 51 : index
    %get3A_1577 = arith.constant 0 : index
    %get3A_1578 = arith.constant 0 : index
    %get3A_1579 = vector.load %arg2[%get3A_1575, %get3A_1576, %get3A_1577, %get3A_1578] : memref<1x64x64x80xf32, #tpu.memory_space<vmem>>, vector<1x1x64x80xf32>
    %get3A_1580 = vector.shape_cast %get3A_1579 : vector<1x1x64x80xf32> to vector<64x80xf32>
    %get3A_1581 = arith.constant 0 : index
    %get3A_1582 = arith.constant 51 : index
    %get3A_1583 = arith.constant 0 : index
    %get3A_1584 = arith.constant 0 : index
    %get3A_1585 = vector.load %arg3[%get3A_1581, %get3A_1582, %get3A_1583, %get3A_1584] : memref<1x64x64x80xf32, #tpu.memory_space<vmem>>, vector<1x1x64x80xf32>
    %get3A_1586 = vector.shape_cast %get3A_1585 : vector<1x1x64x80xf32> to vector<64x80xf32>
    %jit3A_1587 = arith.constant 9.99999997E-7 : f32
    %jit3A_1588 = arith.constant 0.999998986 : f32
    %max3A_1589 = vector.broadcast %jit3A_1587 : f32 to vector<64x80xf32>
    %max3A_1590 = arith.maximumf %max3A_1589, %get3A_1580 : vector<64x80xf32>
    %min3A_1591 = vector.broadcast %jit3A_1588 : f32 to vector<64x80xf32>
    %min3A_1592 = arith.minimumf %min3A_1591, %max3A_1590 : vector<64x80xf32>
    %sub3A_1593 = arith.constant 1.000000e+00 : f32
    %sub3A_1594 = vector.broadcast %sub3A_1593 : f32 to vector<64x80xf32>
    %sub3A_1595 = arith.subf %sub3A_1594, %get3A_1586 : vector<64x80xf32>
    %mul3A_1596 = arith.mulf %sub3A_1595, %sub3A_1595 : vector<64x80xf32>
    %mul3A_1597 = arith.mulf %mul3A_1596, %mul3A_1596 : vector<64x80xf32>
    %sub3A_1598 = arith.constant 1.000000e+00 : f32
    %sub3A_1599 = vector.broadcast %sub3A_1598 : f32 to vector<64x80xf32>
    %sub3A_1600 = arith.subf %sub3A_1599, %min3A_1592 : vector<64x80xf32>
    %log3A_1601 = math.log %sub3A_1600 : vector<64x80xf32>
    %mul3A_1602 = arith.mulf %min3A_1592, %min3A_1592 : vector<64x80xf32>
    %mul3A_1603 = arith.mulf %log3A_1601, %mul3A_1602 : vector<64x80xf32>
    %mul3A_1604 = arith.mulf %mul3A_1603, %mul3A_1597 : vector<64x80xf32>
    %sub3A_1605 = arith.subf %sub3A_1574, %mul3A_1604 : vector<64x80xf32>
    %get3A_1606 = arith.constant 0 : index
    %get3A_1607 = arith.constant 52 : index
    %get3A_1608 = arith.constant 0 : index
    %get3A_1609 = arith.constant 0 : index
    %get3A_1610 = vector.load %arg2[%get3A_1606, %get3A_1607, %get3A_1608, %get3A_1609] : memref<1x64x64x80xf32, #tpu.memory_space<vmem>>, vector<1x1x64x80xf32>
    %get3A_1611 = vector.shape_cast %get3A_1610 : vector<1x1x64x80xf32> to vector<64x80xf32>
    %get3A_1612 = arith.constant 0 : index
    %get3A_1613 = arith.constant 52 : index
    %get3A_1614 = arith.constant 0 : index
    %get3A_1615 = arith.constant 0 : index
    %get3A_1616 = vector.load %arg3[%get3A_1612, %get3A_1613, %get3A_1614, %get3A_1615] : memref<1x64x64x80xf32, #tpu.memory_space<vmem>>, vector<1x1x64x80xf32>
    %get3A_1617 = vector.shape_cast %get3A_1616 : vector<1x1x64x80xf32> to vector<64x80xf32>
    %jit3A_1618 = arith.constant 9.99999997E-7 : f32
    %jit3A_1619 = arith.constant 0.999998986 : f32
    %max3A_1620 = vector.broadcast %jit3A_1618 : f32 to vector<64x80xf32>
    %max3A_1621 = arith.maximumf %max3A_1620, %get3A_1611 : vector<64x80xf32>
    %min3A_1622 = vector.broadcast %jit3A_1619 : f32 to vector<64x80xf32>
    %min3A_1623 = arith.minimumf %min3A_1622, %max3A_1621 : vector<64x80xf32>
    %sub3A_1624 = arith.constant 1.000000e+00 : f32
    %sub3A_1625 = vector.broadcast %sub3A_1624 : f32 to vector<64x80xf32>
    %sub3A_1626 = arith.subf %sub3A_1625, %get3A_1617 : vector<64x80xf32>
    %mul3A_1627 = arith.mulf %sub3A_1626, %sub3A_1626 : vector<64x80xf32>
    %mul3A_1628 = arith.mulf %mul3A_1627, %mul3A_1627 : vector<64x80xf32>
    %sub3A_1629 = arith.constant 1.000000e+00 : f32
    %sub3A_1630 = vector.broadcast %sub3A_1629 : f32 to vector<64x80xf32>
    %sub3A_1631 = arith.subf %sub3A_1630, %min3A_1623 : vector<64x80xf32>
    %log3A_1632 = math.log %sub3A_1631 : vector<64x80xf32>
    %mul3A_1633 = arith.mulf %min3A_1623, %min3A_1623 : vector<64x80xf32>
    %mul3A_1634 = arith.mulf %log3A_1632, %mul3A_1633 : vector<64x80xf32>
    %mul3A_1635 = arith.mulf %mul3A_1634, %mul3A_1628 : vector<64x80xf32>
    %sub3A_1636 = arith.subf %sub3A_1605, %mul3A_1635 : vector<64x80xf32>
    %get3A_1637 = arith.constant 0 : index
    %get3A_1638 = arith.constant 53 : index
    %get3A_1639 = arith.constant 0 : index
    %get3A_1640 = arith.constant 0 : index
    %get3A_1641 = vector.load %arg2[%get3A_1637, %get3A_1638, %get3A_1639, %get3A_1640] : memref<1x64x64x80xf32, #tpu.memory_space<vmem>>, vector<1x1x64x80xf32>
    %get3A_1642 = vector.shape_cast %get3A_1641 : vector<1x1x64x80xf32> to vector<64x80xf32>
    %get3A_1643 = arith.constant 0 : index
    %get3A_1644 = arith.constant 53 : index
    %get3A_1645 = arith.constant 0 : index
    %get3A_1646 = arith.constant 0 : index
    %get3A_1647 = vector.load %arg3[%get3A_1643, %get3A_1644, %get3A_1645, %get3A_1646] : memref<1x64x64x80xf32, #tpu.memory_space<vmem>>, vector<1x1x64x80xf32>
    %get3A_1648 = vector.shape_cast %get3A_1647 : vector<1x1x64x80xf32> to vector<64x80xf32>
    %jit3A_1649 = arith.constant 9.99999997E-7 : f32
    %jit3A_1650 = arith.constant 0.999998986 : f32
    %max3A_1651 = vector.broadcast %jit3A_1649 : f32 to vector<64x80xf32>
    %max3A_1652 = arith.maximumf %max3A_1651, %get3A_1642 : vector<64x80xf32>
    %min3A_1653 = vector.broadcast %jit3A_1650 : f32 to vector<64x80xf32>
    %min3A_1654 = arith.minimumf %min3A_1653, %max3A_1652 : vector<64x80xf32>
    %sub3A_1655 = arith.constant 1.000000e+00 : f32
    %sub3A_1656 = vector.broadcast %sub3A_1655 : f32 to vector<64x80xf32>
    %sub3A_1657 = arith.subf %sub3A_1656, %get3A_1648 : vector<64x80xf32>
    %mul3A_1658 = arith.mulf %sub3A_1657, %sub3A_1657 : vector<64x80xf32>
    %mul3A_1659 = arith.mulf %mul3A_1658, %mul3A_1658 : vector<64x80xf32>
    %sub3A_1660 = arith.constant 1.000000e+00 : f32
    %sub3A_1661 = vector.broadcast %sub3A_1660 : f32 to vector<64x80xf32>
    %sub3A_1662 = arith.subf %sub3A_1661, %min3A_1654 : vector<64x80xf32>
    %log3A_1663 = math.log %sub3A_1662 : vector<64x80xf32>
    %mul3A_1664 = arith.mulf %min3A_1654, %min3A_1654 : vector<64x80xf32>
    %mul3A_1665 = arith.mulf %log3A_1663, %mul3A_1664 : vector<64x80xf32>
    %mul3A_1666 = arith.mulf %mul3A_1665, %mul3A_1659 : vector<64x80xf32>
    %sub3A_1667 = arith.subf %sub3A_1636, %mul3A_1666 : vector<64x80xf32>
    %get3A_1668 = arith.constant 0 : index
    %get3A_1669 = arith.constant 54 : index
    %get3A_1670 = arith.constant 0 : index
    %get3A_1671 = arith.constant 0 : index
    %get3A_1672 = vector.load %arg2[%get3A_1668, %get3A_1669, %get3A_1670, %get3A_1671] : memref<1x64x64x80xf32, #tpu.memory_space<vmem>>, vector<1x1x64x80xf32>
    %get3A_1673 = vector.shape_cast %get3A_1672 : vector<1x1x64x80xf32> to vector<64x80xf32>
    %get3A_1674 = arith.constant 0 : index
    %get3A_1675 = arith.constant 54 : index
    %get3A_1676 = arith.constant 0 : index
    %get3A_1677 = arith.constant 0 : index
    %get3A_1678 = vector.load %arg3[%get3A_1674, %get3A_1675, %get3A_1676, %get3A_1677] : memref<1x64x64x80xf32, #tpu.memory_space<vmem>>, vector<1x1x64x80xf32>
    %get3A_1679 = vector.shape_cast %get3A_1678 : vector<1x1x64x80xf32> to vector<64x80xf32>
    %jit3A_1680 = arith.constant 9.99999997E-7 : f32
    %jit3A_1681 = arith.constant 0.999998986 : f32
    %max3A_1682 = vector.broadcast %jit3A_1680 : f32 to vector<64x80xf32>
    %max3A_1683 = arith.maximumf %max3A_1682, %get3A_1673 : vector<64x80xf32>
    %min3A_1684 = vector.broadcast %jit3A_1681 : f32 to vector<64x80xf32>
    %min3A_1685 = arith.minimumf %min3A_1684, %max3A_1683 : vector<64x80xf32>
    %sub3A_1686 = arith.constant 1.000000e+00 : f32
    %sub3A_1687 = vector.broadcast %sub3A_1686 : f32 to vector<64x80xf32>
    %sub3A_1688 = arith.subf %sub3A_1687, %get3A_1679 : vector<64x80xf32>
    %mul3A_1689 = arith.mulf %sub3A_1688, %sub3A_1688 : vector<64x80xf32>
    %mul3A_1690 = arith.mulf %mul3A_1689, %mul3A_1689 : vector<64x80xf32>
    %sub3A_1691 = arith.constant 1.000000e+00 : f32
    %sub3A_1692 = vector.broadcast %sub3A_1691 : f32 to vector<64x80xf32>
    %sub3A_1693 = arith.subf %sub3A_1692, %min3A_1685 : vector<64x80xf32>
    %log3A_1694 = math.log %sub3A_1693 : vector<64x80xf32>
    %mul3A_1695 = arith.mulf %min3A_1685, %min3A_1685 : vector<64x80xf32>
    %mul3A_1696 = arith.mulf %log3A_1694, %mul3A_1695 : vector<64x80xf32>
    %mul3A_1697 = arith.mulf %mul3A_1696, %mul3A_1690 : vector<64x80xf32>
    %sub3A_1698 = arith.subf %sub3A_1667, %mul3A_1697 : vector<64x80xf32>
    %get3A_1699 = arith.constant 0 : index
    %get3A_1700 = arith.constant 55 : index
    %get3A_1701 = arith.constant 0 : index
    %get3A_1702 = arith.constant 0 : index
    %get3A_1703 = vector.load %arg2[%get3A_1699, %get3A_1700, %get3A_1701, %get3A_1702] : memref<1x64x64x80xf32, #tpu.memory_space<vmem>>, vector<1x1x64x80xf32>
    %get3A_1704 = vector.shape_cast %get3A_1703 : vector<1x1x64x80xf32> to vector<64x80xf32>
    %get3A_1705 = arith.constant 0 : index
    %get3A_1706 = arith.constant 55 : index
    %get3A_1707 = arith.constant 0 : index
    %get3A_1708 = arith.constant 0 : index
    %get3A_1709 = vector.load %arg3[%get3A_1705, %get3A_1706, %get3A_1707, %get3A_1708] : memref<1x64x64x80xf32, #tpu.memory_space<vmem>>, vector<1x1x64x80xf32>
    %get3A_1710 = vector.shape_cast %get3A_1709 : vector<1x1x64x80xf32> to vector<64x80xf32>
    %jit3A_1711 = arith.constant 9.99999997E-7 : f32
    %jit3A_1712 = arith.constant 0.999998986 : f32
    %max3A_1713 = vector.broadcast %jit3A_1711 : f32 to vector<64x80xf32>
    %max3A_1714 = arith.maximumf %max3A_1713, %get3A_1704 : vector<64x80xf32>
    %min3A_1715 = vector.broadcast %jit3A_1712 : f32 to vector<64x80xf32>
    %min3A_1716 = arith.minimumf %min3A_1715, %max3A_1714 : vector<64x80xf32>
    %sub3A_1717 = arith.constant 1.000000e+00 : f32
    %sub3A_1718 = vector.broadcast %sub3A_1717 : f32 to vector<64x80xf32>
    %sub3A_1719 = arith.subf %sub3A_1718, %get3A_1710 : vector<64x80xf32>
    %mul3A_1720 = arith.mulf %sub3A_1719, %sub3A_1719 : vector<64x80xf32>
    %mul3A_1721 = arith.mulf %mul3A_1720, %mul3A_1720 : vector<64x80xf32>
    %sub3A_1722 = arith.constant 1.000000e+00 : f32
    %sub3A_1723 = vector.broadcast %sub3A_1722 : f32 to vector<64x80xf32>
    %sub3A_1724 = arith.subf %sub3A_1723, %min3A_1716 : vector<64x80xf32>
    %log3A_1725 = math.log %sub3A_1724 : vector<64x80xf32>
    %mul3A_1726 = arith.mulf %min3A_1716, %min3A_1716 : vector<64x80xf32>
    %mul3A_1727 = arith.mulf %log3A_1725, %mul3A_1726 : vector<64x80xf32>
    %mul3A_1728 = arith.mulf %mul3A_1727, %mul3A_1721 : vector<64x80xf32>
    %sub3A_1729 = arith.subf %sub3A_1698, %mul3A_1728 : vector<64x80xf32>
    %get3A_1730 = arith.constant 0 : index
    %get3A_1731 = arith.constant 56 : index
    %get3A_1732 = arith.constant 0 : index
    %get3A_1733 = arith.constant 0 : index
    %get3A_1734 = vector.load %arg2[%get3A_1730, %get3A_1731, %get3A_1732, %get3A_1733] : memref<1x64x64x80xf32, #tpu.memory_space<vmem>>, vector<1x1x64x80xf32>
    %get3A_1735 = vector.shape_cast %get3A_1734 : vector<1x1x64x80xf32> to vector<64x80xf32>
    %get3A_1736 = arith.constant 0 : index
    %get3A_1737 = arith.constant 56 : index
    %get3A_1738 = arith.constant 0 : index
    %get3A_1739 = arith.constant 0 : index
    %get3A_1740 = vector.load %arg3[%get3A_1736, %get3A_1737, %get3A_1738, %get3A_1739] : memref<1x64x64x80xf32, #tpu.memory_space<vmem>>, vector<1x1x64x80xf32>
    %get3A_1741 = vector.shape_cast %get3A_1740 : vector<1x1x64x80xf32> to vector<64x80xf32>
    %jit3A_1742 = arith.constant 9.99999997E-7 : f32
    %jit3A_1743 = arith.constant 0.999998986 : f32
    %max3A_1744 = vector.broadcast %jit3A_1742 : f32 to vector<64x80xf32>
    %max3A_1745 = arith.maximumf %max3A_1744, %get3A_1735 : vector<64x80xf32>
    %min3A_1746 = vector.broadcast %jit3A_1743 : f32 to vector<64x80xf32>
    %min3A_1747 = arith.minimumf %min3A_1746, %max3A_1745 : vector<64x80xf32>
    %sub3A_1748 = arith.constant 1.000000e+00 : f32
    %sub3A_1749 = vector.broadcast %sub3A_1748 : f32 to vector<64x80xf32>
    %sub3A_1750 = arith.subf %sub3A_1749, %get3A_1741 : vector<64x80xf32>
    %mul3A_1751 = arith.mulf %sub3A_1750, %sub3A_1750 : vector<64x80xf32>
    %mul3A_1752 = arith.mulf %mul3A_1751, %mul3A_1751 : vector<64x80xf32>
    %sub3A_1753 = arith.constant 1.000000e+00 : f32
    %sub3A_1754 = vector.broadcast %sub3A_1753 : f32 to vector<64x80xf32>
    %sub3A_1755 = arith.subf %sub3A_1754, %min3A_1747 : vector<64x80xf32>
    %log3A_1756 = math.log %sub3A_1755 : vector<64x80xf32>
    %mul3A_1757 = arith.mulf %min3A_1747, %min3A_1747 : vector<64x80xf32>
    %mul3A_1758 = arith.mulf %log3A_1756, %mul3A_1757 : vector<64x80xf32>
    %mul3A_1759 = arith.mulf %mul3A_1758, %mul3A_1752 : vector<64x80xf32>
    %sub3A_1760 = arith.subf %sub3A_1729, %mul3A_1759 : vector<64x80xf32>
    %get3A_1761 = arith.constant 0 : index
    %get3A_1762 = arith.constant 57 : index
    %get3A_1763 = arith.constant 0 : index
    %get3A_1764 = arith.constant 0 : index
    %get3A_1765 = vector.load %arg2[%get3A_1761, %get3A_1762, %get3A_1763, %get3A_1764] : memref<1x64x64x80xf32, #tpu.memory_space<vmem>>, vector<1x1x64x80xf32>
    %get3A_1766 = vector.shape_cast %get3A_1765 : vector<1x1x64x80xf32> to vector<64x80xf32>
    %get3A_1767 = arith.constant 0 : index
    %get3A_1768 = arith.constant 57 : index
    %get3A_1769 = arith.constant 0 : index
    %get3A_1770 = arith.constant 0 : index
    %get3A_1771 = vector.load %arg3[%get3A_1767, %get3A_1768, %get3A_1769, %get3A_1770] : memref<1x64x64x80xf32, #tpu.memory_space<vmem>>, vector<1x1x64x80xf32>
    %get3A_1772 = vector.shape_cast %get3A_1771 : vector<1x1x64x80xf32> to vector<64x80xf32>
    %jit3A_1773 = arith.constant 9.99999997E-7 : f32
    %jit3A_1774 = arith.constant 0.999998986 : f32
    %max3A_1775 = vector.broadcast %jit3A_1773 : f32 to vector<64x80xf32>
    %max3A_1776 = arith.maximumf %max3A_1775, %get3A_1766 : vector<64x80xf32>
    %min3A_1777 = vector.broadcast %jit3A_1774 : f32 to vector<64x80xf32>
    %min3A_1778 = arith.minimumf %min3A_1777, %max3A_1776 : vector<64x80xf32>
    %sub3A_1779 = arith.constant 1.000000e+00 : f32
    %sub3A_1780 = vector.broadcast %sub3A_1779 : f32 to vector<64x80xf32>
    %sub3A_1781 = arith.subf %sub3A_1780, %get3A_1772 : vector<64x80xf32>
    %mul3A_1782 = arith.mulf %sub3A_1781, %sub3A_1781 : vector<64x80xf32>
    %mul3A_1783 = arith.mulf %mul3A_1782, %mul3A_1782 : vector<64x80xf32>
    %sub3A_1784 = arith.constant 1.000000e+00 : f32
    %sub3A_1785 = vector.broadcast %sub3A_1784 : f32 to vector<64x80xf32>
    %sub3A_1786 = arith.subf %sub3A_1785, %min3A_1778 : vector<64x80xf32>
    %log3A_1787 = math.log %sub3A_1786 : vector<64x80xf32>
    %mul3A_1788 = arith.mulf %min3A_1778, %min3A_1778 : vector<64x80xf32>
    %mul3A_1789 = arith.mulf %log3A_1787, %mul3A_1788 : vector<64x80xf32>
    %mul3A_1790 = arith.mulf %mul3A_1789, %mul3A_1783 : vector<64x80xf32>
    %sub3A_1791 = arith.subf %sub3A_1760, %mul3A_1790 : vector<64x80xf32>
    %get3A_1792 = arith.constant 0 : index
    %get3A_1793 = arith.constant 58 : index
    %get3A_1794 = arith.constant 0 : index
    %get3A_1795 = arith.constant 0 : index
    %get3A_1796 = vector.load %arg2[%get3A_1792, %get3A_1793, %get3A_1794, %get3A_1795] : memref<1x64x64x80xf32, #tpu.memory_space<vmem>>, vector<1x1x64x80xf32>
    %get3A_1797 = vector.shape_cast %get3A_1796 : vector<1x1x64x80xf32> to vector<64x80xf32>
    %get3A_1798 = arith.constant 0 : index
    %get3A_1799 = arith.constant 58 : index
    %get3A_1800 = arith.constant 0 : index
    %get3A_1801 = arith.constant 0 : index
    %get3A_1802 = vector.load %arg3[%get3A_1798, %get3A_1799, %get3A_1800, %get3A_1801] : memref<1x64x64x80xf32, #tpu.memory_space<vmem>>, vector<1x1x64x80xf32>
    %get3A_1803 = vector.shape_cast %get3A_1802 : vector<1x1x64x80xf32> to vector<64x80xf32>
    %jit3A_1804 = arith.constant 9.99999997E-7 : f32
    %jit3A_1805 = arith.constant 0.999998986 : f32
    %max3A_1806 = vector.broadcast %jit3A_1804 : f32 to vector<64x80xf32>
    %max3A_1807 = arith.maximumf %max3A_1806, %get3A_1797 : vector<64x80xf32>
    %min3A_1808 = vector.broadcast %jit3A_1805 : f32 to vector<64x80xf32>
    %min3A_1809 = arith.minimumf %min3A_1808, %max3A_1807 : vector<64x80xf32>
    %sub3A_1810 = arith.constant 1.000000e+00 : f32
    %sub3A_1811 = vector.broadcast %sub3A_1810 : f32 to vector<64x80xf32>
    %sub3A_1812 = arith.subf %sub3A_1811, %get3A_1803 : vector<64x80xf32>
    %mul3A_1813 = arith.mulf %sub3A_1812, %sub3A_1812 : vector<64x80xf32>
    %mul3A_1814 = arith.mulf %mul3A_1813, %mul3A_1813 : vector<64x80xf32>
    %sub3A_1815 = arith.constant 1.000000e+00 : f32
    %sub3A_1816 = vector.broadcast %sub3A_1815 : f32 to vector<64x80xf32>
    %sub3A_1817 = arith.subf %sub3A_1816, %min3A_1809 : vector<64x80xf32>
    %log3A_1818 = math.log %sub3A_1817 : vector<64x80xf32>
    %mul3A_1819 = arith.mulf %min3A_1809, %min3A_1809 : vector<64x80xf32>
    %mul3A_1820 = arith.mulf %log3A_1818, %mul3A_1819 : vector<64x80xf32>
    %mul3A_1821 = arith.mulf %mul3A_1820, %mul3A_1814 : vector<64x80xf32>
    %sub3A_1822 = arith.subf %sub3A_1791, %mul3A_1821 : vector<64x80xf32>
    %get3A_1823 = arith.constant 0 : index
    %get3A_1824 = arith.constant 59 : index
    %get3A_1825 = arith.constant 0 : index
    %get3A_1826 = arith.constant 0 : index
    %get3A_1827 = vector.load %arg2[%get3A_1823, %get3A_1824, %get3A_1825, %get3A_1826] : memref<1x64x64x80xf32, #tpu.memory_space<vmem>>, vector<1x1x64x80xf32>
    %get3A_1828 = vector.shape_cast %get3A_1827 : vector<1x1x64x80xf32> to vector<64x80xf32>
    %get3A_1829 = arith.constant 0 : index
    %get3A_1830 = arith.constant 59 : index
    %get3A_1831 = arith.constant 0 : index
    %get3A_1832 = arith.constant 0 : index
    %get3A_1833 = vector.load %arg3[%get3A_1829, %get3A_1830, %get3A_1831, %get3A_1832] : memref<1x64x64x80xf32, #tpu.memory_space<vmem>>, vector<1x1x64x80xf32>
    %get3A_1834 = vector.shape_cast %get3A_1833 : vector<1x1x64x80xf32> to vector<64x80xf32>
    %jit3A_1835 = arith.constant 9.99999997E-7 : f32
    %jit3A_1836 = arith.constant 0.999998986 : f32
    %max3A_1837 = vector.broadcast %jit3A_1835 : f32 to vector<64x80xf32>
    %max3A_1838 = arith.maximumf %max3A_1837, %get3A_1828 : vector<64x80xf32>
    %min3A_1839 = vector.broadcast %jit3A_1836 : f32 to vector<64x80xf32>
    %min3A_1840 = arith.minimumf %min3A_1839, %max3A_1838 : vector<64x80xf32>
    %sub3A_1841 = arith.constant 1.000000e+00 : f32
    %sub3A_1842 = vector.broadcast %sub3A_1841 : f32 to vector<64x80xf32>
    %sub3A_1843 = arith.subf %sub3A_1842, %get3A_1834 : vector<64x80xf32>
    %mul3A_1844 = arith.mulf %sub3A_1843, %sub3A_1843 : vector<64x80xf32>
    %mul3A_1845 = arith.mulf %mul3A_1844, %mul3A_1844 : vector<64x80xf32>
    %sub3A_1846 = arith.constant 1.000000e+00 : f32
    %sub3A_1847 = vector.broadcast %sub3A_1846 : f32 to vector<64x80xf32>
    %sub3A_1848 = arith.subf %sub3A_1847, %min3A_1840 : vector<64x80xf32>
    %log3A_1849 = math.log %sub3A_1848 : vector<64x80xf32>
    %mul3A_1850 = arith.mulf %min3A_1840, %min3A_1840 : vector<64x80xf32>
    %mul3A_1851 = arith.mulf %log3A_1849, %mul3A_1850 : vector<64x80xf32>
    %mul3A_1852 = arith.mulf %mul3A_1851, %mul3A_1845 : vector<64x80xf32>
    %sub3A_1853 = arith.subf %sub3A_1822, %mul3A_1852 : vector<64x80xf32>
    %get3A_1854 = arith.constant 0 : index
    %get3A_1855 = arith.constant 60 : index
    %get3A_1856 = arith.constant 0 : index
    %get3A_1857 = arith.constant 0 : index
    %get3A_1858 = vector.load %arg2[%get3A_1854, %get3A_1855, %get3A_1856, %get3A_1857] : memref<1x64x64x80xf32, #tpu.memory_space<vmem>>, vector<1x1x64x80xf32>
    %get3A_1859 = vector.shape_cast %get3A_1858 : vector<1x1x64x80xf32> to vector<64x80xf32>
    %get3A_1860 = arith.constant 0 : index
    %get3A_1861 = arith.constant 60 : index
    %get3A_1862 = arith.constant 0 : index
    %get3A_1863 = arith.constant 0 : index
    %get3A_1864 = vector.load %arg3[%get3A_1860, %get3A_1861, %get3A_1862, %get3A_1863] : memref<1x64x64x80xf32, #tpu.memory_space<vmem>>, vector<1x1x64x80xf32>
    %get3A_1865 = vector.shape_cast %get3A_1864 : vector<1x1x64x80xf32> to vector<64x80xf32>
    %jit3A_1866 = arith.constant 9.99999997E-7 : f32
    %jit3A_1867 = arith.constant 0.999998986 : f32
    %max3A_1868 = vector.broadcast %jit3A_1866 : f32 to vector<64x80xf32>
    %max3A_1869 = arith.maximumf %max3A_1868, %get3A_1859 : vector<64x80xf32>
    %min3A_1870 = vector.broadcast %jit3A_1867 : f32 to vector<64x80xf32>
    %min3A_1871 = arith.minimumf %min3A_1870, %max3A_1869 : vector<64x80xf32>
    %sub3A_1872 = arith.constant 1.000000e+00 : f32
    %sub3A_1873 = vector.broadcast %sub3A_1872 : f32 to vector<64x80xf32>
    %sub3A_1874 = arith.subf %sub3A_1873, %get3A_1865 : vector<64x80xf32>
    %mul3A_1875 = arith.mulf %sub3A_1874, %sub3A_1874 : vector<64x80xf32>
    %mul3A_1876 = arith.mulf %mul3A_1875, %mul3A_1875 : vector<64x80xf32>
    %sub3A_1877 = arith.constant 1.000000e+00 : f32
    %sub3A_1878 = vector.broadcast %sub3A_1877 : f32 to vector<64x80xf32>
    %sub3A_1879 = arith.subf %sub3A_1878, %min3A_1871 : vector<64x80xf32>
    %log3A_1880 = math.log %sub3A_1879 : vector<64x80xf32>
    %mul3A_1881 = arith.mulf %min3A_1871, %min3A_1871 : vector<64x80xf32>
    %mul3A_1882 = arith.mulf %log3A_1880, %mul3A_1881 : vector<64x80xf32>
    %mul3A_1883 = arith.mulf %mul3A_1882, %mul3A_1876 : vector<64x80xf32>
    %sub3A_1884 = arith.subf %sub3A_1853, %mul3A_1883 : vector<64x80xf32>
    %get3A_1885 = arith.constant 0 : index
    %get3A_1886 = arith.constant 61 : index
    %get3A_1887 = arith.constant 0 : index
    %get3A_1888 = arith.constant 0 : index
    %get3A_1889 = vector.load %arg2[%get3A_1885, %get3A_1886, %get3A_1887, %get3A_1888] : memref<1x64x64x80xf32, #tpu.memory_space<vmem>>, vector<1x1x64x80xf32>
    %get3A_1890 = vector.shape_cast %get3A_1889 : vector<1x1x64x80xf32> to vector<64x80xf32>
    %get3A_1891 = arith.constant 0 : index
    %get3A_1892 = arith.constant 61 : index
    %get3A_1893 = arith.constant 0 : index
    %get3A_1894 = arith.constant 0 : index
    %get3A_1895 = vector.load %arg3[%get3A_1891, %get3A_1892, %get3A_1893, %get3A_1894] : memref<1x64x64x80xf32, #tpu.memory_space<vmem>>, vector<1x1x64x80xf32>
    %get3A_1896 = vector.shape_cast %get3A_1895 : vector<1x1x64x80xf32> to vector<64x80xf32>
    %jit3A_1897 = arith.constant 9.99999997E-7 : f32
    %jit3A_1898 = arith.constant 0.999998986 : f32
    %max3A_1899 = vector.broadcast %jit3A_1897 : f32 to vector<64x80xf32>
    %max3A_1900 = arith.maximumf %max3A_1899, %get3A_1890 : vector<64x80xf32>
    %min3A_1901 = vector.broadcast %jit3A_1898 : f32 to vector<64x80xf32>
    %min3A_1902 = arith.minimumf %min3A_1901, %max3A_1900 : vector<64x80xf32>
    %sub3A_1903 = arith.constant 1.000000e+00 : f32
    %sub3A_1904 = vector.broadcast %sub3A_1903 : f32 to vector<64x80xf32>
    %sub3A_1905 = arith.subf %sub3A_1904, %get3A_1896 : vector<64x80xf32>
    %mul3A_1906 = arith.mulf %sub3A_1905, %sub3A_1905 : vector<64x80xf32>
    %mul3A_1907 = arith.mulf %mul3A_1906, %mul3A_1906 : vector<64x80xf32>
    %sub3A_1908 = arith.constant 1.000000e+00 : f32
    %sub3A_1909 = vector.broadcast %sub3A_1908 : f32 to vector<64x80xf32>
    %sub3A_1910 = arith.subf %sub3A_1909, %min3A_1902 : vector<64x80xf32>
    %log3A_1911 = math.log %sub3A_1910 : vector<64x80xf32>
    %mul3A_1912 = arith.mulf %min3A_1902, %min3A_1902 : vector<64x80xf32>
    %mul3A_1913 = arith.mulf %log3A_1911, %mul3A_1912 : vector<64x80xf32>
    %mul3A_1914 = arith.mulf %mul3A_1913, %mul3A_1907 : vector<64x80xf32>
    %sub3A_1915 = arith.subf %sub3A_1884, %mul3A_1914 : vector<64x80xf32>
    %get3A_1916 = arith.constant 0 : index
    %get3A_1917 = arith.constant 62 : index
    %get3A_1918 = arith.constant 0 : index
    %get3A_1919 = arith.constant 0 : index
    %get3A_1920 = vector.load %arg2[%get3A_1916, %get3A_1917, %get3A_1918, %get3A_1919] : memref<1x64x64x80xf32, #tpu.memory_space<vmem>>, vector<1x1x64x80xf32>
    %get3A_1921 = vector.shape_cast %get3A_1920 : vector<1x1x64x80xf32> to vector<64x80xf32>
    %get3A_1922 = arith.constant 0 : index
    %get3A_1923 = arith.constant 62 : index
    %get3A_1924 = arith.constant 0 : index
    %get3A_1925 = arith.constant 0 : index
    %get3A_1926 = vector.load %arg3[%get3A_1922, %get3A_1923, %get3A_1924, %get3A_1925] : memref<1x64x64x80xf32, #tpu.memory_space<vmem>>, vector<1x1x64x80xf32>
    %get3A_1927 = vector.shape_cast %get3A_1926 : vector<1x1x64x80xf32> to vector<64x80xf32>
    %jit3A_1928 = arith.constant 9.99999997E-7 : f32
    %jit3A_1929 = arith.constant 0.999998986 : f32
    %max3A_1930 = vector.broadcast %jit3A_1928 : f32 to vector<64x80xf32>
    %max3A_1931 = arith.maximumf %max3A_1930, %get3A_1921 : vector<64x80xf32>
    %min3A_1932 = vector.broadcast %jit3A_1929 : f32 to vector<64x80xf32>
    %min3A_1933 = arith.minimumf %min3A_1932, %max3A_1931 : vector<64x80xf32>
    %sub3A_1934 = arith.constant 1.000000e+00 : f32
    %sub3A_1935 = vector.broadcast %sub3A_1934 : f32 to vector<64x80xf32>
    %sub3A_1936 = arith.subf %sub3A_1935, %get3A_1927 : vector<64x80xf32>
    %mul3A_1937 = arith.mulf %sub3A_1936, %sub3A_1936 : vector<64x80xf32>
    %mul3A_1938 = arith.mulf %mul3A_1937, %mul3A_1937 : vector<64x80xf32>
    %sub3A_1939 = arith.constant 1.000000e+00 : f32
    %sub3A_1940 = vector.broadcast %sub3A_1939 : f32 to vector<64x80xf32>
    %sub3A_1941 = arith.subf %sub3A_1940, %min3A_1933 : vector<64x80xf32>
    %log3A_1942 = math.log %sub3A_1941 : vector<64x80xf32>
    %mul3A_1943 = arith.mulf %min3A_1933, %min3A_1933 : vector<64x80xf32>
    %mul3A_1944 = arith.mulf %log3A_1942, %mul3A_1943 : vector<64x80xf32>
    %mul3A_1945 = arith.mulf %mul3A_1944, %mul3A_1938 : vector<64x80xf32>
    %sub3A_1946 = arith.subf %sub3A_1915, %mul3A_1945 : vector<64x80xf32>
    %get3A_1947 = arith.constant 0 : index
    %get3A_1948 = arith.constant 63 : index
    %get3A_1949 = arith.constant 0 : index
    %get3A_1950 = arith.constant 0 : index
    %get3A_1951 = vector.load %arg2[%get3A_1947, %get3A_1948, %get3A_1949, %get3A_1950] : memref<1x64x64x80xf32, #tpu.memory_space<vmem>>, vector<1x1x64x80xf32>
    %get3A_1952 = vector.shape_cast %get3A_1951 : vector<1x1x64x80xf32> to vector<64x80xf32>
    %get3A_1953 = arith.constant 0 : index
    %get3A_1954 = arith.constant 63 : index
    %get3A_1955 = arith.constant 0 : index
    %get3A_1956 = arith.constant 0 : index
    %get3A_1957 = vector.load %arg3[%get3A_1953, %get3A_1954, %get3A_1955, %get3A_1956] : memref<1x64x64x80xf32, #tpu.memory_space<vmem>>, vector<1x1x64x80xf32>
    %get3A_1958 = vector.shape_cast %get3A_1957 : vector<1x1x64x80xf32> to vector<64x80xf32>
    %jit3A_1959 = arith.constant 9.99999997E-7 : f32
    %jit3A_1960 = arith.constant 0.999998986 : f32
    %max3A_1961 = vector.broadcast %jit3A_1959 : f32 to vector<64x80xf32>
    %max3A_1962 = arith.maximumf %max3A_1961, %get3A_1952 : vector<64x80xf32>
    %min3A_1963 = vector.broadcast %jit3A_1960 : f32 to vector<64x80xf32>
    %min3A_1964 = arith.minimumf %min3A_1963, %max3A_1962 : vector<64x80xf32>
    %sub3A_1965 = arith.constant 1.000000e+00 : f32
    %sub3A_1966 = vector.broadcast %sub3A_1965 : f32 to vector<64x80xf32>
    %sub3A_1967 = arith.subf %sub3A_1966, %get3A_1958 : vector<64x80xf32>
    %mul3A_1968 = arith.mulf %sub3A_1967, %sub3A_1967 : vector<64x80xf32>
    %mul3A_1969 = arith.mulf %mul3A_1968, %mul3A_1968 : vector<64x80xf32>
    %sub3A_1970 = arith.constant 1.000000e+00 : f32
    %sub3A_1971 = vector.broadcast %sub3A_1970 : f32 to vector<64x80xf32>
    %sub3A_1972 = arith.subf %sub3A_1971, %min3A_1964 : vector<64x80xf32>
    %log3A_1973 = math.log %sub3A_1972 : vector<64x80xf32>
    %mul3A_1974 = arith.mulf %min3A_1964, %min3A_1964 : vector<64x80xf32>
    %mul3A_1975 = arith.mulf %log3A_1973, %mul3A_1974 : vector<64x80xf32>
    %mul3A_1976 = arith.mulf %mul3A_1975, %mul3A_1969 : vector<64x80xf32>
    %sub3A_1977 = arith.subf %sub3A_1946, %mul3A_1976 : vector<64x80xf32>
    %reduce_sum3A = vector.shape_cast %sub3A_1977 : vector<64x80xf32> to vector<1x64x80xf32>
    %reduce_sum3A_1978 = arith.constant dense<0.000000e+00> : vector<1xf32>
    %reduce_sum3A_1979 = vector.multi_reduction <add>, %reduce_sum3A, %reduce_sum3A_1978 [1, 2] : vector<1x64x80xf32> to vector<1xf32>
    %reduce_sum3A_1980 = vector.shape_cast %reduce_sum3A_1979 : vector<1xf32> to vector<1x1x1xf32>
    %reduce_sum3A_1981 = vector.extract %reduce_sum3A_1980[0, 0, 0] : f32 from vector<1x1x1xf32>
    %eq3A = arith.constant 0 : i32
    %eq3A_1982 = arith.cmpi eq, %arg0, %eq3A : i32
    %eq3A_1983 = arith.constant 0 : i32
    %eq3A_1984 = arith.cmpi eq, %arg1, %eq3A_1983 : i32
    %and3A = arith.andi %eq3A_1982, %eq3A_1984 : i1
    %convert_element_type3A = arith.extui %and3A : i1 to i32
    %cond3A = arith.constant 0 : i32
    %cond3A_1985 = arith.cmpi ne, %convert_element_type3A, %cond3A : i32
    scf.if %cond3A_1985 {
      %swap3A = arith.constant 0 : index
      %swap3A_1992 = arith.constant 0 : index
      %swap3A_1993 = memref.load %arg4[%swap3A, %swap3A_1992] : memref<1x1xf32, #tpu.memory_space<smem>>
      memref.store %reduce_sum3A_1981, %arg4[%swap3A, %swap3A_1992] : memref<1x1xf32, #tpu.memory_space<smem>>
    } else {
    }
    %ne3A = arith.constant 0 : i32
    %ne3A_1986 = arith.cmpi ne, %arg0, %ne3A : i32
    %ne3A_1987 = arith.constant 0 : i32
    %ne3A_1988 = arith.cmpi ne, %arg1, %ne3A_1987 : i32
    %or3A = arith.ori %ne3A_1986, %ne3A_1988 : i1
    %convert_element_type3A_1989 = arith.extui %or3A : i1 to i32
    %cond3A_1990 = arith.constant 0 : i32
    %cond3A_1991 = arith.cmpi ne, %convert_element_type3A_1989, %cond3A_1990 : i32
    scf.if %cond3A_1991 {
      %get3A_1992 = arith.constant 0 : index
      %get3A_1993 = arith.constant 0 : index
      %get3A_1994 = memref.load %arg4[%get3A_1992, %get3A_1993] : memref<1x1xf32, #tpu.memory_space<smem>>
      %add3A = arith.addf %get3A_1994, %reduce_sum3A_1981 : f32
      %swap3A = arith.constant 0 : index
      %swap3A_1995 = arith.constant 0 : index
      %swap3A_1996 = memref.load %arg4[%swap3A, %swap3A_1995] : memref<1x1xf32, #tpu.memory_space<smem>>
      memref.store %add3A, %arg4[%swap3A, %swap3A_1995] : memref<1x1xf32, #tpu.memory_space<smem>>
    } else {
    }
    return
  }
  func.func @transform_0(%arg0: i32, %arg1: i32) -> (i32, i32, i32, i32) {
    %c0_i32 = arith.constant 0 : i32
    %c0_i32_0 = arith.constant 0 : i32
    %c0_i32_1 = arith.constant 0 : i32
    return %arg0, %arg1, %c0_i32, %c0_i32_0 : i32, i32, i32, i32
  }
  func.func @transform_1(%arg0: i32, %arg1: i32) -> (i32, i32, i32, i32) {
    %c0_i32 = arith.constant 0 : i32
    %c0_i32_0 = arith.constant 0 : i32
    %c0_i32_1 = arith.constant 0 : i32
    return %arg0, %arg1, %c0_i32, %c0_i32_0 : i32, i32, i32, i32
  }
  func.func @transform_2(%arg0: i32, %arg1: i32) -> (i32, i32) {
    %c0_i32 = arith.constant 0 : i32
    %c0_i32_0 = arith.constant 0 : i32
    %c0_i32_1 = arith.constant 0 : i32
    return %c0_i32, %c0_i32_0 : i32, i32
  }
}

</mosaic_0001>

<sc_bundles>
// kernel: kernel.4.cloned.1.call-start
scs
__scs_entry_jumppad:
0x0: {  	(pc) =	sbr.rel $0x88, $3  }
0x1: {  	(tag) =	ssettag $0x0;
	lr =	simm.s32 $0x1  }
0x2: {  	[smem:$0x3F99] =	sst lr;
	_ =	strace $0xD0000000  }
0x3: {  	_ = 	snop  }
0x4: {  	_ = 	snop  }
0x5: {  	_ = 	snop  }
0x6: {  	_ = 	snop  }
0x7: {  	_ = 	snop  }
__scs_overlays_trampoline_lowered:
0x8: {  	[smem:$0x3FA8] =	sst s0  }
0x9: {  	[smem:$0x3FA9] =	sst s1  }
0xa: {  	[smem:$0x3FAA] =	sst s2  }
0xb: {  	[smem:$0x3FAB] =	sst s3  }
0xc: {  	[smem:$0x3FAC] =	sst s4  }
0xd: {  	[smem:$0x3FAD] =	sst s5  }
0xe: {  	[smem:$0x3FAE] =	sst s6  }
0xf: {  	[smem:$0x3FAF] =	sst s7  }
0x10: {  	[smem:$0x3FB0] =	sst s8  }
0x11: {  	[smem:$0x3FB1] =	sst s9;
	s0 =	simm.s32 @!p0 $0x0  }
0x12: {  	s1 =	sld [smem:$0x3F97];
	s0 =	simm.s32 @p0 $0x1  }
0x13: {  	[smem:$0x3FB2] =	sst s0;
	s0 =	simm.s32 @!p1 $0x0  }
0x14: {  	s2 =	sld [smem:$0x3F96];
	s0 =	simm.s32 @p1 $0x1  }
0x15: {  	[smem:$0x3FB3] =	sst s0;
	s0 =	simm.s32 @!p2 $0x0  }
0x16: {  	s3 =	sld [smem:$0x3FDB];
	s0 =	simm.s32 @p2 $0x1  }
0x17: {  	s4 =	simm.s32 $0x1BF5;
	[smem:$0x3FB5] =	sst s0  }
0x18: {  	s0 =	sld [smem:$0x3F98];
	_ =	swait.ge [sflag:s4], $0x0  }
0x19: {  	s7 =	sld [smem:$0x3F99]  }
0x1a: {  	s8 =	sadd.s32 $0xFFFFE003, lr  }
0x1b: {  	s9 =	sadd.s32 $0xFFFFFEF7, lr;
	s5 =	simm.s32 $0xFFFFFFFF;
	p2 =	slt.u32 s8, $0xFFFFF086  }
0x1c: {  	p1 =	slt.u32 s9, $0xF7A;
	s5 =	simm.s32 @!p2 $0x0  }
0x1d: {  	s5 =	simm.s32 @p1 $0x1;
	p0 =	seq.s32 s7, s2  }
0x1e: {  	s7 =	smul.u32 @!p0 $0xF7A, s2;
	p2 =	seq.s32 @!p0 s5, $0x0  }
0x1f: {  	s9 =	smul.u32 $0xF7A, s1;
	s8 =	simm.s32 @!p0 $0x1BF5;
	p2 =	por !p2, p0  }
0x20: {  	[sflag:s8] =	ssyncset.s32 @!p0 $0xFFFFF086;
	s6 =	sadd.s32 @!p0 s3, s7;
	s7 =	simm.s32 @!p0 $0x108  }
0x21: {  	s3 =	sadd.s32 s3, s9;
	s6 =	sadd.s32 @!p0 $0x88, s6;
	s7 =	simm.s32 @p2 $0x1082  }
0x22: {  	[simem:s7], [sflag:s8] =	dma.local @!p0 [hbm:s6], $0xF7A  }
0x23: {  	s9 =	sor.u32 $0xD0000000, s2;
	s6 =	simm.s32 $0x108;
	_ =	swait.ge @!p0 [sflag:s8], $0x0  }
0x24: {  	s3 =	sadd.s32 $0x88, s3;
	s6 =	simm.s32 @!p1 $0x1082;
	[sflag:s4] =	ssyncset.s32 $0xFFFFF086  }
0x25: {  	[simem:s6], [sflag:s4] =	dma.local [hbm:s3], $0xF7A  }
0x26: {  	[smem:$0x3F99] =	sst s1;
	(tag) =	ssettag s2;
	_ =	strace s9  }
0x27: {  	s1 =	sld [smem:$0x3FA9]  }
0x28: {  	s2 =	sld [smem:$0x3FAA]  }
0x29: {  	s4 =	sld [smem:$0x3FAC]  }
0x2a: {  	p0 =	seq.s32 s5, $0x0;
	s5 =	sld [smem:$0x3FAD]  }
0x2b: {  	s6 =	sld [smem:$0x3FAE]  }
0x2c: {  	s7 =	sld [smem:$0x3FAF]  }
0x2d: {  	s3 =	simm.s32 $0x108;
	s8 =	sld [smem:$0x3FB0]  }
0x2e: {  	s3 =	simm.s32 @!p0 $0x1082;
	s9 =	sld [smem:$0x3FB1]  }
0x2f: {  	lr =	sadd.s32 s0, s3;
	s0 =	sld [smem:$0x3FA8]  }
0x30: {  	s3 =	sld [smem:$0x3FAB]  }
0x31: {  	[smem:$0x3FB4] =	sst s10  }
0x32: {  	s10 =	sld [smem:$0x3FB2];
	_ =	sdelay $0x3  }
0x33: {  	p0 =	seq.s32 s10, $0x1;
	s10 =	sld [smem:$0x3FB4];
	_ =	sdelay $0x3  }
0x34: {  	[smem:$0x3FB4] =	sst s10  }
0x35: {  	s10 =	sld [smem:$0x3FB3];
	_ =	sdelay $0x3  }
0x36: {  	p1 =	seq.s32 s10, $0x1;
	s10 =	sld [smem:$0x3FB4];
	_ =	sdelay $0x3  }
0x37: {  	[smem:$0x3FB4] =	sst s10  }
0x38: {  	s10 =	sld [smem:$0x3FB5]  }
0x39: {  	_ = 	snop;
	(pc) =	sbr.ind lr, $3  }
0x3a: {  	_ = 	snop  }
0x3b: {  	_ = 	snop  }
0x3c: {  	p2 =	seq.s32 s10, $0x1;
	s10 =	sld [smem:$0x3FB4]  }
0x3d: {  	_ =	shalt  }
0x3e: {  	_ =	shalt  }
0x3f: {  	_ =	shalt  }
0x40: {  	_ =	shalt  }
0x41: {  	_ =	shalt  }
0x42: {  	_ =	shalt  }
0x43: {  	_ =	shalt  }
0x44: {  	_ =	shalt  }
0x45: {  	_ =	shalt  }
0x46: {  	_ =	shalt  }
0x47: {  	_ =	shalt  }
0x48: {  	_ =	shalt  }
0x49: {  	_ =	shalt  }
0x4a: {  	_ =	shalt  }
0x4b: {  	_ =	shalt  }
0x4c: {  	_ =	shalt  }
0x4d: {  	_ =	shalt  }
0x4e: {  	_ =	shalt  }
0x4f: {  	_ =	shalt  }
0x50: {  	_ =	shalt  }
0x51: {  	_ =	shalt  }
0x52: {  	_ =	shalt  }
0x53: {  	_ =	shalt  }
0x54: {  	_ =	shalt  }
0x55: {  	_ =	shalt  }
0x56: {  	_ =	shalt  }
0x57: {  	_ =	shalt  }
0x58: {  	_ =	shalt  }
0x59: {  	_ =	shalt  }
0x5a: {  	_ =	shalt  }
0x5b: {  	_ =	shalt  }
0x5c: {  	_ =	shalt  }
0x5d: {  	_ =	shalt  }
0x5e: {  	_ =	shalt  }
0x5f: {  	_ =	shalt  }
0x60: {  	_ =	shalt  }
0x61: {  	_ =	shalt  }
0x62: {  	_ =	shalt  }
0x63: {  	_ =	shalt  }
0x64: {  	_ =	shalt  }
0x65: {  	_ =	shalt  }
0x66: {  	_ =	shalt  }
0x67: {  	_ =	shalt  }
0x68: {  	_ =	shalt  }
0x69: {  	_ =	shalt  }
0x6a: {  	_ =	shalt  }
0x6b: {  	_ =	shalt  }
0x6c: {  	_ =	shalt  }
0x6d: {  	_ =	shalt  }
0x6e: {  	_ =	shalt  }
0x6f: {  	_ =	shalt  }
0x70: {  	_ =	shalt  }
0x71: {  	_ =	shalt  }
0x72: {  	_ =	shalt  }
0x73: {  	_ =	shalt  }
0x74: {  	_ =	shalt  }
0x75: {  	_ =	shalt  }
0x76: {  	_ =	shalt  }
0x77: {  	_ =	shalt  }
0x78: {  	_ =	shalt  }
0x79: {  	_ =	shalt  }
0x7a: {  	_ =	shalt  }
0x7b: {  	_ =	shalt  }
0x7c: {  	_ =	shalt  }
0x7d: {  	_ =	shalt  }
0x7e: {  	_ =	shalt  }
0x7f: {  	_ =	shalt  }
0x80: {  	_ =	shalt  }
0x81: {  	_ =	shalt  }
0x82: {  	_ =	shalt  }
0x83: {  	_ =	shalt  }
0x84: {  	_ =	shalt  }
0x85: {  	_ =	shalt  }
0x86: {  	_ =	shalt  }
0x87: {  	_ =	shalt  }
.Lfunc_end0:
.L_simem_size_0:
called_computation_lowered:
.L_overlay_start_0:
0x88: {  	s2 =	sld [smem:$0x3FD9]  }
0x89: {  	s3 =	sld [smem:$0x3FFE];
	_ =	sdelay $0x1  }
0x8a: {  	s1 =	srdreg.scid  }
0x8b: {  	s0 =	sand.u32 $0x1, s1  }
0x8c: {  	s17 =	sshll.u32 s0, $0xA;
	s2 =	sadd.s32 s3, s2  }
0x8d: {  	s2 =	sadd.s32 s2, s17  }
0x8e: {  	[smem:$0x3FC0] =	sst s2  }
0x8f: {  	_ = 	snop  }
0x90: {  	s2 =	sld [smem:$0x3FC8]  }
0x91: {  	s18 =	sld [smem:$0x3FC7]  }
0x92: {  	s4 =	sld [smem:$0x3FC4]  }
0x93: {  	s5 =	sld [smem:$0x3FC2];
	(tm) =	ssettm $0x1  }
0x94: {  	s6 =	sld [smem:$0x3FFB];
	_ =	sdelay $0x3  }
0x95: {  	_ =	strace s6  }
0x96: {  	s6 =	sld [smem:$0x3FFC];
	_ =	sdelay $0x3  }
0x97: {  	_ =	strace s6  }
0x98: {  	s6 =	sld [smem:$0x3FFD];
	_ =	sdelay $0x3  }
0x99: {  	_ =	strace s6  }
0x9a: {  	_ =	strace $0x8FFFFFFF  }
0x9b: {  	s19 =	sld [smem:$0x3FDB];
	_ =	sdelay $0x1  }
0x9c: {  	s7 =	simm.s32 $_scs_section_size  }
0x9d: {  	s8 =	simm.s32 $_size__tile_overlayer_lowered;
	s9 =	simm.s32 $_tile_overlayer_lowered  }
0x9e: {  	s22 =	simm.s32 $0x1BFF;
	s21 =	sshll.u32 s9, $0x1;
	s6 =	sadd.s32 s7, s19  }
0x9f: {  	s10 =	simm.s32 $0x0;
	s20 =	sshll.u32 s8, $0x1;
	s8 =	sadd.s32 s21, s6  }
0xa0: {  	[timem:s10], [sflag:s22] =	dma.local [hbm:s8], s20  }
0xa1: {  	_ =	swait.ge [sflag:s22], s20  }
0xa2: {  	s7 =	ssub.s32 $0x0, s20;
	[sflag:s22] =	ssyncset.done $0x0  }
0xa3: {  	[sflag:s22] =	ssyncadd.s32 s7;
	_ =	sdelay $0x1  }
0xa4: {  	s23 =	simm.s32 $0x1B8B  }
0xa5: {  	_ =	swait.ge [sflag:s23], $0x1  }
0xa6: {  	[sflag:s23] =	ssyncset.done $0x0  }
0xa7: {  	s25 =	simm.s32 $0x1B8E;
	s24 =	sld [smem:$0x3FFE];
	[sflag:s23] =	ssyncadd.s32 $0xFFFFFFFF  }
0xa8: {  	s26 =	simm.s32 $execute0_lowered;
	[smem:$0x3FD2] =	sst s25  }
0xa9: {  	s8 =	sshll.u32 s26, $0x1;
	_ =	strace $0x80000046;
	[dreg:$0x1] =	wrdreg $0xFFFFFFFF  }
0xaa: {  	s28 =	simm.s32 $_size_execute0_lowered;
	s6 =	sadd.s32 s6, s8;
	[dreg:$0x0] =	wrdreg $0x0  }
0xab: {  	s8 =	sshll.u32 s28, $0x1;
	[dreg:$0x2] =	wrdreg s6  }
0xac: {  	[dreg:$0x3] =	wrdreg s8  }
0xad: {  	[dreg:$0x4] =	wrdreg $0xC0  }
0xae: {  	_ =	task [dreg:s10], $0x5FFFF  }
0xaf: {  	[dreg:$0x1] =	wrdreg $0xFFFFFFFF  }
0xb0: {  	[dreg:$0x0] =	wrdreg $0x60  }
0xb1: {  	[dreg:$0x2] =	wrdreg s2  }
0xb2: {  	[dreg:$0x3] =	wrdreg s18  }
0xb3: {  	[dreg:$0x4] =	wrdreg s5  }
0xb4: {  	[dreg:$0x5] =	wrdreg s4  }
0xb5: {  	[dreg:$0x6] =	wrdreg s24  }
0xb6: {  	[dreg:$0x7] =	wrdreg $0x9  }
0xb7: {  	_ =	task.clear_ibuf [dreg:s10], $0x8FFFF;
	_ =	strace $0x90000046  }
0xb8: {  	s29 =	simm.s32 $0x9;
	_ =	strace $0x80000048  }
0xb9: {  	_ =	swait.ge [sflag:s29], $0x1  }
0xba: {  	[sflag:s29] =	ssyncadd.s32 $0xFFFFFFFF  }
0xbb: {  	_ =	strace $0x90000048  }
0xbc: {  	_ =	sfence  }
0xbd: {  	s30 =	sld [smem:$0x0];
	_ =	sdelay $0x2  }
0xbe: {  	s31 =	sshll.u32 s1, $0xD;
	s1 =	sshrl.u32 s1, $0x2  }
0xbf: {  	s3 =	sand.u32 $0x4000, s31;
	s1 =	sadd.s32 s1, s30  }
0xc0: {  	s0 =	sor.u32 s3, s0;
	s1 =	sshll.u32 s1, $0x11  }
0xc1: {  	s0 =	sor.u32 s1, s0  }
0xc2: {  	s0 =	sadd.s32 $0x8F2B, s0  }
0xc3: {  	[sflag:s0] =	ssyncadd.remote.s32 $0x1  }
0xc4: {  	_ =	sfence.sel $0xFFFF  }
0xc5: {  	[dreg:$0x0] =	wrdreg $0xFFFFFFFF;
	(pc) =	sbr.abs _section_cstart, $3  }
0xc6: {  	[dreg:$0x1] =	wrdreg $0xFFFFFFFF  }
0xc7: {  	_ =	task.clear_ibuf [dreg:s10], $0x2FFFF;
	_ =	strace $0x9FFFFFFF  }
0xc8: {  	(tm) =	ssettm $0x7FFFFFFF  }
0xc9: {  	_ =	shalt  }
tec
execute0_lowered:
.L_overlay_start_1:
0x0: {  	(tag) =	ssettag $0x1  }
0x1: {  	v0 =	vimm.s32 $0x81800100;
	s5 =	rddreg [dreg:$0x0]  }
0x2: {  	vm0 =	vcmask $0xF00;
	v13 =	vlaneseq.u32;
	vm1 =	vcmask $0x1714;
	s8 =	rddreg [dreg:$0x1]  }
0x3: {  	v2 =	vimm.s32 $0x781;
	vm9 =	vcmask $0x300;
	s3 =	rddreg [dreg:$0x2];
	vm2 =	vcmask $0x1B18  }
0x4: {  	vm10 =	vcmask $0x704;
	s6 =	rddreg [dreg:$0x3];
	vm11 =	vcmask $0xB08;
	vm3 =	vcmask $0x1F1C  }
0x5: {  	s15 =	rddreg [dreg:$0x4];
	s1 =	srdreg.scid;
	vm12 =	vcmask $0xF0C;
	vm4 =	vcmask $0x2320;
	vm5 =	vcmask $0x2724  }
0x6: {  	s0 =	rddreg [dreg:$0x5];
	vm6 =	vcmask $0x2B28;
	vm8 =	vcmask $0x2F2C;
	v0 =	vunpack.c.0.s8.s32 v0;
	s16 =	sand.u32 $0x1, s1;
	s1 =	stileid.u32  }
0x7: {  	s2 =	simm.s32 $0x0;
	vm7 =	vcmask $0x3330;
	v3 =	vimm.s32 $0xB81;
	vm13 =	vcmask $0x3734;
	s4 =	sshll.u32 s16, $0x3;
	s7 =	sshll.u32 s1, $0x4  }
0x8: {  	vm14 =	vcmask $0x3B38;
	v5 =	vimm.s32 $0x1B81;
	[smem:$0x7FF] =	sst s2;
	v0 =	vand.u32 $0xFF, v0;
	s7 =	sor.u32 s4, s7  }
0x9: {  	v2 =	vsel vm9, $0x400, v2;
	_ =	strace $0x80000047;
	v1 =	vnsel vm0, $0x381, v0;
	vm0 =	vcmask $0x1310;
	s4 =	sadd.s32 s3, s7;
	s3 =	simm.s32 $0x1  }
0xa: {  	v6 =	vimm.s32 $0x1381;
	v2 =	vsel vm10, $0x401, v2;
	v1 =	vsel vm0, $0x100, v1;
	[tilespmem:s2], [sflag:$0x1] =	stream.linear.gather [hbm4b:s4+s2], $0x40, $0x38;
	[tilespmem:$0xC180] =	vst v63  }
0xb: {  	v9 =	vimm.s32 $0xF81;
	v2 =	vsel vm11, $0x480, v2;
	v1 =	vsel vm1, $0x101, v1;
	_ =	swait.ge [sflag:s3], $0x40  }
0xc: {  	v3 =	vsel vm9, $0x800, v3;
	v2 =	vsel vm12, $0x481, v2;
	v1 =	vsel vm2, $0x180, v1;
	[sflag:s3] =	ssyncset.done $0x0  }
0xd: {  	v5 =	vsel vm9, $0x1800, v5;
	s6 =	sadd.s32 s6, s7;
	s7 =	simm.s32 $0x80;
	v2 =	vsel vm0, $0x500, v2;
	v1 =	vsel vm3, $0x181, v1;
	[sflag:s3] =	ssyncadd.s32 $0xFFFFFFC0  }
0xe: {  	v5 =	vsel vm10, $0x1801, v5;
	v2 =	vsel vm1, $0x501, v2;
	v1 =	vsel vm4, $0x200, v1;
	[tilespmem:s7], [sflag:$0x1] =	stream.linear.gather [hbm4b:s6+s2], $0x40, $0x38;
	[tilespmem:$0xC180] =	vst v63  }
0xf: {  	v5 =	vsel vm11, $0x1880, v5;
	v2 =	vsel vm2, $0x580, v2;
	v1 =	vsel vm5, $0x201, v1;
	_ =	swait.ge [sflag:s3], $0x40  }
0x10: {  	s11 =	sshll.u32 s1, $0xB;
	v5 =	vsel vm12, $0x1881, v5;
	v2 =	vsel vm3, $0x581, v2;
	v1 =	vsel vm6, $0x280, v1;
	[sflag:s3] =	ssyncset.done $0x0  }
0x11: {  	s9 =	sadd.s32 s5, s11;
	s5 =	simm.s32 $0x100;
	v5 =	vsel vm0, $0x1900, v5;
	v2 =	vsel vm4, $0x600, v2;
	v1 =	vsel vm8, $0x281, v1;
	[sflag:s3] =	ssyncadd.s32 $0xFFFFFFC0  }
0x12: {  	v5 =	vsel vm1, $0x1901, v5;
	v2 =	vsel vm5, $0x601, v2;
	v1 =	vsel vm7, $0x300, v1;
	[tilespmem:s5], [sflag:$0x1] =	stream.linear.gather [hbm4b:s9+s2], $0x4000, $0x38;
	[tilespmem:$0xC180] =	vst v63  }
0x13: {  	v10 =	vsel vm13, $0x301, v1;
	v1 =	vsel vm6, $0x680, v2;
	v2 =	vsel vm10, $0x801, v3;
	_ =	swait.ge [sflag:s3], $0x4000  }
0x14: {  	v6 =	vsel vm9, $0x1000, v6;
	v5 =	vsel vm2, $0x1980, v5;
	v2 =	vsel vm11, $0x880, v2;
	[sflag:s3] =	ssyncset.done $0x0  }
0x15: {  	v9 =	vsel vm9, $0xC00, v9;
	s10 =	sadd.s32 s8, s11;
	s8 =	simm.s32 $0x4100;
	v5 =	vsel vm3, $0x1981, v5;
	v2 =	vsel vm12, $0x881, v2;
	[sflag:s3] =	ssyncadd.s32 $0xFFFFC000  }
0x16: {  	v6 =	vsel vm10, $0x1001, v6;
	v5 =	vsel vm4, $0x1A00, v5;
	v4 =	vsel vm0, $0x900, v2;
	[tilespmem:s8], [sflag:$0x1] =	stream.linear.gather [hbm4b:s10+s2], $0x4000, $0x38;
	[tilespmem:$0xC180] =	vst v63  }
0x17: {  	s12 =	sshll.u32 s16, $0xA;
	v6 =	vsel vm11, $0x1080, v6;
	v5 =	vsel vm5, $0x1A01, v5;
	v4 =	vsel vm1, $0x901, v4;
	_ =	swait.ge [sflag:s3], $0x4000  }
0x18: {  	s11 =	sor.u32 s12, s11;
	v0 =	vshrl.u32 v13, $0x1;
	v5 =	vsel vm6, $0x1A80, v5;
	v4 =	vsel vm2, $0x980, v4;
	[sflag:s3] =	ssyncset.done $0x0  }
0x19: {  	s12 =	simm.s32 $0x8100;
	v6 =	vsel vm12, $0x1081, v6;
	s11 =	sadd.s32 s15, s11;
	v5 =	vsel vm8, $0x1A81, v5;
	v4 =	vsel vm3, $0x981, v4;
	[sflag:s3] =	ssyncadd.s32 $0xFFFFC000  }
0x1a: {  	v5 =	vsel vm7, $0x1B00, v5;
	v3 =	vsel vm8, $0x681, v1;
	v4 =	vsel vm4, $0xA00, v4;
	[tilespmem:s12], [sflag:$0x1] =	stream.linear.gather [hbm4b:s11+s2], $0x2000, $0x38;
	[tilespmem:$0xC180] =	vst v63  }
0x1b: {  	v5 =	vsel vm13, $0x1B01, v5;
	v3 =	vsel vm7, $0x700, v3;
	v4 =	vsel vm5, $0xA01, v4;
	_ =	swait.ge [sflag:s3], $0x2000  }
0x1c: {  	v5 =	vsel vm14, $0x1B80, v5;
	v3 =	vsel vm13, $0x701, v3;
	v4 =	vsel vm6, $0xA80, v4;
	[sflag:s3] =	ssyncset.done $0x0  }
0x1d: {  	s14 =	simm.s32 $0xA100;
	s13 =	sadd.s32 $0x8000, s11;
	v2 =	vsel vm14, $0x780, v3;
	v3 =	vor.u32 $0x10, v0;
	v4 =	vsel vm8, $0xA81, v4;
	[sflag:s3] =	ssyncadd.s32 $0xFFFFE000  }
0x1e: {  	v8 =	vsel vm7, $0xB00, v4;
	v4 =	vsel vm0, $0x1100, v6;
	v6 =	vimm.s32 $0x1781;
	[tilespmem:s14], [sflag:$0x1] =	stream.linear.gather [hbm4b:s13+s2], $0x2000, $0x38;
	[tilespmem:$0xC180] =	vst v63  }
0x1f: {  	v9 =	vsel vm10, $0xC01, v9;
	v1 =	vor.u32 $0x8, v0;
	v6 =	vsel vm9, $0x1400, v6;
	_ =	swait.ge [sflag:s3], $0x2000  }
0x20: {  	v12 =	vimm.s32 $0x1F81;
	v9 =	vsel vm11, $0xC80, v9;
	v6 =	vsel vm10, $0x1401, v6;
	[sflag:s3] =	ssyncset.done $0x0  }
0x21: {  	v12 =	vsel vm9, $0x1C00, v12;
	v9 =	vsel vm12, $0xC81, v9;
	v6 =	vsel vm11, $0x1480, v6;
	[sflag:s3] =	ssyncadd.s32 $0xFFFFE000  }
0x22: {  	v13 =	vand.u32 $0x1, v13;
	v9 =	vsel vm0, $0xD00, v9;
	v6 =	vsel vm12, $0x1481, v6;
	v20 =	vld.idx.msk [tilespmem:v3+s7+$0x0], $0xffff  }
0x23: {  	v13 =	vmul.u32 $0x2000, v13;
	v4 =	vsel vm1, $0x1101, v4;
	v21 =	vld.idx.msk [tilespmem:v5+s12+$0x0], $0xffff;
	v6 =	vsel vm0, $0x1500, v6  }
0x24: {  	v9 =	vsel vm1, $0xD01, v9;
	v4 =	vsel vm2, $0x1180, v4;
	v18 =	vld.idx.msk [tilespmem:v1+s7+$0x0], $0xffff;
	v6 =	vsel vm1, $0x1501, v6  }
0x25: {  	v10 =	vsel vm14, $0x380, v10;
	v4 =	vsel vm3, $0x1181, v4;
	v19 =	vld.idx.msk [tilespmem:v0+s7+$0x0], $0xffff;
	v6 =	vsel vm2, $0x1580, v6  }
0x26: {  	v14 =	vsel vm2, $0xD80, v9;
	v4 =	vsel vm4, $0x1200, v4;
	v28 =	vld.idx.msk [tilespmem:v3+s2+$0x0], $0xffff;
	v11 =	vsel vm3, $0x1581, v6  }
0x27: {  	v8 =	vsel vm13, $0xB01, v8;
	v23 =	vld.idx.msk [tilespmem:v2+s12+$0x0], $0xffff;
	v7 =	vsel vm5, $0x1201, v4;
	v11 =	vsel vm4, $0x1600, v11  }
0x28: {  	v8 =	vsel vm14, $0xB80, v8;
	v30 =	vld.idx.msk [tilespmem:v0+s2+$0x0], $0xffff;
	v7 =	vsel vm6, $0x1280, v7;
	v11 =	vsel vm5, $0x1601, v11  }
0x29: {  	v26 =	vld.idx.msk [tilespmem:v2+s14+$0x0], $0xffff;
	v4 =	vor.u32 $0x28, v0;
	v7 =	vsel vm8, $0x1281, v7;
	v11 =	vsel vm6, $0x1680, v11  }
0x2a: {  	v32 =	vld.idx.msk [tilespmem:v10+s14+$0x0], $0xffff;
	v7 =	vsel vm7, $0x1300, v7;
	v6 =	vor.u32 $0x20, v0;
	v11 =	vsel vm8, $0x1681, v11  }
0x2b: {  	v34 =	vld.idx.msk [tilespmem:v1+s2+$0x0], $0xffff;
	v7 =	vsel vm13, $0x1301, v7;
	v55 =	vand.u32 $0x3F, v28;
	v11 =	vsel vm7, $0x1700, v11  }
0x2c: {  	v33 =	vld.idx.msk [tilespmem:v10+s12+$0x0], $0xffff;
	v23 =	vmul.f32 v23, v18;
	v39 =	vadd.f32 $0.0e+00, v19;
	v11 =	vsel vm13, $0x1701, v11  }
0x2d: {  	v52 =	vld.idx.msk [tilespmem:v5+s14+$0x0], $0xffff;
	v46 =	vshll.u32 v30, $0x1;
	v9 =	vsel vm14, $0x1780, v11;
	v11 =	vsel vm10, $0x1C01, v12  }
0x2e: {  	v31 =	vld.idx.msk [tilespmem:v8+s14+$0x0], $0xffff;
	v7 =	vsel vm14, $0x1380, v7;
	v12 =	vsel vm3, $0xD81, v14;
	v11 =	vsel vm11, $0x1C80, v11  }
0x2f: {  	v30 =	vand.u32 $0x3F, v30;
	v25 =	vld.idx.msk [tilespmem:v4+s2+$0x0], $0xffff;
	v12 =	vsel vm4, $0xE00, v12;
	v11 =	vsel vm12, $0x1C81, v11  }
0x30: {  	v57 =	vand.u32 $0x3F, v34;
	v24 =	vld.idx.msk [tilespmem:v6+s2+$0x0], $0xffff;
	v12 =	vsel vm5, $0xE01, v12;
	v14 =	vsel vm0, $0x1D00, v11  }
0x31: {  	v43 =	vld.idx.msk [tilespmem:v4+s7+$0x0], $0xffff;
	v11 =	vor.u32 $0x18, v0;
	v12 =	vsel vm6, $0xE80, v12;
	v14 =	vsel vm1, $0x1D01, v14  }
0x32: {  	v56 =	vadd.f32 v18, v39;
	v17 =	vld.idx.msk [tilespmem:v6+s7+$0x0], $0xffff;
	v12 =	vsel vm8, $0xE81, v12;
	v14 =	vsel vm2, $0x1D80, v14  }
0x33: {  	v58 =	vand.u32 $0xFFFFFF80, v46;
	v22 =	vld.idx.msk [tilespmem:v7+s12+$0x0], $0xffff;
	v12 =	vsel vm7, $0xF00, v12;
	v14 =	vsel vm3, $0x1D81, v14  }
0x34: {  	v62 =	vadd.f32 v20, v56;
	v45 =	vld.idx.msk [tilespmem:v7+s14+$0x0], $0xffff;
	v12 =	vsel vm13, $0xF01, v12;
	v14 =	vsel vm4, $0x1E00, v14  }
0x35: {  	v35 =	vshll.u32 v24, $0x1;
	v27 =	vld.idx.msk [tilespmem:v9+s12+$0x0], $0xffff;
	v12 =	vsel vm14, $0xF80, v12;
	v14 =	vsel vm5, $0x1E01, v14  }
0x36: {  	v24 =	vand.u32 $0x3F, v24;
	v35 =	vand.u32 $0xFFFFFF80, v35;
	v29 =	vld.idx.msk [tilespmem:v11+s2+$0x0], $0xffff;
	v14 =	vsel vm6, $0x1E80, v14  }
0x37: {  	v36 =	vld.idx.msk [tilespmem:v9+s14+$0x0], $0xffff;
	v40 =	vor.u32 v24, v35;
	v15 =	vsel vm8, $0x1E81, v14;
	v14 =	vor.u32 $0x30, v0  }
0x38: {  	v24 =	vshll.u32 v28, $0x1;
	v28 =	vld.idx.msk [tilespmem:v8+s12+$0x0], $0xffff;
	v16 =	vsel vm7, $0x1F00, v15;
	v15 =	vor.u32 $0x38, v0  }
0x39: {  	v42 =	vshll.u32 v25, $0x1;
	v25 =	vand.u32 $0x3F, v25;
	v38 =	vand.u32 $0xFFFFFF80, v24;
	v24 =	vld.idx.msk [tilespmem:v11+s7+$0x0], $0xffff  }
0x3a: {  	v42 =	vand.u32 $0xFFFFFF80, v42;
	v22 =	vmul.f32 v22, v17;
	v16 =	vsel vm13, $0x1F01, v16;
	v37 =	vld.idx.msk [tilespmem:v12+s14+$0x0], $0xffff  }
0x3b: {  	v49 =	vld.idx.msk [tilespmem:v12+s12+$0x0], $0xffff;
	v16 =	vsel vm14, $0x1F80, v16;
	v41 =	vand.u32 $0x3F, v29;
	v29 =	vshll.u32 v29, $0x1  }
0x3c: {  	v44 =	vand.u32 $0xFFFFFF80, v29;
	v29 =	vmul.f32 v26, v18;
	v26 =	vor.u32 v25, v42;
	v25 =	vld.idx.msk [tilespmem:v14+s7+$0x0], $0xffff  }
0x3d: {  	v35 =	vor.u32 v30, v58;
	v48 =	vadd.s32 v13, v26;
	v26 =	vor.u32 v55, v38;
	v47 =	vld.idx.msk [tilespmem:v15+s2+$0x0], $0xffff  }
0x3e: {  	v28 =	vmul.f32 v28, v20;
	v46 =	vadd.s32 v13, v26;
	v26 =	vshll.u32 v34, $0x1;
	v34 =	vld.idx.msk [tilespmem:v14+s2+$0x0], $0xffff  }
0x3f: {  	v51 =	vmul.f32 v27, v43;
	v38 =	vadd.s32 v13, v35;
	v59 =	vand.u32 $0xFFFFFF80, v26;
	v26 =	vld.idx.msk [tilespmem:v15+s7+$0x0], $0xffff  }
0x40: {  	v35 =	vmul.f32 v31, v20;
	v31 =	vor.u32 v41, v44;
	v50 =	vld.idx.msk [tilespmem:v16+s12+$0x0], $0xffff;
	v60 =	vor.u32 v57, v59  }
0x41: {  	v27 =	vmul.f32 v33, v19;
	v42 =	vadd.s32 v13, v31;
	v54 =	vld.idx.msk [tilespmem:v16+s14+$0x0], $0xffff;
	v39 =	vadd.s32 v13, v60  }
0x42: {  	s17 =	ssub.s32 $0x2, s16;
	v30 =	vmul.f32 v37, v24;
	v37 =	vmul.f32 v32, v19;
	v53 =	vld.idx.msk [tilespmem:v48+s5+$0x0], $0xffff;
	v61 =	vshll.u32 v47, $0x1  }
0x43: {  	s18 =	sshrl.u32 s17, $0x1;
	v32 =	vadd.f32 v24, v62;
	v63 =	vld.idx.msk [tilespmem:v48+s8+$0x0], $0xffff;
	v60 =	vand.u32 $0x3F, v47;
	v33 =	vand.u32 $0xFFFFFF80, v61  }
0x44: {  	s17 =	ssub.s32 s17, s18;
	v36 =	vmul.f32 v36, v43;
	v41 =	vadd.s32 v13, v40;
	v55 =	vld.idx.msk [tilespmem:v46+s5+$0x0], $0xffff;
	v47 =	vor.u32 v60, v33  }
0x45: {  	s17 =	smax.u32 s17, $0x1;
	v31 =	vmul.f32 v49, v24;
	v58 =	vadd.f32 v17, v32;
	v61 =	vld.idx.msk [tilespmem:v38+s8+$0x0], $0xffff;
	v56 =	vadd.s32 v13, v47  }
0x46: {  	p0 =	sne.s32 s17, $0x1;
	v32 =	vmul.f32 v52, v25;
	v62 =	vand.u32 $0x3F, v34;
	v34 =	vshll.u32 v34, $0x1;
	v57 =	vld.idx.msk [tilespmem:v39+s8+$0x0], $0xffff  }
.Ltmp0:
0x47: {  	v48 =	vld.idx.msk [tilespmem:v46+s8+$0x0], $0xffff;
	v58 =	vadd.f32 v43, v58;
	v34 =	vand.u32 $0xFFFFFF80, v34;
	v33 =	vmul.f32 v45, v17;
	(pc) =	sbr.rel @!p0 .LBB2_2-.Ltmp0, $4  }
0x48: {  	s16 =	sshll.u32 s16, $0x4;
	v49 =	vld.idx.msk [tilespmem:v42+s8+$0x0], $0xffff;
	v40 =	vor.u32 v62, v34;
	v34 =	vmul.f32 v50, v26;
	v63 =	vmul.f32 v63, v43  }
0x49: {  	s31 =	sshll.u32 s1, $0x5;
	s15 =	sadd.s32 s16, s15;
	v45 =	vadd.f32 v25, v58;
	v47 =	vld.idx.msk [tilespmem:v41+s8+$0x0], $0xffff;
	v44 =	vadd.s32 v13, v40;
	v53 =	vmul.f32 v53, v43  }
0x4a: {  	s15 =	sadd.s32 s31, s15;
	v43 =	vmul.f32 v54, v26;
	v40 =	vsub.f32 v63, v36;
	v52 =	vmul.f32 v61, v19;
	v50 =	vld.idx.msk [tilespmem:v56+s8+$0x0], $0xffff  }
0x4b: {  	s16 =	simm.s32 $0xC100;
	s15 =	sadd.s32 $0x10000, s15;
	s17 =	sadd.s32 $0xFFFFFFFF, s17;
	v36 =	vsub.f32 v53, v51;
	v51 =	vmul.f32 v55, v20;
	v53 =	vmul.f32 v57, v18;
	v46 =	vld.idx.msk [tilespmem:v56+s5+$0x0], $0xffff  }
.LBB2_1:
0x4c: {  	p0 =	sne.s32 s17, $0x1;
	s17 =	sadd.s32 $0xFFFFFFFF, s17;
	v38 =	vld.idx.msk [tilespmem:v38+s5+$0x0], $0xffff;
	v37 =	vsub.f32 v52, v37;
	v20 =	vmul.f32 v48, v20;
	v21 =	vmul.f32 v21, v25  }
0x4d: {  	v48 =	vmul.f32 v49, v24;
	v45 =	vadd.f32 v26, v45;
	v39 =	vld.idx.msk [tilespmem:v39+s5+$0x0], $0xffff;
	v29 =	vsub.f32 v53, v29  }
0x4e: {  	v37 =	vmul.f32 v37, v37;
	v20 =	vsub.f32 v20, v35;
	v35 =	vld.idx.msk [tilespmem:v42+s5+$0x0], $0xffff;
	v42 =	vmul.f32 v47, v17  }
0x4f: {  	v28 =	vsub.f32 v51, v28;
	v49 =	vmul.f32 v50, v26;
	v29 =	vmul.f32 v29, v29;
	v47 =	vld.idx.msk [tilespmem:v44+s8+$0x0], $0xffff  }
0x50: {  	v30 =	vsub.f32 v48, v30;
	v20 =	vmul.f32 v20, v20;
	v41 =	vld.idx.msk [tilespmem:v41+s5+$0x0], $0xffff;
	v33 =	vsub.f32 v42, v33  }
0x51: {  	v26 =	vmul.f32 v46, v26;
	v42 =	vsub.f32 v49, v43;
	v29 =	vadd.f32 v29, v37;
	v37 =	vld.idx.msk [tilespmem:v44+s5+$0x0], $0xffff  }
0x52: {  	v19 =	vmul.f32 v38, v19;
	v33 =	vmul.f32 v33, v33;
	[tilespmem:$0xC120] =	vst v45  }
0x53: {  	v18 =	vmul.f32 v39, v18;
	v20 =	vadd.f32 v20, v29;
	v29 =	vmul.f32 v42, v42  }
0x54: {  	v30 =	vmul.f32 v30, v30;
	v38 =	vmul.f32 v40, v40;
	v26 =	vsub.f32 v26, v34  }
0x55: {  	v19 =	vsub.f32 v19, v27;
	v18 =	vsub.f32 v18, v23;
	v23 =	vmul.f32 v47, v25  }
0x56: {  	v24 =	vmul.f32 v35, v24;
	v26 =	vmul.f32 v26, v26;
	v20 =	vadd.f32 v30, v20  }
0x57: {  	v18 =	vmul.f32 v18, v18;
	v25 =	vmul.f32 v37, v25  }
0x58: {  	v17 =	vmul.f32 v41, v17;
	v23 =	vsub.f32 v23, v32;
	v20 =	vadd.f32 v33, v20  }
0x59: {  	v27 =	vmul.f32 v28, v28;
	v19 =	vmul.f32 v19, v19;
	v21 =	vsub.f32 v25, v21  }
0x5a: {  	v24 =	vsub.f32 v24, v31;
	v23 =	vmul.f32 v23, v23;
	v20 =	vadd.f32 v38, v20  }
0x5b: {  	v17 =	vsub.f32 v17, v22;
	v18 =	vadd.f32 v18, v19;
	v19 =	vmul.f32 v36, v36  }
0x5c: {  	v22 =	vmul.f32 v24, v24;
	v21 =	vmul.f32 v21, v21;
	v20 =	vadd.f32 v23, v20  }
0x5d: {  	v18 =	vadd.f32 v27, v18  }
0x5e: {  	v20 =	vadd.f32 v29, v20  }
0x5f: {  	v17 =	vmul.f32 v17, v17;
	v18 =	vadd.f32 v22, v18  }
0x60: {  	[tilespmem:$0xC110] =	vst v20  }
0x61: {  	v17 =	vadd.f32 v17, v18;
	_ =	sdelay $0x1  }
0x62: {  	v17 =	vadd.f32 v19, v17;
	_ =	sdelay $0x1  }
0x63: {  	v17 =	vadd.f32 v21, v17;
	_ =	sdelay $0x1  }
0x64: {  	v17 =	vadd.f32 v26, v17;
	_ =	sdelay $0x1  }
0x65: {  	[tilespmem:$0xC100] =	vst v17  }
0x66: {  	[hbm4b:s15+s2] =	stream.linear.scatter [tilespmem:s16], [sflag:$0x1], $0x80, $0x38;
	[tilespmem:$0xC180] =	vst v63  }
0x67: {  	_ =	swait.ge [sflag:s3], $0x80  }
0x68: {  	[sflag:s3] =	ssyncset.done $0x0  }
0x69: {  	[sflag:s3] =	ssyncadd.s32 $0xFFFFFF80  }
0x6a: {  	[tilespmem:s2], [sflag:$0x1] =	stream.linear.gather [hbm4b:s4+s2], $0x40, $0x38;
	[tilespmem:$0xC180] =	vst v63  }
0x6b: {  	_ =	swait.ge [sflag:s3], $0x40  }
0x6c: {  	[sflag:s3] =	ssyncset.done $0x0  }
0x6d: {  	[sflag:s3] =	ssyncadd.s32 $0xFFFFFFC0  }
0x6e: {  	[tilespmem:s7], [sflag:$0x1] =	stream.linear.gather [hbm4b:s6+s2], $0x40, $0x38;
	[tilespmem:$0xC180] =	vst v63  }
0x6f: {  	_ =	swait.ge [sflag:s3], $0x40  }
0x70: {  	[sflag:s3] =	ssyncset.done $0x0  }
0x71: {  	[sflag:s3] =	ssyncadd.s32 $0xFFFFFFC0  }
0x72: {  	[tilespmem:s5], [sflag:$0x1] =	stream.linear.gather [hbm4b:s9+s2], $0x4000, $0x38;
	[tilespmem:$0xC180] =	vst v63  }
0x73: {  	_ =	swait.ge [sflag:s3], $0x4000  }
0x74: {  	[sflag:s3] =	ssyncset.done $0x0  }
0x75: {  	[sflag:s3] =	ssyncadd.s32 $0xFFFFC000  }
0x76: {  	[tilespmem:s8], [sflag:$0x1] =	stream.linear.gather [hbm4b:s10+s2], $0x4000, $0x38;
	[tilespmem:$0xC180] =	vst v63  }
0x77: {  	_ =	swait.ge [sflag:s3], $0x4000  }
0x78: {  	[sflag:s3] =	ssyncset.done $0x0  }
0x79: {  	[sflag:s3] =	ssyncadd.s32 $0xFFFFC000  }
0x7a: {  	[tilespmem:s12], [sflag:$0x1] =	stream.linear.gather [hbm4b:s11+s2], $0x2000, $0x38;
	[tilespmem:$0xC180] =	vst v63  }
0x7b: {  	_ =	swait.ge [sflag:s3], $0x2000  }
0x7c: {  	[sflag:s3] =	ssyncset.done $0x0  }
0x7d: {  	[sflag:s3] =	ssyncadd.s32 $0xFFFFE000  }
0x7e: {  	[tilespmem:s14], [sflag:$0x1] =	stream.linear.gather [hbm4b:s13+s2], $0x2000, $0x38;
	[tilespmem:$0xC180] =	vst v63  }
0x7f: {  	_ =	swait.ge [sflag:s3], $0x2000  }
0x80: {  	[sflag:s3] =	ssyncset.done $0x0  }
0x81: {  	[sflag:s3] =	ssyncadd.s32 $0xFFFFE000  }
0x82: {  	v20 =	vld.idx.msk [tilespmem:v3+s7+$0x0], $0xffff  }
0x83: {  	v25 =	vld.idx.msk [tilespmem:v4+s2+$0x0], $0xffff  }
0x84: {  	v21 =	vld.idx.msk [tilespmem:v5+s12+$0x0], $0xffff  }
0x85: {  	v18 =	vld.idx.msk [tilespmem:v1+s7+$0x0], $0xffff  }
0x86: {  	v19 =	vld.idx.msk [tilespmem:v0+s7+$0x0], $0xffff  }
0x87: {  	v17 =	vld.idx.msk [tilespmem:v6+s7+$0x0], $0xffff  }
0x88: {  	v22 =	vld.idx.msk [tilespmem:v7+s12+$0x0], $0xffff  }
0x89: {  	v23 =	vld.idx.msk [tilespmem:v2+s12+$0x0], $0xffff  }
0x8a: {  	v26 =	vld.idx.msk [tilespmem:v2+s14+$0x0], $0xffff  }
0x8b: {  	v31 =	vld.idx.msk [tilespmem:v8+s14+$0x0], $0xffff  }
0x8c: {  	v24 =	vld.idx.msk [tilespmem:v6+s2+$0x0], $0xffff  }
0x8d: {  	v27 =	vld.idx.msk [tilespmem:v9+s12+$0x0], $0xffff  }
0x8e: {  	v32 =	vld.idx.msk [tilespmem:v10+s14+$0x0], $0xffff  }
0x8f: {  	v33 =	vld.idx.msk [tilespmem:v10+s12+$0x0], $0xffff  }
0x90: {  	v28 =	vld.idx.msk [tilespmem:v3+s2+$0x0], $0xffff  }
0x91: {  	v29 =	vld.idx.msk [tilespmem:v11+s2+$0x0], $0xffff  }
0x92: {  	v34 =	vshll.u32 v24, $0x1;
	v30 =	vld.idx.msk [tilespmem:v0+s2+$0x0], $0xffff  }
0x93: {  	v24 =	vand.u32 $0x3F, v24;
	v34 =	vand.u32 $0xFFFFFF80, v34;
	v35 =	vld.idx.msk [tilespmem:v1+s2+$0x0], $0xffff  }
0x94: {  	v34 =	vor.u32 v24, v34;
	v36 =	vld.idx.msk [tilespmem:v9+s14+$0x0], $0xffff  }
0x95: {  	v37 =	vld.idx.msk [tilespmem:v12+s14+$0x0], $0xffff  }
0x96: {  	v22 =	vmul.f32 v22, v17;
	v38 =	vand.u32 $0x3F, v28;
	v24 =	vshll.u32 v28, $0x1;
	v28 =	vld.idx.msk [tilespmem:v8+s12+$0x0], $0xffff  }
0x97: {  	v23 =	vmul.f32 v23, v18;
	v39 =	vand.u32 $0xFFFFFF80, v24;
	v40 =	vand.u32 $0x3F, v29;
	v43 =	vld.idx.msk [tilespmem:v4+s7+$0x0], $0xffff  }
0x98: {  	v42 =	vshll.u32 v25, $0x1;
	v41 =	vadd.f32 $0.0e+00, v19;
	v29 =	vshll.u32 v29, $0x1;
	v24 =	vld.idx.msk [tilespmem:v11+s7+$0x0], $0xffff  }
0x99: {  	v25 =	vand.u32 $0x3F, v25;
	v42 =	vand.u32 $0xFFFFFF80, v42;
	v44 =	vand.u32 $0xFFFFFF80, v29;
	v45 =	vld.idx.msk [tilespmem:v7+s14+$0x0], $0xffff  }
0x9a: {  	v25 =	vor.u32 v25, v42;
	v46 =	vshll.u32 v30, $0x1;
	v29 =	vmul.f32 v26, v18;
	v42 =	vld.idx.msk [tilespmem:v15+s2+$0x0], $0xffff  }
0x9b: {  	v47 =	vadd.s32 v13, v25;
	v41 =	vadd.f32 v18, v41;
	v26 =	vand.u32 $0x3F, v30  }
0x9c: {  	v30 =	vor.u32 v38, v39;
	v48 =	vand.u32 $0x3F, v35;
	v28 =	vmul.f32 v28, v20;
	v25 =	vld.idx.msk [tilespmem:v14+s7+$0x0], $0xffff  }
0x9d: {  	v38 =	vand.u32 $0xFFFFFF80, v46;
	v46 =	vadd.s32 v13, v30;
	v51 =	vmul.f32 v27, v43;
	v50 =	vld.idx.msk [tilespmem:v16+s12+$0x0], $0xffff  }
0x9e: {  	v38 =	vor.u32 v26, v38;
	v26 =	vshll.u32 v35, $0x1;
	v30 =	vmul.f32 v37, v24;
	v49 =	vld.idx.msk [tilespmem:v12+s12+$0x0], $0xffff  }
0x9f: {  	v26 =	vand.u32 $0xFFFFFF80, v26;
	v27 =	vmul.f32 v33, v19;
	v37 =	vmul.f32 v32, v19;
	v32 =	vld.idx.msk [tilespmem:v14+s2+$0x0], $0xffff  }
0xa0: {  	v33 =	vor.u32 v48, v26;
	v36 =	vmul.f32 v36, v43;
	v48 =	vshll.u32 v42, $0x1;
	v26 =	vld.idx.msk [tilespmem:v15+s7+$0x0], $0xffff  }
0xa1: {  	v35 =	vmul.f32 v31, v20;
	v38 =	vadd.s32 v13, v38;
	v31 =	vand.u32 $0x3F, v42;
	v52 =	vld.idx.msk [tilespmem:v5+s14+$0x0], $0xffff  }
0xa2: {  	v40 =	vor.u32 v40, v44;
	v39 =	vadd.s32 v13, v33;
	v42 =	vand.u32 $0xFFFFFF80, v48;
	v44 =	vld.idx.msk [tilespmem:v47+s5+$0x0], $0xffff  }
0xa3: {  	v41 =	vadd.f32 v20, v41;
	v33 =	vmul.f32 v45, v17;
	v45 =	vld.idx.msk [tilespmem:v47+s8+$0x0], $0xffff;
	v47 =	vor.u32 v31, v42  }
0xa4: {  	v42 =	vadd.s32 v13, v40;
	v31 =	vmul.f32 v49, v24;
	v53 =	vld.idx.msk [tilespmem:v16+s14+$0x0], $0xffff  }
0xa5: {  	v40 =	vadd.f32 v24, v41;
	v41 =	vadd.s32 v13, v34;
	v55 =	vadd.s32 v13, v47;
	v54 =	vld.idx.msk [tilespmem:v46+s5+$0x0], $0xffff  }
0xa6: {  	v34 =	vand.u32 $0x3F, v32;
	v32 =	vshll.u32 v32, $0x1;
	v56 =	vld.idx.msk [tilespmem:v38+s8+$0x0], $0xffff  }
0xa7: {  	v40 =	vadd.f32 v17, v40;
	v47 =	vand.u32 $0xFFFFFF80, v32;
	v32 =	vmul.f32 v52, v25;
	v57 =	vld.idx.msk [tilespmem:v39+s8+$0x0], $0xffff  }
0xa8: {  	v48 =	vld.idx.msk [tilespmem:v46+s8+$0x0], $0xffff;
	v46 =	vmul.f32 v44, v43;
	v44 =	vor.u32 v34, v47  }
.Ltmp1:
0xa9: {  	v45 =	vmul.f32 v45, v43;
	v34 =	vmul.f32 v50, v26;
	v49 =	vld.idx.msk [tilespmem:v42+s8+$0x0], $0xffff;
	(pc) =	sbr.rel @p0 .LBB2_1-.Ltmp1, $4  }
0xaa: {  	v58 =	vadd.f32 v43, v40;
	v44 =	vadd.s32 v13, v44;
	v47 =	vld.idx.msk [tilespmem:v41+s8+$0x0], $0xffff  }
0xab: {  	v43 =	vmul.f32 v53, v26;
	v40 =	vsub.f32 v45, v36;
	v50 =	vld.idx.msk [tilespmem:v55+s8+$0x0], $0xffff  }
0xac: {  	v36 =	vsub.f32 v46, v51;
	v45 =	vadd.f32 v25, v58;
	v52 =	vmul.f32 v56, v19  }
0xad: {  	v51 =	vmul.f32 v54, v20;
	v53 =	vmul.f32 v57, v18;
	v46 =	vld.idx.msk [tilespmem:v55+s5+$0x0], $0xffff  }
.LBB2_2:
0xae: {  	_ =	sdelay $0x3  }
0xaf: {  	v0 =	vld.idx.msk [tilespmem:v38+s5+$0x0], $0xffff  }
0xb0: {  	v1 =	vld.idx.msk [tilespmem:v39+s5+$0x0], $0xffff;
	_ =	sdelay $0x2  }
0xb1: {  	v3 =	vmul.f32 v48, v20;
	v4 =	vmul.f32 v21, v25;
	v5 =	vld.idx.msk [tilespmem:v42+s5+$0x0], $0xffff  }
0xb2: {  	v2 =	vsub.f32 v52, v37;
	v57 =	vmul.f32 v40, v40;
	v7 =	vmul.f32 v49, v24  }
0xb3: {  	v6 =	vsub.f32 v53, v29;
	v0 =	vmul.f32 v0, v19;
	v1 =	vmul.f32 v1, v18  }
0xb4: {  	v8 =	vld.idx.msk [tilespmem:v41+s5+$0x0], $0xffff;
	v11 =	vsub.f32 v51, v28;
	v59 =	vmul.f32 v36, v36;
	v2 =	vmul.f32 v2, v2  }
0xb5: {  	v9 =	vmul.f32 v47, v17;
	v0 =	vsub.f32 v0, v27;
	v1 =	vsub.f32 v1, v23  }
0xb6: {  	v3 =	vsub.f32 v3, v35;
	v6 =	vmul.f32 v6, v6;
	v5 =	vmul.f32 v5, v24  }
0xb7: {  	v12 =	vld.idx.msk [tilespmem:v44+s8+$0x0], $0xffff;
	v7 =	vsub.f32 v7, v30;
	v1 =	vmul.f32 v1, v1;
	v0 =	vmul.f32 v0, v0  }
0xb8: {  	v49 =	vld.idx.msk [tilespmem:v44+s5+$0x0], $0xffff;
	v11 =	vmul.f32 v11, v11;
	v3 =	vmul.f32 v3, v3;
	v2 =	vadd.f32 v6, v2  }
0xb9: {  	v8 =	vmul.f32 v8, v17;
	v5 =	vsub.f32 v5, v31;
	v0 =	vadd.f32 v1, v0  }
0xba: {  	v9 =	vsub.f32 v9, v33;
	v51 =	vmul.f32 v7, v7;
	v2 =	vadd.f32 v3, v2  }
0xbb: {  	v52 =	vsub.f32 v8, v22;
	v5 =	vmul.f32 v5, v5;
	v0 =	vadd.f32 v11, v0  }
0xbc: {  	v54 =	vmul.f32 v12, v25;
	v53 =	vmul.f32 v9, v9;
	v2 =	vadd.f32 v51, v2  }
0xbd: {  	v55 =	vmul.f32 v49, v25;
	v56 =	vmul.f32 v52, v52;
	v0 =	vadd.f32 v5, v0  }
0xbe: {  	v10 =	vmul.f32 v50, v26;
	v58 =	vsub.f32 v54, v32;
	v2 =	vadd.f32 v53, v2  }
0xbf: {  	v50 =	vmul.f32 v46, v26;
	v3 =	vsub.f32 v55, v4;
	v0 =	vadd.f32 v56, v0  }
0xc0: {  	v60 =	vsub.f32 v10, v43;
	v61 =	vmul.f32 v58, v58;
	v2 =	vadd.f32 v57, v2  }
0xc1: {  	v3 =	vmul.f32 v3, v3;
	v1 =	vsub.f32 v50, v34;
	v0 =	vadd.f32 v59, v0  }
0xc2: {  	v62 =	vmul.f32 v60, v60;
	v2 =	vadd.f32 v61, v2  }
0xc3: {  	v63 =	vadd.f32 v26, v45;
	v1 =	vmul.f32 v1, v1;
	v0 =	vadd.f32 v3, v0  }
0xc4: {  	v2 =	vadd.f32 v62, v2  }
0xc5: {  	[tilespmem:$0xC120] =	vst v63;
	v0 =	vadd.f32 v1, v0  }
0xc6: {  	[tilespmem:$0xC110] =	vst v2  }
0xc7: {  	[tilespmem:$0xC100] =	vst v0  }
0xc8: {  	[hbm4b:s15+s2] =	stream.linear.scatter [tilespmem:s16], [sflag:$0x1], $0x80, $0x38;
	[tilespmem:$0xC180] =	vst v63  }
0xc9: {  	_ =	swait.ge [sflag:s3], $0x80  }
0xca: {  	[sflag:s3] =	ssyncset.done $0x0  }
0xcb: {  	[sflag:s3] =	ssyncadd.s32 $0xFFFFFF80  }
0xcc: {  	_ =	sfence.sel $0x180000  }
0xcd: {  	[bflag:$0x0] =	sbarrier.arrive $0xFFFF  }
0xce: {  	p0 =	sne.s32 s1, $0x0;
	_ =	strace $0x90000047  }
0xcf: {  	s0 =	sadd.s32 @!p0 $0x100000, s0;
	[bflag:$0x2] =	sbarrier.arrive $0xFFFF  }
0xd0: {  	[sflag:s0] =	ssyncadd.tile.s32 @!p0 $0x1;
	_ =	shalt  }
.Lfunc_end2:
_tile_overlayer_lowered:
.L_overlay_start_2:
0xd1: {  	(tag) =	ssettag $0x2  }
0xd2: {  	s0 =	rddreg [dreg:$0x0];
	s2 =	stileid.u32  }
0xd3: {  	s1 =	rddreg [dreg:$0x1];
	p0 =	sne.s32 s2, $0x0  }
0xd4: {  	s3 =	rddreg [dreg:$0x2];
	[bflag:$0x3] =	sbarrier.arrive $0xFFFF;
	s2 =	simm.s32 @!p0 $0x1C01  }
0xd5: {  	[timem:s3], [sflag:s2] =	dma.local @!p0 [hbm:s0], s1  }
0xd6: {  	s0 =	simm.s32 @!p0 $0x1  }
0xd7: {  	_ =	swait.ge @!p0 [sflag:s0], s1  }
0xd8: {  	s1 =	ssub.s32 @!p0 $0x0, s1;
	[sflag:s0] =	ssyncset.done @!p0 $0x0  }
0xd9: {  	[sflag:s0] =	ssyncadd.s32 @!p0 s1  }
0xda: {  	[bflag:$0x3] =	sbarrier.arrive $0xFFFF  }
0xdb: {  	_ =	shalt  }

</sc_bundles>
